<compile_context>
chip_gen: v7x
topology: tpu7x:2x2x1
jax: 0.10.2.dev20260603
libtpu: 0.0.44.dev20260713+nightly
codegen_flags: <defaults>
</compile_context>

<pallas_src>
import functools

import jax
import jax.numpy as jnp
from jax import lax
from jax.experimental import pallas as pl
from jax.experimental.pallas import tpu as pltpu
from jax.experimental.pallas import tpu_sc as plsc

NUM_PARTITIONS = 8
P = NUM_PARTITIONS
NW = 32
CX = 32
NCHK = 4
ZR = 32


def _sc_body(Tw, K, D, x_hbm, rows_hbm, out_hbm,
             xbuf, idxv, zbuf, zs0, zs1, zs2, zs3, xs0, xs1, ss0, ss1):
    zsems = [zs0, zs1, zs2, zs3]
    xsems = [xs0, xs1]
    ssems = [ss0, ss1]
    wid = lax.axis_index("s") * 2 + lax.axis_index("c")
    tbase = wid * Tw
    NV = D // 16
    NZ = (CX * P) // ZR

    def zrow(r, carry):
        for v in range(NV):
            zbuf[r, pl.ds(v * 16, 16)] = jnp.zeros((16,), jnp.float32)
        return carry
    lax.fori_loop(0, ZR, zrow, 0)

    for k in range(K):
        pltpu.sync_copy(rows_hbm.at[k, wid], idxv.at[k])

    def zero_chunk(ci, do_start):
        base = (tbase + ci * CX) * P
        for j in range(NZ):
            cp = pltpu.make_async_copy(
                zbuf, out_hbm.at[pl.ds(base + j * ZR, ZR)], zsems[ci])
            if do_start:
                cp.start()
            else:
                cp.wait()

    def copy_x(ci, do_start):
        cp = pltpu.make_async_copy(
            x_hbm.at[pl.ds(tbase + ci * CX, CX)],
            xbuf.at[ci % 2], xsems[ci % 2])
        if do_start:
            cp.start()
        else:
            cp.wait()

    def scatter(ci, do_start):
        for k in range(K):
            cp = pltpu.make_async_copy(
                xbuf.at[ci % 2], out_hbm.at[idxv.at[k, ci]], ssems[ci % 2])
            if do_start:
                cp.start()
            else:
                cp.wait()

    zero_chunk(0, True)
    copy_x(0, True)
    for ci in range(NCHK):
        if ci + 1 < NCHK:
            zero_chunk(ci + 1, True)
            if ci >= 1:
                scatter(ci - 1, False)
            copy_x(ci + 1, True)
        zero_chunk(ci, False)
        copy_x(ci, False)
        scatter(ci, True)
    scatter(NCHK - 2, False)
    scatter(NCHK - 1, False)


def kernel(x, partition_indices):
    B, S, D = x.shape
    T = B * S
    K = partition_indices.shape[-1]
    Tw = T // NW
    x2d = x.reshape(T, D)
    idx = partition_indices.reshape(T, K).astype(jnp.int32)
    tok = jnp.arange(T, dtype=jnp.int32)[:, None]
    rows = (tok * P + idx).T.reshape(K, NW, NCHK, CX)

    body = functools.partial(_sc_body, Tw, K, D)
    out = pl.kernel(
        body,
        out_type=jax.ShapeDtypeStruct((T * P, D), jnp.float32),
        mesh=plsc.VectorSubcoreMesh(core_axis_name="c", subcore_axis_name="s"),
        scratch_types=[
            pltpu.VMEM((2, CX, D), jnp.float32),
            pltpu.VMEM((K, NCHK, CX), jnp.int32),
            pltpu.VMEM((ZR, D), jnp.float32),
            pltpu.SemaphoreType.DMA,
            pltpu.SemaphoreType.DMA,
            pltpu.SemaphoreType.DMA,
            pltpu.SemaphoreType.DMA,
            pltpu.SemaphoreType.DMA,
            pltpu.SemaphoreType.DMA,
            pltpu.SemaphoreType.DMA,
            pltpu.SemaphoreType.DMA,
        ],
    )(x2d, rows)
    return out.reshape(B, S, P, D)

# --- scband reference (transcript-rebuilt; emitter-appended) ---
"""Pipeline reference for scband-ssemasking-ops-87909390614955 (READ-ONLY COPY).

The authoritative reference and input builder live on the scoring server;
editing this copy changes nothing except your own understanding.
"""

import jax, jax.numpy as jnp
import numpy as np

NUM_PARTITIONS = 8
K = 2
D_MODEL = 1024
BATCH = 2
SEQ = 2048


def setup_inputs(seed: int = 0) -> dict:
    key = jax.random.key(seed)
    kx, ki = jax.random.split(key)
    x = jax.random.normal(kx, (BATCH, SEQ, D_MODEL), dtype=jnp.float32)
    partition_indices = jax.random.randint(ki, (BATCH, SEQ, K), 0, NUM_PARTITIONS, dtype=jnp.int64 if jax.config.read('jax_enable_x64') else jnp.int32)
    return {"x": x, "partition_indices": partition_indices}


def _create_mask(partition_indices, dtype):
    B, S, _ = partition_indices.shape
    b = jnp.arange(B)[:, None, None]
    s = jnp.arange(S)[None, :, None]
    mask = jnp.zeros((B, S, NUM_PARTITIONS), dtype=dtype)
    # scatter-overwrite of ones along the partition axis (torch scatter_ dim=2)
    mask = mask.at[b, s, partition_indices].set(jnp.ones_like(partition_indices, dtype=dtype))
    return mask


def reference(x, partition_indices):
    B, S, D = x.shape
    mask = _create_mask(partition_indices, x.dtype)  # (B, S, P)
    replicated = jnp.broadcast_to(x[:, :, None, :], (B, S, NUM_PARTITIONS, D))
    return replicated * mask[..., None]

if __name__ == "__main__":
    import jax
    _d = setup_inputs()
    print(jax.jit(kernel)(*tuple(_d.values())))

</pallas_src>

<mosaic_0001>
#map = affine_map<(d0, d1) -> (0, 0)>
#map1 = affine_map<(d0, d1) -> (0, 0, 0, 0)>
module attributes {stable_mosaic.version = 14 : i64} {
  func.func @_sc_body(%arg0: i32, %arg1: i32, %arg2: memref<4096x1024xf32, #tpu.memory_space<hbm>>, %arg3: memref<2x32x4x32xi32, #tpu.memory_space<hbm>>, %arg4: memref<32768x1024xf32, #tpu.memory_space<hbm>>, %arg5: memref<2x32x1024xf32, #tpu.memory_space<vmem>>, %arg6: memref<2x4x32xi32, #tpu.memory_space<vmem>>, %arg7: memref<32x1024xf32, #tpu.memory_space<vmem>>, %arg8: memref<!tpu.dma_semaphore, #tpu.memory_space<semaphore_mem>>, %arg9: memref<!tpu.dma_semaphore, #tpu.memory_space<semaphore_mem>>, %arg10: memref<!tpu.dma_semaphore, #tpu.memory_space<semaphore_mem>>, %arg11: memref<!tpu.dma_semaphore, #tpu.memory_space<semaphore_mem>>, %arg12: memref<!tpu.dma_semaphore, #tpu.memory_space<semaphore_mem>>, %arg13: memref<!tpu.dma_semaphore, #tpu.memory_space<semaphore_mem>>, %arg14: memref<!tpu.dma_semaphore, #tpu.memory_space<semaphore_mem>>, %arg15: memref<!tpu.dma_semaphore, #tpu.memory_space<semaphore_mem>>) attributes {dimension_semantics = [#tpu.dimension_semantics<core_parallel>, #tpu.dimension_semantics<subcore_parallel>], iteration_bounds = array<i64: 2, 16>, scalar_prefetch = 0 : i64, scratch_operands = 11 : i64, tpu.core_type = #tpu.core_type<sc_vector_subcore>, window_params = [{transform_indices = #map}, {transform_indices = #map1}, {transform_indices = #map}]} {
    %mul3A = arith.constant 2 : i32
    %mul3A_0 = arith.muli %arg1, %mul3A : i32
    %add3A = arith.addi %mul3A_0, %arg0 : i32
    %mul3A_1 = arith.constant 128 : i32
    %mul3A_2 = arith.muli %add3A, %mul3A_1 : i32
    %scan3A = arith.constant 0 : i32
    %scan3A_3 = arith.constant 0 : i32
    %scan3A_4 = arith.constant 32 : i32
    %scan3A_5 = arith.addi %scan3A_3, %scan3A_4 : i32
    %scan3A_6 = arith.constant 1 : i32
    scf.for %scan3A_753 = %scan3A_3 to %scan3A_5 step %scan3A_6  : i32 {
      %broadcast_in_dim3A = arith.constant 0.000000e+00 : f32
      %broadcast_in_dim3A_754 = vector.broadcast %broadcast_in_dim3A : f32 to vector<16xf32>
      %swap3A = arith.index_cast %scan3A_753 : i32 to index
      %swap3A_755 = arith.constant 0 : index
      %swap3A_756 = tpu.vector_load %arg7[%swap3A, %swap3A_755] {strides = array<i32>} : memref<32x1024xf32, #tpu.memory_space<vmem>>, vector<1x16xf32>,
      %swap3A_757 = vector.shape_cast %swap3A_756 : vector<1x16xf32> to vector<16xf32>
      %swap3A_758 = vector.shape_cast %broadcast_in_dim3A_754 : vector<16xf32> to vector<1x16xf32>
      tpu.vector_store %arg7[%swap3A, %swap3A_755], %swap3A_758 {strides = array<i32>} : memref<32x1024xf32, #tpu.memory_space<vmem>>, vector<1x16xf32>,
      %broadcast_in_dim3A_759 = arith.constant 0.000000e+00 : f32
      %broadcast_in_dim3A_760 = vector.broadcast %broadcast_in_dim3A_759 : f32 to vector<16xf32>
      %swap3A_761 = arith.index_cast %scan3A_753 : i32 to index
      %swap3A_762 = arith.constant 16 : index
      %swap3A_763 = tpu.vector_load %arg7[%swap3A_761, %swap3A_762] {strides = array<i32>} : memref<32x1024xf32, #tpu.memory_space<vmem>>, vector<1x16xf32>,
      %swap3A_764 = vector.shape_cast %swap3A_763 : vector<1x16xf32> to vector<16xf32>
      %swap3A_765 = vector.shape_cast %broadcast_in_dim3A_760 : vector<16xf32> to vector<1x16xf32>
      tpu.vector_store %arg7[%swap3A_761, %swap3A_762], %swap3A_765 {strides = array<i32>} : memref<32x1024xf32, #tpu.memory_space<vmem>>, vector<1x16xf32>,
      %broadcast_in_dim3A_766 = arith.constant 0.000000e+00 : f32
      %broadcast_in_dim3A_767 = vector.broadcast %broadcast_in_dim3A_766 : f32 to vector<16xf32>
      %swap3A_768 = arith.index_cast %scan3A_753 : i32 to index
      %swap3A_769 = arith.constant 32 : index
      %swap3A_770 = tpu.vector_load %arg7[%swap3A_768, %swap3A_769] {strides = array<i32>} : memref<32x1024xf32, #tpu.memory_space<vmem>>, vector<1x16xf32>,
      %swap3A_771 = vector.shape_cast %swap3A_770 : vector<1x16xf32> to vector<16xf32>
      %swap3A_772 = vector.shape_cast %broadcast_in_dim3A_767 : vector<16xf32> to vector<1x16xf32>
      tpu.vector_store %arg7[%swap3A_768, %swap3A_769], %swap3A_772 {strides = array<i32>} : memref<32x1024xf32, #tpu.memory_space<vmem>>, vector<1x16xf32>,
      %broadcast_in_dim3A_773 = arith.constant 0.000000e+00 : f32
      %broadcast_in_dim3A_774 = vector.broadcast %broadcast_in_dim3A_773 : f32 to vector<16xf32>
      %swap3A_775 = arith.index_cast %scan3A_753 : i32 to index
      %swap3A_776 = arith.constant 48 : index
      %swap3A_777 = tpu.vector_load %arg7[%swap3A_775, %swap3A_776] {strides = array<i32>} : memref<32x1024xf32, #tpu.memory_space<vmem>>, vector<1x16xf32>,
      %swap3A_778 = vector.shape_cast %swap3A_777 : vector<1x16xf32> to vector<16xf32>
      %swap3A_779 = vector.shape_cast %broadcast_in_dim3A_774 : vector<16xf32> to vector<1x16xf32>
      tpu.vector_store %arg7[%swap3A_775, %swap3A_776], %swap3A_779 {strides = array<i32>} : memref<32x1024xf32, #tpu.memory_space<vmem>>, vector<1x16xf32>,
      %broadcast_in_dim3A_780 = arith.constant 0.000000e+00 : f32
      %broadcast_in_dim3A_781 = vector.broadcast %broadcast_in_dim3A_780 : f32 to vector<16xf32>
      %swap3A_782 = arith.index_cast %scan3A_753 : i32 to index
      %swap3A_783 = arith.constant 64 : index
      %swap3A_784 = tpu.vector_load %arg7[%swap3A_782, %swap3A_783] {strides = array<i32>} : memref<32x1024xf32, #tpu.memory_space<vmem>>, vector<1x16xf32>,
      %swap3A_785 = vector.shape_cast %swap3A_784 : vector<1x16xf32> to vector<16xf32>
      %swap3A_786 = vector.shape_cast %broadcast_in_dim3A_781 : vector<16xf32> to vector<1x16xf32>
      tpu.vector_store %arg7[%swap3A_782, %swap3A_783], %swap3A_786 {strides = array<i32>} : memref<32x1024xf32, #tpu.memory_space<vmem>>, vector<1x16xf32>,
      %broadcast_in_dim3A_787 = arith.constant 0.000000e+00 : f32
      %broadcast_in_dim3A_788 = vector.broadcast %broadcast_in_dim3A_787 : f32 to vector<16xf32>
      %swap3A_789 = arith.index_cast %scan3A_753 : i32 to index
      %swap3A_790 = arith.constant 80 : index
      %swap3A_791 = tpu.vector_load %arg7[%swap3A_789, %swap3A_790] {strides = array<i32>} : memref<32x1024xf32, #tpu.memory_space<vmem>>, vector<1x16xf32>,
      %swap3A_792 = vector.shape_cast %swap3A_791 : vector<1x16xf32> to vector<16xf32>
      %swap3A_793 = vector.shape_cast %broadcast_in_dim3A_788 : vector<16xf32> to vector<1x16xf32>
      tpu.vector_store %arg7[%swap3A_789, %swap3A_790], %swap3A_793 {strides = array<i32>} : memref<32x1024xf32, #tpu.memory_space<vmem>>, vector<1x16xf32>,
      %broadcast_in_dim3A_794 = arith.constant 0.000000e+00 : f32
      %broadcast_in_dim3A_795 = vector.broadcast %broadcast_in_dim3A_794 : f32 to vector<16xf32>
      %swap3A_796 = arith.index_cast %scan3A_753 : i32 to index
      %swap3A_797 = arith.constant 96 : index
      %swap3A_798 = tpu.vector_load %arg7[%swap3A_796, %swap3A_797] {strides = array<i32>} : memref<32x1024xf32, #tpu.memory_space<vmem>>, vector<1x16xf32>,
      %swap3A_799 = vector.shape_cast %swap3A_798 : vector<1x16xf32> to vector<16xf32>
      %swap3A_800 = vector.shape_cast %broadcast_in_dim3A_795 : vector<16xf32> to vector<1x16xf32>
      tpu.vector_store %arg7[%swap3A_796, %swap3A_797], %swap3A_800 {strides = array<i32>} : memref<32x1024xf32, #tpu.memory_space<vmem>>, vector<1x16xf32>,
      %broadcast_in_dim3A_801 = arith.constant 0.000000e+00 : f32
      %broadcast_in_dim3A_802 = vector.broadcast %broadcast_in_dim3A_801 : f32 to vector<16xf32>
      %swap3A_803 = arith.index_cast %scan3A_753 : i32 to index
      %swap3A_804 = arith.constant 112 : index
      %swap3A_805 = tpu.vector_load %arg7[%swap3A_803, %swap3A_804] {strides = array<i32>} : memref<32x1024xf32, #tpu.memory_space<vmem>>, vector<1x16xf32>,
      %swap3A_806 = vector.shape_cast %swap3A_805 : vector<1x16xf32> to vector<16xf32>
      %swap3A_807 = vector.shape_cast %broadcast_in_dim3A_802 : vector<16xf32> to vector<1x16xf32>
      tpu.vector_store %arg7[%swap3A_803, %swap3A_804], %swap3A_807 {strides = array<i32>} : memref<32x1024xf32, #tpu.memory_space<vmem>>, vector<1x16xf32>,
      %broadcast_in_dim3A_808 = arith.constant 0.000000e+00 : f32
      %broadcast_in_dim3A_809 = vector.broadcast %broadcast_in_dim3A_808 : f32 to vector<16xf32>
      %swap3A_810 = arith.index_cast %scan3A_753 : i32 to index
      %swap3A_811 = arith.constant 128 : index
      %swap3A_812 = tpu.vector_load %arg7[%swap3A_810, %swap3A_811] {strides = array<i32>} : memref<32x1024xf32, #tpu.memory_space<vmem>>, vector<1x16xf32>,
      %swap3A_813 = vector.shape_cast %swap3A_812 : vector<1x16xf32> to vector<16xf32>
      %swap3A_814 = vector.shape_cast %broadcast_in_dim3A_809 : vector<16xf32> to vector<1x16xf32>
      tpu.vector_store %arg7[%swap3A_810, %swap3A_811], %swap3A_814 {strides = array<i32>} : memref<32x1024xf32, #tpu.memory_space<vmem>>, vector<1x16xf32>,
      %broadcast_in_dim3A_815 = arith.constant 0.000000e+00 : f32
      %broadcast_in_dim3A_816 = vector.broadcast %broadcast_in_dim3A_815 : f32 to vector<16xf32>
      %swap3A_817 = arith.index_cast %scan3A_753 : i32 to index
      %swap3A_818 = arith.constant 144 : index
      %swap3A_819 = tpu.vector_load %arg7[%swap3A_817, %swap3A_818] {strides = array<i32>} : memref<32x1024xf32, #tpu.memory_space<vmem>>, vector<1x16xf32>,
      %swap3A_820 = vector.shape_cast %swap3A_819 : vector<1x16xf32> to vector<16xf32>
      %swap3A_821 = vector.shape_cast %broadcast_in_dim3A_816 : vector<16xf32> to vector<1x16xf32>
      tpu.vector_store %arg7[%swap3A_817, %swap3A_818], %swap3A_821 {strides = array<i32>} : memref<32x1024xf32, #tpu.memory_space<vmem>>, vector<1x16xf32>,
      %broadcast_in_dim3A_822 = arith.constant 0.000000e+00 : f32
      %broadcast_in_dim3A_823 = vector.broadcast %broadcast_in_dim3A_822 : f32 to vector<16xf32>
      %swap3A_824 = arith.index_cast %scan3A_753 : i32 to index
      %swap3A_825 = arith.constant 160 : index
      %swap3A_826 = tpu.vector_load %arg7[%swap3A_824, %swap3A_825] {strides = array<i32>} : memref<32x1024xf32, #tpu.memory_space<vmem>>, vector<1x16xf32>,
      %swap3A_827 = vector.shape_cast %swap3A_826 : vector<1x16xf32> to vector<16xf32>
      %swap3A_828 = vector.shape_cast %broadcast_in_dim3A_823 : vector<16xf32> to vector<1x16xf32>
      tpu.vector_store %arg7[%swap3A_824, %swap3A_825], %swap3A_828 {strides = array<i32>} : memref<32x1024xf32, #tpu.memory_space<vmem>>, vector<1x16xf32>,
      %broadcast_in_dim3A_829 = arith.constant 0.000000e+00 : f32
      %broadcast_in_dim3A_830 = vector.broadcast %broadcast_in_dim3A_829 : f32 to vector<16xf32>
      %swap3A_831 = arith.index_cast %scan3A_753 : i32 to index
      %swap3A_832 = arith.constant 176 : index
      %swap3A_833 = tpu.vector_load %arg7[%swap3A_831, %swap3A_832] {strides = array<i32>} : memref<32x1024xf32, #tpu.memory_space<vmem>>, vector<1x16xf32>,
      %swap3A_834 = vector.shape_cast %swap3A_833 : vector<1x16xf32> to vector<16xf32>
      %swap3A_835 = vector.shape_cast %broadcast_in_dim3A_830 : vector<16xf32> to vector<1x16xf32>
      tpu.vector_store %arg7[%swap3A_831, %swap3A_832], %swap3A_835 {strides = array<i32>} : memref<32x1024xf32, #tpu.memory_space<vmem>>, vector<1x16xf32>,
      %broadcast_in_dim3A_836 = arith.constant 0.000000e+00 : f32
      %broadcast_in_dim3A_837 = vector.broadcast %broadcast_in_dim3A_836 : f32 to vector<16xf32>
      %swap3A_838 = arith.index_cast %scan3A_753 : i32 to index
      %swap3A_839 = arith.constant 192 : index
      %swap3A_840 = tpu.vector_load %arg7[%swap3A_838, %swap3A_839] {strides = array<i32>} : memref<32x1024xf32, #tpu.memory_space<vmem>>, vector<1x16xf32>,
      %swap3A_841 = vector.shape_cast %swap3A_840 : vector<1x16xf32> to vector<16xf32>
      %swap3A_842 = vector.shape_cast %broadcast_in_dim3A_837 : vector<16xf32> to vector<1x16xf32>
      tpu.vector_store %arg7[%swap3A_838, %swap3A_839], %swap3A_842 {strides = array<i32>} : memref<32x1024xf32, #tpu.memory_space<vmem>>, vector<1x16xf32>,
      %broadcast_in_dim3A_843 = arith.constant 0.000000e+00 : f32
      %broadcast_in_dim3A_844 = vector.broadcast %broadcast_in_dim3A_843 : f32 to vector<16xf32>
      %swap3A_845 = arith.index_cast %scan3A_753 : i32 to index
      %swap3A_846 = arith.constant 208 : index
      %swap3A_847 = tpu.vector_load %arg7[%swap3A_845, %swap3A_846] {strides = array<i32>} : memref<32x1024xf32, #tpu.memory_space<vmem>>, vector<1x16xf32>,
      %swap3A_848 = vector.shape_cast %swap3A_847 : vector<1x16xf32> to vector<16xf32>
      %swap3A_849 = vector.shape_cast %broadcast_in_dim3A_844 : vector<16xf32> to vector<1x16xf32>
      tpu.vector_store %arg7[%swap3A_845, %swap3A_846], %swap3A_849 {strides = array<i32>} : memref<32x1024xf32, #tpu.memory_space<vmem>>, vector<1x16xf32>,
      %broadcast_in_dim3A_850 = arith.constant 0.000000e+00 : f32
      %broadcast_in_dim3A_851 = vector.broadcast %broadcast_in_dim3A_850 : f32 to vector<16xf32>
      %swap3A_852 = arith.index_cast %scan3A_753 : i32 to index
      %swap3A_853 = arith.constant 224 : index
      %swap3A_854 = tpu.vector_load %arg7[%swap3A_852, %swap3A_853] {strides = array<i32>} : memref<32x1024xf32, #tpu.memory_space<vmem>>, vector<1x16xf32>,
      %swap3A_855 = vector.shape_cast %swap3A_854 : vector<1x16xf32> to vector<16xf32>
      %swap3A_856 = vector.shape_cast %broadcast_in_dim3A_851 : vector<16xf32> to vector<1x16xf32>
      tpu.vector_store %arg7[%swap3A_852, %swap3A_853], %swap3A_856 {strides = array<i32>} : memref<32x1024xf32, #tpu.memory_space<vmem>>, vector<1x16xf32>,
      %broadcast_in_dim3A_857 = arith.constant 0.000000e+00 : f32
      %broadcast_in_dim3A_858 = vector.broadcast %broadcast_in_dim3A_857 : f32 to vector<16xf32>
      %swap3A_859 = arith.index_cast %scan3A_753 : i32 to index
      %swap3A_860 = arith.constant 240 : index
      %swap3A_861 = tpu.vector_load %arg7[%swap3A_859, %swap3A_860] {strides = array<i32>} : memref<32x1024xf32, #tpu.memory_space<vmem>>, vector<1x16xf32>,
      %swap3A_862 = vector.shape_cast %swap3A_861 : vector<1x16xf32> to vector<16xf32>
      %swap3A_863 = vector.shape_cast %broadcast_in_dim3A_858 : vector<16xf32> to vector<1x16xf32>
      tpu.vector_store %arg7[%swap3A_859, %swap3A_860], %swap3A_863 {strides = array<i32>} : memref<32x1024xf32, #tpu.memory_space<vmem>>, vector<1x16xf32>,
      %broadcast_in_dim3A_864 = arith.constant 0.000000e+00 : f32
      %broadcast_in_dim3A_865 = vector.broadcast %broadcast_in_dim3A_864 : f32 to vector<16xf32>
      %swap3A_866 = arith.index_cast %scan3A_753 : i32 to index
      %swap3A_867 = arith.constant 256 : index
      %swap3A_868 = tpu.vector_load %arg7[%swap3A_866, %swap3A_867] {strides = array<i32>} : memref<32x1024xf32, #tpu.memory_space<vmem>>, vector<1x16xf32>,
      %swap3A_869 = vector.shape_cast %swap3A_868 : vector<1x16xf32> to vector<16xf32>
      %swap3A_870 = vector.shape_cast %broadcast_in_dim3A_865 : vector<16xf32> to vector<1x16xf32>
      tpu.vector_store %arg7[%swap3A_866, %swap3A_867], %swap3A_870 {strides = array<i32>} : memref<32x1024xf32, #tpu.memory_space<vmem>>, vector<1x16xf32>,
      %broadcast_in_dim3A_871 = arith.constant 0.000000e+00 : f32
      %broadcast_in_dim3A_872 = vector.broadcast %broadcast_in_dim3A_871 : f32 to vector<16xf32>
      %swap3A_873 = arith.index_cast %scan3A_753 : i32 to index
      %swap3A_874 = arith.constant 272 : index
      %swap3A_875 = tpu.vector_load %arg7[%swap3A_873, %swap3A_874] {strides = array<i32>} : memref<32x1024xf32, #tpu.memory_space<vmem>>, vector<1x16xf32>,
      %swap3A_876 = vector.shape_cast %swap3A_875 : vector<1x16xf32> to vector<16xf32>
      %swap3A_877 = vector.shape_cast %broadcast_in_dim3A_872 : vector<16xf32> to vector<1x16xf32>
      tpu.vector_store %arg7[%swap3A_873, %swap3A_874], %swap3A_877 {strides = array<i32>} : memref<32x1024xf32, #tpu.memory_space<vmem>>, vector<1x16xf32>,
      %broadcast_in_dim3A_878 = arith.constant 0.000000e+00 : f32
      %broadcast_in_dim3A_879 = vector.broadcast %broadcast_in_dim3A_878 : f32 to vector<16xf32>
      %swap3A_880 = arith.index_cast %scan3A_753 : i32 to index
      %swap3A_881 = arith.constant 288 : index
      %swap3A_882 = tpu.vector_load %arg7[%swap3A_880, %swap3A_881] {strides = array<i32>} : memref<32x1024xf32, #tpu.memory_space<vmem>>, vector<1x16xf32>,
      %swap3A_883 = vector.shape_cast %swap3A_882 : vector<1x16xf32> to vector<16xf32>
      %swap3A_884 = vector.shape_cast %broadcast_in_dim3A_879 : vector<16xf32> to vector<1x16xf32>
      tpu.vector_store %arg7[%swap3A_880, %swap3A_881], %swap3A_884 {strides = array<i32>} : memref<32x1024xf32, #tpu.memory_space<vmem>>, vector<1x16xf32>,
      %broadcast_in_dim3A_885 = arith.constant 0.000000e+00 : f32
      %broadcast_in_dim3A_886 = vector.broadcast %broadcast_in_dim3A_885 : f32 to vector<16xf32>
      %swap3A_887 = arith.index_cast %scan3A_753 : i32 to index
      %swap3A_888 = arith.constant 304 : index
      %swap3A_889 = tpu.vector_load %arg7[%swap3A_887, %swap3A_888] {strides = array<i32>} : memref<32x1024xf32, #tpu.memory_space<vmem>>, vector<1x16xf32>,
      %swap3A_890 = vector.shape_cast %swap3A_889 : vector<1x16xf32> to vector<16xf32>
      %swap3A_891 = vector.shape_cast %broadcast_in_dim3A_886 : vector<16xf32> to vector<1x16xf32>
      tpu.vector_store %arg7[%swap3A_887, %swap3A_888], %swap3A_891 {strides = array<i32>} : memref<32x1024xf32, #tpu.memory_space<vmem>>, vector<1x16xf32>,
      %broadcast_in_dim3A_892 = arith.constant 0.000000e+00 : f32
      %broadcast_in_dim3A_893 = vector.broadcast %broadcast_in_dim3A_892 : f32 to vector<16xf32>
      %swap3A_894 = arith.index_cast %scan3A_753 : i32 to index
      %swap3A_895 = arith.constant 320 : index
      %swap3A_896 = tpu.vector_load %arg7[%swap3A_894, %swap3A_895] {strides = array<i32>} : memref<32x1024xf32, #tpu.memory_space<vmem>>, vector<1x16xf32>,
      %swap3A_897 = vector.shape_cast %swap3A_896 : vector<1x16xf32> to vector<16xf32>
      %swap3A_898 = vector.shape_cast %broadcast_in_dim3A_893 : vector<16xf32> to vector<1x16xf32>
      tpu.vector_store %arg7[%swap3A_894, %swap3A_895], %swap3A_898 {strides = array<i32>} : memref<32x1024xf32, #tpu.memory_space<vmem>>, vector<1x16xf32>,
      %broadcast_in_dim3A_899 = arith.constant 0.000000e+00 : f32
      %broadcast_in_dim3A_900 = vector.broadcast %broadcast_in_dim3A_899 : f32 to vector<16xf32>
      %swap3A_901 = arith.index_cast %scan3A_753 : i32 to index
      %swap3A_902 = arith.constant 336 : index
      %swap3A_903 = tpu.vector_load %arg7[%swap3A_901, %swap3A_902] {strides = array<i32>} : memref<32x1024xf32, #tpu.memory_space<vmem>>, vector<1x16xf32>,
      %swap3A_904 = vector.shape_cast %swap3A_903 : vector<1x16xf32> to vector<16xf32>
      %swap3A_905 = vector.shape_cast %broadcast_in_dim3A_900 : vector<16xf32> to vector<1x16xf32>
      tpu.vector_store %arg7[%swap3A_901, %swap3A_902], %swap3A_905 {strides = array<i32>} : memref<32x1024xf32, #tpu.memory_space<vmem>>, vector<1x16xf32>,
      %broadcast_in_dim3A_906 = arith.constant 0.000000e+00 : f32
      %broadcast_in_dim3A_907 = vector.broadcast %broadcast_in_dim3A_906 : f32 to vector<16xf32>
      %swap3A_908 = arith.index_cast %scan3A_753 : i32 to index
      %swap3A_909 = arith.constant 352 : index
      %swap3A_910 = tpu.vector_load %arg7[%swap3A_908, %swap3A_909] {strides = array<i32>} : memref<32x1024xf32, #tpu.memory_space<vmem>>, vector<1x16xf32>,
      %swap3A_911 = vector.shape_cast %swap3A_910 : vector<1x16xf32> to vector<16xf32>
      %swap3A_912 = vector.shape_cast %broadcast_in_dim3A_907 : vector<16xf32> to vector<1x16xf32>
      tpu.vector_store %arg7[%swap3A_908, %swap3A_909], %swap3A_912 {strides = array<i32>} : memref<32x1024xf32, #tpu.memory_space<vmem>>, vector<1x16xf32>,
      %broadcast_in_dim3A_913 = arith.constant 0.000000e+00 : f32
      %broadcast_in_dim3A_914 = vector.broadcast %broadcast_in_dim3A_913 : f32 to vector<16xf32>
      %swap3A_915 = arith.index_cast %scan3A_753 : i32 to index
      %swap3A_916 = arith.constant 368 : index
      %swap3A_917 = tpu.vector_load %arg7[%swap3A_915, %swap3A_916] {strides = array<i32>} : memref<32x1024xf32, #tpu.memory_space<vmem>>, vector<1x16xf32>,
      %swap3A_918 = vector.shape_cast %swap3A_917 : vector<1x16xf32> to vector<16xf32>
      %swap3A_919 = vector.shape_cast %broadcast_in_dim3A_914 : vector<16xf32> to vector<1x16xf32>
      tpu.vector_store %arg7[%swap3A_915, %swap3A_916], %swap3A_919 {strides = array<i32>} : memref<32x1024xf32, #tpu.memory_space<vmem>>, vector<1x16xf32>,
      %broadcast_in_dim3A_920 = arith.constant 0.000000e+00 : f32
      %broadcast_in_dim3A_921 = vector.broadcast %broadcast_in_dim3A_920 : f32 to vector<16xf32>
      %swap3A_922 = arith.index_cast %scan3A_753 : i32 to index
      %swap3A_923 = arith.constant 384 : index
      %swap3A_924 = tpu.vector_load %arg7[%swap3A_922, %swap3A_923] {strides = array<i32>} : memref<32x1024xf32, #tpu.memory_space<vmem>>, vector<1x16xf32>,
      %swap3A_925 = vector.shape_cast %swap3A_924 : vector<1x16xf32> to vector<16xf32>
      %swap3A_926 = vector.shape_cast %broadcast_in_dim3A_921 : vector<16xf32> to vector<1x16xf32>
      tpu.vector_store %arg7[%swap3A_922, %swap3A_923], %swap3A_926 {strides = array<i32>} : memref<32x1024xf32, #tpu.memory_space<vmem>>, vector<1x16xf32>,
      %broadcast_in_dim3A_927 = arith.constant 0.000000e+00 : f32
      %broadcast_in_dim3A_928 = vector.broadcast %broadcast_in_dim3A_927 : f32 to vector<16xf32>
      %swap3A_929 = arith.index_cast %scan3A_753 : i32 to index
      %swap3A_930 = arith.constant 400 : index
      %swap3A_931 = tpu.vector_load %arg7[%swap3A_929, %swap3A_930] {strides = array<i32>} : memref<32x1024xf32, #tpu.memory_space<vmem>>, vector<1x16xf32>,
      %swap3A_932 = vector.shape_cast %swap3A_931 : vector<1x16xf32> to vector<16xf32>
      %swap3A_933 = vector.shape_cast %broadcast_in_dim3A_928 : vector<16xf32> to vector<1x16xf32>
      tpu.vector_store %arg7[%swap3A_929, %swap3A_930], %swap3A_933 {strides = array<i32>} : memref<32x1024xf32, #tpu.memory_space<vmem>>, vector<1x16xf32>,
      %broadcast_in_dim3A_934 = arith.constant 0.000000e+00 : f32
      %broadcast_in_dim3A_935 = vector.broadcast %broadcast_in_dim3A_934 : f32 to vector<16xf32>
      %swap3A_936 = arith.index_cast %scan3A_753 : i32 to index
      %swap3A_937 = arith.constant 416 : index
      %swap3A_938 = tpu.vector_load %arg7[%swap3A_936, %swap3A_937] {strides = array<i32>} : memref<32x1024xf32, #tpu.memory_space<vmem>>, vector<1x16xf32>,
      %swap3A_939 = vector.shape_cast %swap3A_938 : vector<1x16xf32> to vector<16xf32>
      %swap3A_940 = vector.shape_cast %broadcast_in_dim3A_935 : vector<16xf32> to vector<1x16xf32>
      tpu.vector_store %arg7[%swap3A_936, %swap3A_937], %swap3A_940 {strides = array<i32>} : memref<32x1024xf32, #tpu.memory_space<vmem>>, vector<1x16xf32>,
      %broadcast_in_dim3A_941 = arith.constant 0.000000e+00 : f32
      %broadcast_in_dim3A_942 = vector.broadcast %broadcast_in_dim3A_941 : f32 to vector<16xf32>
      %swap3A_943 = arith.index_cast %scan3A_753 : i32 to index
      %swap3A_944 = arith.constant 432 : index
      %swap3A_945 = tpu.vector_load %arg7[%swap3A_943, %swap3A_944] {strides = array<i32>} : memref<32x1024xf32, #tpu.memory_space<vmem>>, vector<1x16xf32>,
      %swap3A_946 = vector.shape_cast %swap3A_945 : vector<1x16xf32> to vector<16xf32>
      %swap3A_947 = vector.shape_cast %broadcast_in_dim3A_942 : vector<16xf32> to vector<1x16xf32>
      tpu.vector_store %arg7[%swap3A_943, %swap3A_944], %swap3A_947 {strides = array<i32>} : memref<32x1024xf32, #tpu.memory_space<vmem>>, vector<1x16xf32>,
      %broadcast_in_dim3A_948 = arith.constant 0.000000e+00 : f32
      %broadcast_in_dim3A_949 = vector.broadcast %broadcast_in_dim3A_948 : f32 to vector<16xf32>
      %swap3A_950 = arith.index_cast %scan3A_753 : i32 to index
      %swap3A_951 = arith.constant 448 : index
      %swap3A_952 = tpu.vector_load %arg7[%swap3A_950, %swap3A_951] {strides = array<i32>} : memref<32x1024xf32, #tpu.memory_space<vmem>>, vector<1x16xf32>,
      %swap3A_953 = vector.shape_cast %swap3A_952 : vector<1x16xf32> to vector<16xf32>
      %swap3A_954 = vector.shape_cast %broadcast_in_dim3A_949 : vector<16xf32> to vector<1x16xf32>
      tpu.vector_store %arg7[%swap3A_950, %swap3A_951], %swap3A_954 {strides = array<i32>} : memref<32x1024xf32, #tpu.memory_space<vmem>>, vector<1x16xf32>,
      %broadcast_in_dim3A_955 = arith.constant 0.000000e+00 : f32
      %broadcast_in_dim3A_956 = vector.broadcast %broadcast_in_dim3A_955 : f32 to vector<16xf32>
      %swap3A_957 = arith.index_cast %scan3A_753 : i32 to index
      %swap3A_958 = arith.constant 464 : index
      %swap3A_959 = tpu.vector_load %arg7[%swap3A_957, %swap3A_958] {strides = array<i32>} : memref<32x1024xf32, #tpu.memory_space<vmem>>, vector<1x16xf32>,
      %swap3A_960 = vector.shape_cast %swap3A_959 : vector<1x16xf32> to vector<16xf32>
      %swap3A_961 = vector.shape_cast %broadcast_in_dim3A_956 : vector<16xf32> to vector<1x16xf32>
      tpu.vector_store %arg7[%swap3A_957, %swap3A_958], %swap3A_961 {strides = array<i32>} : memref<32x1024xf32, #tpu.memory_space<vmem>>, vector<1x16xf32>,
      %broadcast_in_dim3A_962 = arith.constant 0.000000e+00 : f32
      %broadcast_in_dim3A_963 = vector.broadcast %broadcast_in_dim3A_962 : f32 to vector<16xf32>
      %swap3A_964 = arith.index_cast %scan3A_753 : i32 to index
      %swap3A_965 = arith.constant 480 : index
      %swap3A_966 = tpu.vector_load %arg7[%swap3A_964, %swap3A_965] {strides = array<i32>} : memref<32x1024xf32, #tpu.memory_space<vmem>>, vector<1x16xf32>,
      %swap3A_967 = vector.shape_cast %swap3A_966 : vector<1x16xf32> to vector<16xf32>
      %swap3A_968 = vector.shape_cast %broadcast_in_dim3A_963 : vector<16xf32> to vector<1x16xf32>
      tpu.vector_store %arg7[%swap3A_964, %swap3A_965], %swap3A_968 {strides = array<i32>} : memref<32x1024xf32, #tpu.memory_space<vmem>>, vector<1x16xf32>,
      %broadcast_in_dim3A_969 = arith.constant 0.000000e+00 : f32
      %broadcast_in_dim3A_970 = vector.broadcast %broadcast_in_dim3A_969 : f32 to vector<16xf32>
      %swap3A_971 = arith.index_cast %scan3A_753 : i32 to index
      %swap3A_972 = arith.constant 496 : index
      %swap3A_973 = tpu.vector_load %arg7[%swap3A_971, %swap3A_972] {strides = array<i32>} : memref<32x1024xf32, #tpu.memory_space<vmem>>, vector<1x16xf32>,
      %swap3A_974 = vector.shape_cast %swap3A_973 : vector<1x16xf32> to vector<16xf32>
      %swap3A_975 = vector.shape_cast %broadcast_in_dim3A_970 : vector<16xf32> to vector<1x16xf32>
      tpu.vector_store %arg7[%swap3A_971, %swap3A_972], %swap3A_975 {strides = array<i32>} : memref<32x1024xf32, #tpu.memory_space<vmem>>, vector<1x16xf32>,
      %broadcast_in_dim3A_976 = arith.constant 0.000000e+00 : f32
      %broadcast_in_dim3A_977 = vector.broadcast %broadcast_in_dim3A_976 : f32 to vector<16xf32>
      %swap3A_978 = arith.index_cast %scan3A_753 : i32 to index
      %swap3A_979 = arith.constant 512 : index
      %swap3A_980 = tpu.vector_load %arg7[%swap3A_978, %swap3A_979] {strides = array<i32>} : memref<32x1024xf32, #tpu.memory_space<vmem>>, vector<1x16xf32>,
      %swap3A_981 = vector.shape_cast %swap3A_980 : vector<1x16xf32> to vector<16xf32>
      %swap3A_982 = vector.shape_cast %broadcast_in_dim3A_977 : vector<16xf32> to vector<1x16xf32>
      tpu.vector_store %arg7[%swap3A_978, %swap3A_979], %swap3A_982 {strides = array<i32>} : memref<32x1024xf32, #tpu.memory_space<vmem>>, vector<1x16xf32>,
      %broadcast_in_dim3A_983 = arith.constant 0.000000e+00 : f32
      %broadcast_in_dim3A_984 = vector.broadcast %broadcast_in_dim3A_983 : f32 to vector<16xf32>
      %swap3A_985 = arith.index_cast %scan3A_753 : i32 to index
      %swap3A_986 = arith.constant 528 : index
      %swap3A_987 = tpu.vector_load %arg7[%swap3A_985, %swap3A_986] {strides = array<i32>} : memref<32x1024xf32, #tpu.memory_space<vmem>>, vector<1x16xf32>,
      %swap3A_988 = vector.shape_cast %swap3A_987 : vector<1x16xf32> to vector<16xf32>
      %swap3A_989 = vector.shape_cast %broadcast_in_dim3A_984 : vector<16xf32> to vector<1x16xf32>
      tpu.vector_store %arg7[%swap3A_985, %swap3A_986], %swap3A_989 {strides = array<i32>} : memref<32x1024xf32, #tpu.memory_space<vmem>>, vector<1x16xf32>,
      %broadcast_in_dim3A_990 = arith.constant 0.000000e+00 : f32
      %broadcast_in_dim3A_991 = vector.broadcast %broadcast_in_dim3A_990 : f32 to vector<16xf32>
      %swap3A_992 = arith.index_cast %scan3A_753 : i32 to index
      %swap3A_993 = arith.constant 544 : index
      %swap3A_994 = tpu.vector_load %arg7[%swap3A_992, %swap3A_993] {strides = array<i32>} : memref<32x1024xf32, #tpu.memory_space<vmem>>, vector<1x16xf32>,
      %swap3A_995 = vector.shape_cast %swap3A_994 : vector<1x16xf32> to vector<16xf32>
      %swap3A_996 = vector.shape_cast %broadcast_in_dim3A_991 : vector<16xf32> to vector<1x16xf32>
      tpu.vector_store %arg7[%swap3A_992, %swap3A_993], %swap3A_996 {strides = array<i32>} : memref<32x1024xf32, #tpu.memory_space<vmem>>, vector<1x16xf32>,
      %broadcast_in_dim3A_997 = arith.constant 0.000000e+00 : f32
      %broadcast_in_dim3A_998 = vector.broadcast %broadcast_in_dim3A_997 : f32 to vector<16xf32>
      %swap3A_999 = arith.index_cast %scan3A_753 : i32 to index
      %swap3A_1000 = arith.constant 560 : index
      %swap3A_1001 = tpu.vector_load %arg7[%swap3A_999, %swap3A_1000] {strides = array<i32>} : memref<32x1024xf32, #tpu.memory_space<vmem>>, vector<1x16xf32>,
      %swap3A_1002 = vector.shape_cast %swap3A_1001 : vector<1x16xf32> to vector<16xf32>
      %swap3A_1003 = vector.shape_cast %broadcast_in_dim3A_998 : vector<16xf32> to vector<1x16xf32>
      tpu.vector_store %arg7[%swap3A_999, %swap3A_1000], %swap3A_1003 {strides = array<i32>} : memref<32x1024xf32, #tpu.memory_space<vmem>>, vector<1x16xf32>,
      %broadcast_in_dim3A_1004 = arith.constant 0.000000e+00 : f32
      %broadcast_in_dim3A_1005 = vector.broadcast %broadcast_in_dim3A_1004 : f32 to vector<16xf32>
      %swap3A_1006 = arith.index_cast %scan3A_753 : i32 to index
      %swap3A_1007 = arith.constant 576 : index
      %swap3A_1008 = tpu.vector_load %arg7[%swap3A_1006, %swap3A_1007] {strides = array<i32>} : memref<32x1024xf32, #tpu.memory_space<vmem>>, vector<1x16xf32>,
      %swap3A_1009 = vector.shape_cast %swap3A_1008 : vector<1x16xf32> to vector<16xf32>
      %swap3A_1010 = vector.shape_cast %broadcast_in_dim3A_1005 : vector<16xf32> to vector<1x16xf32>
      tpu.vector_store %arg7[%swap3A_1006, %swap3A_1007], %swap3A_1010 {strides = array<i32>} : memref<32x1024xf32, #tpu.memory_space<vmem>>, vector<1x16xf32>,
      %broadcast_in_dim3A_1011 = arith.constant 0.000000e+00 : f32
      %broadcast_in_dim3A_1012 = vector.broadcast %broadcast_in_dim3A_1011 : f32 to vector<16xf32>
      %swap3A_1013 = arith.index_cast %scan3A_753 : i32 to index
      %swap3A_1014 = arith.constant 592 : index
      %swap3A_1015 = tpu.vector_load %arg7[%swap3A_1013, %swap3A_1014] {strides = array<i32>} : memref<32x1024xf32, #tpu.memory_space<vmem>>, vector<1x16xf32>,
      %swap3A_1016 = vector.shape_cast %swap3A_1015 : vector<1x16xf32> to vector<16xf32>
      %swap3A_1017 = vector.shape_cast %broadcast_in_dim3A_1012 : vector<16xf32> to vector<1x16xf32>
      tpu.vector_store %arg7[%swap3A_1013, %swap3A_1014], %swap3A_1017 {strides = array<i32>} : memref<32x1024xf32, #tpu.memory_space<vmem>>, vector<1x16xf32>,
      %broadcast_in_dim3A_1018 = arith.constant 0.000000e+00 : f32
      %broadcast_in_dim3A_1019 = vector.broadcast %broadcast_in_dim3A_1018 : f32 to vector<16xf32>
      %swap3A_1020 = arith.index_cast %scan3A_753 : i32 to index
      %swap3A_1021 = arith.constant 608 : index
      %swap3A_1022 = tpu.vector_load %arg7[%swap3A_1020, %swap3A_1021] {strides = array<i32>} : memref<32x1024xf32, #tpu.memory_space<vmem>>, vector<1x16xf32>,
      %swap3A_1023 = vector.shape_cast %swap3A_1022 : vector<1x16xf32> to vector<16xf32>
      %swap3A_1024 = vector.shape_cast %broadcast_in_dim3A_1019 : vector<16xf32> to vector<1x16xf32>
      tpu.vector_store %arg7[%swap3A_1020, %swap3A_1021], %swap3A_1024 {strides = array<i32>} : memref<32x1024xf32, #tpu.memory_space<vmem>>, vector<1x16xf32>,
      %broadcast_in_dim3A_1025 = arith.constant 0.000000e+00 : f32
      %broadcast_in_dim3A_1026 = vector.broadcast %broadcast_in_dim3A_1025 : f32 to vector<16xf32>
      %swap3A_1027 = arith.index_cast %scan3A_753 : i32 to index
      %swap3A_1028 = arith.constant 624 : index
      %swap3A_1029 = tpu.vector_load %arg7[%swap3A_1027, %swap3A_1028] {strides = array<i32>} : memref<32x1024xf32, #tpu.memory_space<vmem>>, vector<1x16xf32>,
      %swap3A_1030 = vector.shape_cast %swap3A_1029 : vector<1x16xf32> to vector<16xf32>
      %swap3A_1031 = vector.shape_cast %broadcast_in_dim3A_1026 : vector<16xf32> to vector<1x16xf32>
      tpu.vector_store %arg7[%swap3A_1027, %swap3A_1028], %swap3A_1031 {strides = array<i32>} : memref<32x1024xf32, #tpu.memory_space<vmem>>, vector<1x16xf32>,
      %broadcast_in_dim3A_1032 = arith.constant 0.000000e+00 : f32
      %broadcast_in_dim3A_1033 = vector.broadcast %broadcast_in_dim3A_1032 : f32 to vector<16xf32>
      %swap3A_1034 = arith.index_cast %scan3A_753 : i32 to index
      %swap3A_1035 = arith.constant 640 : index
      %swap3A_1036 = tpu.vector_load %arg7[%swap3A_1034, %swap3A_1035] {strides = array<i32>} : memref<32x1024xf32, #tpu.memory_space<vmem>>, vector<1x16xf32>,
      %swap3A_1037 = vector.shape_cast %swap3A_1036 : vector<1x16xf32> to vector<16xf32>
      %swap3A_1038 = vector.shape_cast %broadcast_in_dim3A_1033 : vector<16xf32> to vector<1x16xf32>
      tpu.vector_store %arg7[%swap3A_1034, %swap3A_1035], %swap3A_1038 {strides = array<i32>} : memref<32x1024xf32, #tpu.memory_space<vmem>>, vector<1x16xf32>,
      %broadcast_in_dim3A_1039 = arith.constant 0.000000e+00 : f32
      %broadcast_in_dim3A_1040 = vector.broadcast %broadcast_in_dim3A_1039 : f32 to vector<16xf32>
      %swap3A_1041 = arith.index_cast %scan3A_753 : i32 to index
      %swap3A_1042 = arith.constant 656 : index
      %swap3A_1043 = tpu.vector_load %arg7[%swap3A_1041, %swap3A_1042] {strides = array<i32>} : memref<32x1024xf32, #tpu.memory_space<vmem>>, vector<1x16xf32>,
      %swap3A_1044 = vector.shape_cast %swap3A_1043 : vector<1x16xf32> to vector<16xf32>
      %swap3A_1045 = vector.shape_cast %broadcast_in_dim3A_1040 : vector<16xf32> to vector<1x16xf32>
      tpu.vector_store %arg7[%swap3A_1041, %swap3A_1042], %swap3A_1045 {strides = array<i32>} : memref<32x1024xf32, #tpu.memory_space<vmem>>, vector<1x16xf32>,
      %broadcast_in_dim3A_1046 = arith.constant 0.000000e+00 : f32
      %broadcast_in_dim3A_1047 = vector.broadcast %broadcast_in_dim3A_1046 : f32 to vector<16xf32>
      %swap3A_1048 = arith.index_cast %scan3A_753 : i32 to index
      %swap3A_1049 = arith.constant 672 : index
      %swap3A_1050 = tpu.vector_load %arg7[%swap3A_1048, %swap3A_1049] {strides = array<i32>} : memref<32x1024xf32, #tpu.memory_space<vmem>>, vector<1x16xf32>,
      %swap3A_1051 = vector.shape_cast %swap3A_1050 : vector<1x16xf32> to vector<16xf32>
      %swap3A_1052 = vector.shape_cast %broadcast_in_dim3A_1047 : vector<16xf32> to vector<1x16xf32>
      tpu.vector_store %arg7[%swap3A_1048, %swap3A_1049], %swap3A_1052 {strides = array<i32>} : memref<32x1024xf32, #tpu.memory_space<vmem>>, vector<1x16xf32>,
      %broadcast_in_dim3A_1053 = arith.constant 0.000000e+00 : f32
      %broadcast_in_dim3A_1054 = vector.broadcast %broadcast_in_dim3A_1053 : f32 to vector<16xf32>
      %swap3A_1055 = arith.index_cast %scan3A_753 : i32 to index
      %swap3A_1056 = arith.constant 688 : index
      %swap3A_1057 = tpu.vector_load %arg7[%swap3A_1055, %swap3A_1056] {strides = array<i32>} : memref<32x1024xf32, #tpu.memory_space<vmem>>, vector<1x16xf32>,
      %swap3A_1058 = vector.shape_cast %swap3A_1057 : vector<1x16xf32> to vector<16xf32>
      %swap3A_1059 = vector.shape_cast %broadcast_in_dim3A_1054 : vector<16xf32> to vector<1x16xf32>
      tpu.vector_store %arg7[%swap3A_1055, %swap3A_1056], %swap3A_1059 {strides = array<i32>} : memref<32x1024xf32, #tpu.memory_space<vmem>>, vector<1x16xf32>,
      %broadcast_in_dim3A_1060 = arith.constant 0.000000e+00 : f32
      %broadcast_in_dim3A_1061 = vector.broadcast %broadcast_in_dim3A_1060 : f32 to vector<16xf32>
      %swap3A_1062 = arith.index_cast %scan3A_753 : i32 to index
      %swap3A_1063 = arith.constant 704 : index
      %swap3A_1064 = tpu.vector_load %arg7[%swap3A_1062, %swap3A_1063] {strides = array<i32>} : memref<32x1024xf32, #tpu.memory_space<vmem>>, vector<1x16xf32>,
      %swap3A_1065 = vector.shape_cast %swap3A_1064 : vector<1x16xf32> to vector<16xf32>
      %swap3A_1066 = vector.shape_cast %broadcast_in_dim3A_1061 : vector<16xf32> to vector<1x16xf32>
      tpu.vector_store %arg7[%swap3A_1062, %swap3A_1063], %swap3A_1066 {strides = array<i32>} : memref<32x1024xf32, #tpu.memory_space<vmem>>, vector<1x16xf32>,
      %broadcast_in_dim3A_1067 = arith.constant 0.000000e+00 : f32
      %broadcast_in_dim3A_1068 = vector.broadcast %broadcast_in_dim3A_1067 : f32 to vector<16xf32>
      %swap3A_1069 = arith.index_cast %scan3A_753 : i32 to index
      %swap3A_1070 = arith.constant 720 : index
      %swap3A_1071 = tpu.vector_load %arg7[%swap3A_1069, %swap3A_1070] {strides = array<i32>} : memref<32x1024xf32, #tpu.memory_space<vmem>>, vector<1x16xf32>,
      %swap3A_1072 = vector.shape_cast %swap3A_1071 : vector<1x16xf32> to vector<16xf32>
      %swap3A_1073 = vector.shape_cast %broadcast_in_dim3A_1068 : vector<16xf32> to vector<1x16xf32>
      tpu.vector_store %arg7[%swap3A_1069, %swap3A_1070], %swap3A_1073 {strides = array<i32>} : memref<32x1024xf32, #tpu.memory_space<vmem>>, vector<1x16xf32>,
      %broadcast_in_dim3A_1074 = arith.constant 0.000000e+00 : f32
      %broadcast_in_dim3A_1075 = vector.broadcast %broadcast_in_dim3A_1074 : f32 to vector<16xf32>
      %swap3A_1076 = arith.index_cast %scan3A_753 : i32 to index
      %swap3A_1077 = arith.constant 736 : index
      %swap3A_1078 = tpu.vector_load %arg7[%swap3A_1076, %swap3A_1077] {strides = array<i32>} : memref<32x1024xf32, #tpu.memory_space<vmem>>, vector<1x16xf32>,
      %swap3A_1079 = vector.shape_cast %swap3A_1078 : vector<1x16xf32> to vector<16xf32>
      %swap3A_1080 = vector.shape_cast %broadcast_in_dim3A_1075 : vector<16xf32> to vector<1x16xf32>
      tpu.vector_store %arg7[%swap3A_1076, %swap3A_1077], %swap3A_1080 {strides = array<i32>} : memref<32x1024xf32, #tpu.memory_space<vmem>>, vector<1x16xf32>,
      %broadcast_in_dim3A_1081 = arith.constant 0.000000e+00 : f32
      %broadcast_in_dim3A_1082 = vector.broadcast %broadcast_in_dim3A_1081 : f32 to vector<16xf32>
      %swap3A_1083 = arith.index_cast %scan3A_753 : i32 to index
      %swap3A_1084 = arith.constant 752 : index
      %swap3A_1085 = tpu.vector_load %arg7[%swap3A_1083, %swap3A_1084] {strides = array<i32>} : memref<32x1024xf32, #tpu.memory_space<vmem>>, vector<1x16xf32>,
      %swap3A_1086 = vector.shape_cast %swap3A_1085 : vector<1x16xf32> to vector<16xf32>
      %swap3A_1087 = vector.shape_cast %broadcast_in_dim3A_1082 : vector<16xf32> to vector<1x16xf32>
      tpu.vector_store %arg7[%swap3A_1083, %swap3A_1084], %swap3A_1087 {strides = array<i32>} : memref<32x1024xf32, #tpu.memory_space<vmem>>, vector<1x16xf32>,
      %broadcast_in_dim3A_1088 = arith.constant 0.000000e+00 : f32
      %broadcast_in_dim3A_1089 = vector.broadcast %broadcast_in_dim3A_1088 : f32 to vector<16xf32>
      %swap3A_1090 = arith.index_cast %scan3A_753 : i32 to index
      %swap3A_1091 = arith.constant 768 : index
      %swap3A_1092 = tpu.vector_load %arg7[%swap3A_1090, %swap3A_1091] {strides = array<i32>} : memref<32x1024xf32, #tpu.memory_space<vmem>>, vector<1x16xf32>,
      %swap3A_1093 = vector.shape_cast %swap3A_1092 : vector<1x16xf32> to vector<16xf32>
      %swap3A_1094 = vector.shape_cast %broadcast_in_dim3A_1089 : vector<16xf32> to vector<1x16xf32>
      tpu.vector_store %arg7[%swap3A_1090, %swap3A_1091], %swap3A_1094 {strides = array<i32>} : memref<32x1024xf32, #tpu.memory_space<vmem>>, vector<1x16xf32>,
      %broadcast_in_dim3A_1095 = arith.constant 0.000000e+00 : f32
      %broadcast_in_dim3A_1096 = vector.broadcast %broadcast_in_dim3A_1095 : f32 to vector<16xf32>
      %swap3A_1097 = arith.index_cast %scan3A_753 : i32 to index
      %swap3A_1098 = arith.constant 784 : index
      %swap3A_1099 = tpu.vector_load %arg7[%swap3A_1097, %swap3A_1098] {strides = array<i32>} : memref<32x1024xf32, #tpu.memory_space<vmem>>, vector<1x16xf32>,
      %swap3A_1100 = vector.shape_cast %swap3A_1099 : vector<1x16xf32> to vector<16xf32>
      %swap3A_1101 = vector.shape_cast %broadcast_in_dim3A_1096 : vector<16xf32> to vector<1x16xf32>
      tpu.vector_store %arg7[%swap3A_1097, %swap3A_1098], %swap3A_1101 {strides = array<i32>} : memref<32x1024xf32, #tpu.memory_space<vmem>>, vector<1x16xf32>,
      %broadcast_in_dim3A_1102 = arith.constant 0.000000e+00 : f32
      %broadcast_in_dim3A_1103 = vector.broadcast %broadcast_in_dim3A_1102 : f32 to vector<16xf32>
      %swap3A_1104 = arith.index_cast %scan3A_753 : i32 to index
      %swap3A_1105 = arith.constant 800 : index
      %swap3A_1106 = tpu.vector_load %arg7[%swap3A_1104, %swap3A_1105] {strides = array<i32>} : memref<32x1024xf32, #tpu.memory_space<vmem>>, vector<1x16xf32>,
      %swap3A_1107 = vector.shape_cast %swap3A_1106 : vector<1x16xf32> to vector<16xf32>
      %swap3A_1108 = vector.shape_cast %broadcast_in_dim3A_1103 : vector<16xf32> to vector<1x16xf32>
      tpu.vector_store %arg7[%swap3A_1104, %swap3A_1105], %swap3A_1108 {strides = array<i32>} : memref<32x1024xf32, #tpu.memory_space<vmem>>, vector<1x16xf32>,
      %broadcast_in_dim3A_1109 = arith.constant 0.000000e+00 : f32
      %broadcast_in_dim3A_1110 = vector.broadcast %broadcast_in_dim3A_1109 : f32 to vector<16xf32>
      %swap3A_1111 = arith.index_cast %scan3A_753 : i32 to index
      %swap3A_1112 = arith.constant 816 : index
      %swap3A_1113 = tpu.vector_load %arg7[%swap3A_1111, %swap3A_1112] {strides = array<i32>} : memref<32x1024xf32, #tpu.memory_space<vmem>>, vector<1x16xf32>,
      %swap3A_1114 = vector.shape_cast %swap3A_1113 : vector<1x16xf32> to vector<16xf32>
      %swap3A_1115 = vector.shape_cast %broadcast_in_dim3A_1110 : vector<16xf32> to vector<1x16xf32>
      tpu.vector_store %arg7[%swap3A_1111, %swap3A_1112], %swap3A_1115 {strides = array<i32>} : memref<32x1024xf32, #tpu.memory_space<vmem>>, vector<1x16xf32>,
      %broadcast_in_dim3A_1116 = arith.constant 0.000000e+00 : f32
      %broadcast_in_dim3A_1117 = vector.broadcast %broadcast_in_dim3A_1116 : f32 to vector<16xf32>
      %swap3A_1118 = arith.index_cast %scan3A_753 : i32 to index
      %swap3A_1119 = arith.constant 832 : index
      %swap3A_1120 = tpu.vector_load %arg7[%swap3A_1118, %swap3A_1119] {strides = array<i32>} : memref<32x1024xf32, #tpu.memory_space<vmem>>, vector<1x16xf32>,
      %swap3A_1121 = vector.shape_cast %swap3A_1120 : vector<1x16xf32> to vector<16xf32>
      %swap3A_1122 = vector.shape_cast %broadcast_in_dim3A_1117 : vector<16xf32> to vector<1x16xf32>
      tpu.vector_store %arg7[%swap3A_1118, %swap3A_1119], %swap3A_1122 {strides = array<i32>} : memref<32x1024xf32, #tpu.memory_space<vmem>>, vector<1x16xf32>,
      %broadcast_in_dim3A_1123 = arith.constant 0.000000e+00 : f32
      %broadcast_in_dim3A_1124 = vector.broadcast %broadcast_in_dim3A_1123 : f32 to vector<16xf32>
      %swap3A_1125 = arith.index_cast %scan3A_753 : i32 to index
      %swap3A_1126 = arith.constant 848 : index
      %swap3A_1127 = tpu.vector_load %arg7[%swap3A_1125, %swap3A_1126] {strides = array<i32>} : memref<32x1024xf32, #tpu.memory_space<vmem>>, vector<1x16xf32>,
      %swap3A_1128 = vector.shape_cast %swap3A_1127 : vector<1x16xf32> to vector<16xf32>
      %swap3A_1129 = vector.shape_cast %broadcast_in_dim3A_1124 : vector<16xf32> to vector<1x16xf32>
      tpu.vector_store %arg7[%swap3A_1125, %swap3A_1126], %swap3A_1129 {strides = array<i32>} : memref<32x1024xf32, #tpu.memory_space<vmem>>, vector<1x16xf32>,
      %broadcast_in_dim3A_1130 = arith.constant 0.000000e+00 : f32
      %broadcast_in_dim3A_1131 = vector.broadcast %broadcast_in_dim3A_1130 : f32 to vector<16xf32>
      %swap3A_1132 = arith.index_cast %scan3A_753 : i32 to index
      %swap3A_1133 = arith.constant 864 : index
      %swap3A_1134 = tpu.vector_load %arg7[%swap3A_1132, %swap3A_1133] {strides = array<i32>} : memref<32x1024xf32, #tpu.memory_space<vmem>>, vector<1x16xf32>,
      %swap3A_1135 = vector.shape_cast %swap3A_1134 : vector<1x16xf32> to vector<16xf32>
      %swap3A_1136 = vector.shape_cast %broadcast_in_dim3A_1131 : vector<16xf32> to vector<1x16xf32>
      tpu.vector_store %arg7[%swap3A_1132, %swap3A_1133], %swap3A_1136 {strides = array<i32>} : memref<32x1024xf32, #tpu.memory_space<vmem>>, vector<1x16xf32>,
      %broadcast_in_dim3A_1137 = arith.constant 0.000000e+00 : f32
      %broadcast_in_dim3A_1138 = vector.broadcast %broadcast_in_dim3A_1137 : f32 to vector<16xf32>
      %swap3A_1139 = arith.index_cast %scan3A_753 : i32 to index
      %swap3A_1140 = arith.constant 880 : index
      %swap3A_1141 = tpu.vector_load %arg7[%swap3A_1139, %swap3A_1140] {strides = array<i32>} : memref<32x1024xf32, #tpu.memory_space<vmem>>, vector<1x16xf32>,
      %swap3A_1142 = vector.shape_cast %swap3A_1141 : vector<1x16xf32> to vector<16xf32>
      %swap3A_1143 = vector.shape_cast %broadcast_in_dim3A_1138 : vector<16xf32> to vector<1x16xf32>
      tpu.vector_store %arg7[%swap3A_1139, %swap3A_1140], %swap3A_1143 {strides = array<i32>} : memref<32x1024xf32, #tpu.memory_space<vmem>>, vector<1x16xf32>,
      %broadcast_in_dim3A_1144 = arith.constant 0.000000e+00 : f32
      %broadcast_in_dim3A_1145 = vector.broadcast %broadcast_in_dim3A_1144 : f32 to vector<16xf32>
      %swap3A_1146 = arith.index_cast %scan3A_753 : i32 to index
      %swap3A_1147 = arith.constant 896 : index
      %swap3A_1148 = tpu.vector_load %arg7[%swap3A_1146, %swap3A_1147] {strides = array<i32>} : memref<32x1024xf32, #tpu.memory_space<vmem>>, vector<1x16xf32>,
      %swap3A_1149 = vector.shape_cast %swap3A_1148 : vector<1x16xf32> to vector<16xf32>
      %swap3A_1150 = vector.shape_cast %broadcast_in_dim3A_1145 : vector<16xf32> to vector<1x16xf32>
      tpu.vector_store %arg7[%swap3A_1146, %swap3A_1147], %swap3A_1150 {strides = array<i32>} : memref<32x1024xf32, #tpu.memory_space<vmem>>, vector<1x16xf32>,
      %broadcast_in_dim3A_1151 = arith.constant 0.000000e+00 : f32
      %broadcast_in_dim3A_1152 = vector.broadcast %broadcast_in_dim3A_1151 : f32 to vector<16xf32>
      %swap3A_1153 = arith.index_cast %scan3A_753 : i32 to index
      %swap3A_1154 = arith.constant 912 : index
      %swap3A_1155 = tpu.vector_load %arg7[%swap3A_1153, %swap3A_1154] {strides = array<i32>} : memref<32x1024xf32, #tpu.memory_space<vmem>>, vector<1x16xf32>,
      %swap3A_1156 = vector.shape_cast %swap3A_1155 : vector<1x16xf32> to vector<16xf32>
      %swap3A_1157 = vector.shape_cast %broadcast_in_dim3A_1152 : vector<16xf32> to vector<1x16xf32>
      tpu.vector_store %arg7[%swap3A_1153, %swap3A_1154], %swap3A_1157 {strides = array<i32>} : memref<32x1024xf32, #tpu.memory_space<vmem>>, vector<1x16xf32>,
      %broadcast_in_dim3A_1158 = arith.constant 0.000000e+00 : f32
      %broadcast_in_dim3A_1159 = vector.broadcast %broadcast_in_dim3A_1158 : f32 to vector<16xf32>
      %swap3A_1160 = arith.index_cast %scan3A_753 : i32 to index
      %swap3A_1161 = arith.constant 928 : index
      %swap3A_1162 = tpu.vector_load %arg7[%swap3A_1160, %swap3A_1161] {strides = array<i32>} : memref<32x1024xf32, #tpu.memory_space<vmem>>, vector<1x16xf32>,
      %swap3A_1163 = vector.shape_cast %swap3A_1162 : vector<1x16xf32> to vector<16xf32>
      %swap3A_1164 = vector.shape_cast %broadcast_in_dim3A_1159 : vector<16xf32> to vector<1x16xf32>
      tpu.vector_store %arg7[%swap3A_1160, %swap3A_1161], %swap3A_1164 {strides = array<i32>} : memref<32x1024xf32, #tpu.memory_space<vmem>>, vector<1x16xf32>,
      %broadcast_in_dim3A_1165 = arith.constant 0.000000e+00 : f32
      %broadcast_in_dim3A_1166 = vector.broadcast %broadcast_in_dim3A_1165 : f32 to vector<16xf32>
      %swap3A_1167 = arith.index_cast %scan3A_753 : i32 to index
      %swap3A_1168 = arith.constant 944 : index
      %swap3A_1169 = tpu.vector_load %arg7[%swap3A_1167, %swap3A_1168] {strides = array<i32>} : memref<32x1024xf32, #tpu.memory_space<vmem>>, vector<1x16xf32>,
      %swap3A_1170 = vector.shape_cast %swap3A_1169 : vector<1x16xf32> to vector<16xf32>
      %swap3A_1171 = vector.shape_cast %broadcast_in_dim3A_1166 : vector<16xf32> to vector<1x16xf32>
      tpu.vector_store %arg7[%swap3A_1167, %swap3A_1168], %swap3A_1171 {strides = array<i32>} : memref<32x1024xf32, #tpu.memory_space<vmem>>, vector<1x16xf32>,
      %broadcast_in_dim3A_1172 = arith.constant 0.000000e+00 : f32
      %broadcast_in_dim3A_1173 = vector.broadcast %broadcast_in_dim3A_1172 : f32 to vector<16xf32>
      %swap3A_1174 = arith.index_cast %scan3A_753 : i32 to index
      %swap3A_1175 = arith.constant 960 : index
      %swap3A_1176 = tpu.vector_load %arg7[%swap3A_1174, %swap3A_1175] {strides = array<i32>} : memref<32x1024xf32, #tpu.memory_space<vmem>>, vector<1x16xf32>,
      %swap3A_1177 = vector.shape_cast %swap3A_1176 : vector<1x16xf32> to vector<16xf32>
      %swap3A_1178 = vector.shape_cast %broadcast_in_dim3A_1173 : vector<16xf32> to vector<1x16xf32>
      tpu.vector_store %arg7[%swap3A_1174, %swap3A_1175], %swap3A_1178 {strides = array<i32>} : memref<32x1024xf32, #tpu.memory_space<vmem>>, vector<1x16xf32>,
      %broadcast_in_dim3A_1179 = arith.constant 0.000000e+00 : f32
      %broadcast_in_dim3A_1180 = vector.broadcast %broadcast_in_dim3A_1179 : f32 to vector<16xf32>
      %swap3A_1181 = arith.index_cast %scan3A_753 : i32 to index
      %swap3A_1182 = arith.constant 976 : index
      %swap3A_1183 = tpu.vector_load %arg7[%swap3A_1181, %swap3A_1182] {strides = array<i32>} : memref<32x1024xf32, #tpu.memory_space<vmem>>, vector<1x16xf32>,
      %swap3A_1184 = vector.shape_cast %swap3A_1183 : vector<1x16xf32> to vector<16xf32>
      %swap3A_1185 = vector.shape_cast %broadcast_in_dim3A_1180 : vector<16xf32> to vector<1x16xf32>
      tpu.vector_store %arg7[%swap3A_1181, %swap3A_1182], %swap3A_1185 {strides = array<i32>} : memref<32x1024xf32, #tpu.memory_space<vmem>>, vector<1x16xf32>,
      %broadcast_in_dim3A_1186 = arith.constant 0.000000e+00 : f32
      %broadcast_in_dim3A_1187 = vector.broadcast %broadcast_in_dim3A_1186 : f32 to vector<16xf32>
      %swap3A_1188 = arith.index_cast %scan3A_753 : i32 to index
      %swap3A_1189 = arith.constant 992 : index
      %swap3A_1190 = tpu.vector_load %arg7[%swap3A_1188, %swap3A_1189] {strides = array<i32>} : memref<32x1024xf32, #tpu.memory_space<vmem>>, vector<1x16xf32>,
      %swap3A_1191 = vector.shape_cast %swap3A_1190 : vector<1x16xf32> to vector<16xf32>
      %swap3A_1192 = vector.shape_cast %broadcast_in_dim3A_1187 : vector<16xf32> to vector<1x16xf32>
      tpu.vector_store %arg7[%swap3A_1188, %swap3A_1189], %swap3A_1192 {strides = array<i32>} : memref<32x1024xf32, #tpu.memory_space<vmem>>, vector<1x16xf32>,
      %broadcast_in_dim3A_1193 = arith.constant 0.000000e+00 : f32
      %broadcast_in_dim3A_1194 = vector.broadcast %broadcast_in_dim3A_1193 : f32 to vector<16xf32>
      %swap3A_1195 = arith.index_cast %scan3A_753 : i32 to index
      %swap3A_1196 = arith.constant 1008 : index
      %swap3A_1197 = tpu.vector_load %arg7[%swap3A_1195, %swap3A_1196] {strides = array<i32>} : memref<32x1024xf32, #tpu.memory_space<vmem>>, vector<1x16xf32>,
      %swap3A_1198 = vector.shape_cast %swap3A_1197 : vector<1x16xf32> to vector<16xf32>
      %swap3A_1199 = vector.shape_cast %broadcast_in_dim3A_1194 : vector<16xf32> to vector<1x16xf32>
      tpu.vector_store %arg7[%swap3A_1195, %swap3A_1196], %swap3A_1199 {strides = array<i32>} : memref<32x1024xf32, #tpu.memory_space<vmem>>, vector<1x16xf32>,
    }
    %scan3A_7 = arith.constant 32 : i32
    %run_scoped3A = arith.constant 0 : i32
    %run_scoped3A_8 = arith.constant 0 : i32
    "tpu.region"() ({
      %run_scoped3A_753 = tpu.sem_alloc : memref<!tpu.dma_semaphore, #tpu.memory_space<semaphore_mem>>
      %dma_start3A_754 = arith.constant 0 : i32
      %dma_start3A_755 = arith.constant 0 : i32
      %dma_start3A_756 = tpu.memref_slice %arg6[%run_scoped3A_8, %dma_start3A_754, %dma_start3A_755] : memref<2x4x32xi32, #tpu.memory_space<vmem>> -> memref<1x4x32xi32, #tpu.memory_space<vmem>>
      %dma_start3A_757 = tpu.memref_squeeze %dma_start3A_756 : memref<1x4x32xi32, #tpu.memory_space<vmem>> -> memref<4x32xi32, #tpu.memory_space<vmem>>
      %dma_start3A_758 = arith.constant 0 : i32
      %dma_start3A_759 = arith.constant 0 : i32
      %dma_start3A_760 = tpu.memref_slice %arg3[%run_scoped3A, %add3A, %dma_start3A_758, %dma_start3A_759] : memref<2x32x4x32xi32, #tpu.memory_space<hbm>> -> memref<1x1x4x32xi32, #tpu.memory_space<hbm>>
      %dma_start3A_761 = tpu.memref_squeeze %dma_start3A_760 : memref<1x1x4x32xi32, #tpu.memory_space<hbm>> -> memref<4x32xi32, #tpu.memory_space<hbm>>
      %dma_start3A_762 = arith.constant 0 : i32
      %dma_start3A_763 = arith.constant 0 : i32
      %dma_start3A_764 = tpu.memref_slice %arg6[%run_scoped3A_8, %dma_start3A_762, %dma_start3A_763] : memref<2x4x32xi32, #tpu.memory_space<vmem>> -> memref<1x4x32xi32, #tpu.memory_space<vmem>>
      %dma_start3A_765 = tpu.memref_squeeze %dma_start3A_764 : memref<1x4x32xi32, #tpu.memory_space<vmem>> -> memref<4x32xi32, #tpu.memory_space<vmem>>
      %dma_start3A_766 = arith.constant 0 : i32
      %dma_start3A_767 = arith.constant 0 : i32
      %dma_start3A_768 = tpu.memref_slice %arg3[%run_scoped3A, %add3A, %dma_start3A_766, %dma_start3A_767] : memref<2x32x4x32xi32, #tpu.memory_space<hbm>> -> memref<1x1x4x32xi32, #tpu.memory_space<hbm>>
      %dma_start3A_769 = tpu.memref_squeeze %dma_start3A_768 : memref<1x1x4x32xi32, #tpu.memory_space<hbm>> -> memref<4x32xi32, #tpu.memory_space<hbm>>
      tpu.enqueue_dma source(%dma_start3A_769 : memref<4x32xi32, #tpu.memory_space<hbm>>) target(%dma_start3A_765 : memref<4x32xi32, #tpu.memory_space<vmem>>) target_semaphore(%run_scoped3A_753 : memref<!tpu.dma_semaphore, #tpu.memory_space<semaphore_mem>>)
      %dma_wait3A_770 = arith.constant 0 : i32
      %dma_wait3A_771 = arith.constant 0 : i32
      %dma_wait3A_772 = tpu.memref_slice %arg6[%run_scoped3A_8, %dma_wait3A_770, %dma_wait3A_771] : memref<2x4x32xi32, #tpu.memory_space<vmem>> -> memref<1x4x32xi32, #tpu.memory_space<vmem>>
      %dma_wait3A_773 = tpu.memref_squeeze %dma_wait3A_772 : memref<1x4x32xi32, #tpu.memory_space<vmem>> -> memref<4x32xi32, #tpu.memory_space<vmem>>
      %dma_wait3A_774 = arith.constant 0 : i32
      %dma_wait3A_775 = arith.constant 0 : i32
      %dma_wait3A_776 = tpu.memref_slice %arg3[%run_scoped3A, %add3A, %dma_wait3A_774, %dma_wait3A_775] : memref<2x32x4x32xi32, #tpu.memory_space<hbm>> -> memref<1x1x4x32xi32, #tpu.memory_space<hbm>>
      %dma_wait3A_777 = tpu.memref_squeeze %dma_wait3A_776 : memref<1x1x4x32xi32, #tpu.memory_space<hbm>> -> memref<4x32xi32, #tpu.memory_space<hbm>>
      %dma_wait3A_778 = arith.constant 0 : i32
      %dma_wait3A_779 = arith.constant 0 : i32
      %dma_wait3A_780 = tpu.memref_slice %arg6[%run_scoped3A_8, %dma_wait3A_778, %dma_wait3A_779] : memref<2x4x32xi32, #tpu.memory_space<vmem>> -> memref<1x4x32xi32, #tpu.memory_space<vmem>>
      %dma_wait3A_781 = tpu.memref_squeeze %dma_wait3A_780 : memref<1x4x32xi32, #tpu.memory_space<vmem>> -> memref<4x32xi32, #tpu.memory_space<vmem>>
      %dma_wait3A_782 = arith.constant 0 : i32
      %dma_wait3A_783 = arith.constant 0 : i32
      %dma_wait3A_784 = tpu.memref_slice %arg3[%run_scoped3A, %add3A, %dma_wait3A_782, %dma_wait3A_783] : memref<2x32x4x32xi32, #tpu.memory_space<hbm>> -> memref<1x1x4x32xi32, #tpu.memory_space<hbm>>
      %dma_wait3A_785 = tpu.memref_squeeze %dma_wait3A_784 : memref<1x1x4x32xi32, #tpu.memory_space<hbm>> -> memref<4x32xi32, #tpu.memory_space<hbm>>
      tpu.wait_dma2 semaphore(%run_scoped3A_753 : memref<!tpu.dma_semaphore, #tpu.memory_space<semaphore_mem>>) src(%dma_wait3A_785 : memref<4x32xi32, #tpu.memory_space<hbm>>) dst(%dma_wait3A_781 : memref<4x32xi32, #tpu.memory_space<vmem>>)
      tpu.yield
    }) : () -> ()
    %run_scoped3A_9 = arith.constant 1 : i32
    %run_scoped3A_10 = arith.constant 1 : i32
    "tpu.region"() ({
      %run_scoped3A_753 = tpu.sem_alloc : memref<!tpu.dma_semaphore, #tpu.memory_space<semaphore_mem>>
      %dma_start3A_754 = arith.constant 0 : i32
      %dma_start3A_755 = arith.constant 0 : i32
      %dma_start3A_756 = tpu.memref_slice %arg6[%run_scoped3A_10, %dma_start3A_754, %dma_start3A_755] : memref<2x4x32xi32, #tpu.memory_space<vmem>> -> memref<1x4x32xi32, #tpu.memory_space<vmem>>
      %dma_start3A_757 = tpu.memref_squeeze %dma_start3A_756 : memref<1x4x32xi32, #tpu.memory_space<vmem>> -> memref<4x32xi32, #tpu.memory_space<vmem>>
      %dma_start3A_758 = arith.constant 0 : i32
      %dma_start3A_759 = arith.constant 0 : i32
      %dma_start3A_760 = tpu.memref_slice %arg3[%run_scoped3A_9, %add3A, %dma_start3A_758, %dma_start3A_759] : memref<2x32x4x32xi32, #tpu.memory_space<hbm>> -> memref<1x1x4x32xi32, #tpu.memory_space<hbm>>
      %dma_start3A_761 = tpu.memref_squeeze %dma_start3A_760 : memref<1x1x4x32xi32, #tpu.memory_space<hbm>> -> memref<4x32xi32, #tpu.memory_space<hbm>>
      %dma_start3A_762 = arith.constant 0 : i32
      %dma_start3A_763 = arith.constant 0 : i32
      %dma_start3A_764 = tpu.memref_slice %arg6[%run_scoped3A_10, %dma_start3A_762, %dma_start3A_763] : memref<2x4x32xi32, #tpu.memory_space<vmem>> -> memref<1x4x32xi32, #tpu.memory_space<vmem>>
      %dma_start3A_765 = tpu.memref_squeeze %dma_start3A_764 : memref<1x4x32xi32, #tpu.memory_space<vmem>> -> memref<4x32xi32, #tpu.memory_space<vmem>>
      %dma_start3A_766 = arith.constant 0 : i32
      %dma_start3A_767 = arith.constant 0 : i32
      %dma_start3A_768 = tpu.memref_slice %arg3[%run_scoped3A_9, %add3A, %dma_start3A_766, %dma_start3A_767] : memref<2x32x4x32xi32, #tpu.memory_space<hbm>> -> memref<1x1x4x32xi32, #tpu.memory_space<hbm>>
      %dma_start3A_769 = tpu.memref_squeeze %dma_start3A_768 : memref<1x1x4x32xi32, #tpu.memory_space<hbm>> -> memref<4x32xi32, #tpu.memory_space<hbm>>
      tpu.enqueue_dma source(%dma_start3A_769 : memref<4x32xi32, #tpu.memory_space<hbm>>) target(%dma_start3A_765 : memref<4x32xi32, #tpu.memory_space<vmem>>) target_semaphore(%run_scoped3A_753 : memref<!tpu.dma_semaphore, #tpu.memory_space<semaphore_mem>>)
      %dma_wait3A_770 = arith.constant 0 : i32
      %dma_wait3A_771 = arith.constant 0 : i32
      %dma_wait3A_772 = tpu.memref_slice %arg6[%run_scoped3A_10, %dma_wait3A_770, %dma_wait3A_771] : memref<2x4x32xi32, #tpu.memory_space<vmem>> -> memref<1x4x32xi32, #tpu.memory_space<vmem>>
      %dma_wait3A_773 = tpu.memref_squeeze %dma_wait3A_772 : memref<1x4x32xi32, #tpu.memory_space<vmem>> -> memref<4x32xi32, #tpu.memory_space<vmem>>
      %dma_wait3A_774 = arith.constant 0 : i32
      %dma_wait3A_775 = arith.constant 0 : i32
      %dma_wait3A_776 = tpu.memref_slice %arg3[%run_scoped3A_9, %add3A, %dma_wait3A_774, %dma_wait3A_775] : memref<2x32x4x32xi32, #tpu.memory_space<hbm>> -> memref<1x1x4x32xi32, #tpu.memory_space<hbm>>
      %dma_wait3A_777 = tpu.memref_squeeze %dma_wait3A_776 : memref<1x1x4x32xi32, #tpu.memory_space<hbm>> -> memref<4x32xi32, #tpu.memory_space<hbm>>
      %dma_wait3A_778 = arith.constant 0 : i32
      %dma_wait3A_779 = arith.constant 0 : i32
      %dma_wait3A_780 = tpu.memref_slice %arg6[%run_scoped3A_10, %dma_wait3A_778, %dma_wait3A_779] : memref<2x4x32xi32, #tpu.memory_space<vmem>> -> memref<1x4x32xi32, #tpu.memory_space<vmem>>
      %dma_wait3A_781 = tpu.memref_squeeze %dma_wait3A_780 : memref<1x4x32xi32, #tpu.memory_space<vmem>> -> memref<4x32xi32, #tpu.memory_space<vmem>>
      %dma_wait3A_782 = arith.constant 0 : i32
      %dma_wait3A_783 = arith.constant 0 : i32
      %dma_wait3A_784 = tpu.memref_slice %arg3[%run_scoped3A_9, %add3A, %dma_wait3A_782, %dma_wait3A_783] : memref<2x32x4x32xi32, #tpu.memory_space<hbm>> -> memref<1x1x4x32xi32, #tpu.memory_space<hbm>>
      %dma_wait3A_785 = tpu.memref_squeeze %dma_wait3A_784 : memref<1x1x4x32xi32, #tpu.memory_space<hbm>> -> memref<4x32xi32, #tpu.memory_space<hbm>>
      tpu.wait_dma2 semaphore(%run_scoped3A_753 : memref<!tpu.dma_semaphore, #tpu.memory_space<semaphore_mem>>) src(%dma_wait3A_785 : memref<4x32xi32, #tpu.memory_space<hbm>>) dst(%dma_wait3A_781 : memref<4x32xi32, #tpu.memory_space<vmem>>)
      tpu.yield
    }) : () -> ()
    %add3A_11 = arith.constant 0 : i32
    %add3A_12 = arith.addi %mul3A_2, %add3A_11 : i32
    %mul3A_13 = arith.constant 8 : i32
    %mul3A_14 = arith.muli %add3A_12, %mul3A_13 : i32
    %add3A_15 = arith.constant 0 : i32
    %add3A_16 = arith.addi %mul3A_14, %add3A_15 : i32
    %dma_start3A = arith.constant 0 : i32
    %dma_start3A_17 = tpu.memref_slice %arg4[%add3A_16, %dma_start3A] : memref<32768x1024xf32, #tpu.memory_space<hbm>> -> memref<32x1024xf32, #tpu.memory_space<hbm>>
    %dma_start3A_18 = arith.constant 0 : i32
    %dma_start3A_19 = tpu.memref_slice %arg4[%add3A_16, %dma_start3A_18] : memref<32768x1024xf32, #tpu.memory_space<hbm>> -> memref<32x1024xf32, #tpu.memory_space<hbm>>
    tpu.enqueue_dma source(%arg7 : memref<32x1024xf32, #tpu.memory_space<vmem>>) target(%dma_start3A_19 : memref<32x1024xf32, #tpu.memory_space<hbm>>) target_semaphore(%arg8 : memref<!tpu.dma_semaphore, #tpu.memory_space<semaphore_mem>>)
    %add3A_20 = arith.constant 32 : i32
    %add3A_21 = arith.addi %mul3A_14, %add3A_20 : i32
    %dma_start3A_22 = arith.constant 0 : i32
    %dma_start3A_23 = tpu.memref_slice %arg4[%add3A_21, %dma_start3A_22] : memref<32768x1024xf32, #tpu.memory_space<hbm>> -> memref<32x1024xf32, #tpu.memory_space<hbm>>
    %dma_start3A_24 = arith.constant 0 : i32
    %dma_start3A_25 = tpu.memref_slice %arg4[%add3A_21, %dma_start3A_24] : memref<32768x1024xf32, #tpu.memory_space<hbm>> -> memref<32x1024xf32, #tpu.memory_space<hbm>>
    tpu.enqueue_dma source(%arg7 : memref<32x1024xf32, #tpu.memory_space<vmem>>) target(%dma_start3A_25 : memref<32x1024xf32, #tpu.memory_space<hbm>>) target_semaphore(%arg8 : memref<!tpu.dma_semaphore, #tpu.memory_space<semaphore_mem>>)
    %add3A_26 = arith.constant 64 : i32
    %add3A_27 = arith.addi %mul3A_14, %add3A_26 : i32
    %dma_start3A_28 = arith.constant 0 : i32
    %dma_start3A_29 = tpu.memref_slice %arg4[%add3A_27, %dma_start3A_28] : memref<32768x1024xf32, #tpu.memory_space<hbm>> -> memref<32x1024xf32, #tpu.memory_space<hbm>>
    %dma_start3A_30 = arith.constant 0 : i32
    %dma_start3A_31 = tpu.memref_slice %arg4[%add3A_27, %dma_start3A_30] : memref<32768x1024xf32, #tpu.memory_space<hbm>> -> memref<32x1024xf32, #tpu.memory_space<hbm>>
    tpu.enqueue_dma source(%arg7 : memref<32x1024xf32, #tpu.memory_space<vmem>>) target(%dma_start3A_31 : memref<32x1024xf32, #tpu.memory_space<hbm>>) target_semaphore(%arg8 : memref<!tpu.dma_semaphore, #tpu.memory_space<semaphore_mem>>)
    %add3A_32 = arith.constant 96 : i32
    %add3A_33 = arith.addi %mul3A_14, %add3A_32 : i32
    %dma_start3A_34 = arith.constant 0 : i32
    %dma_start3A_35 = tpu.memref_slice %arg4[%add3A_33, %dma_start3A_34] : memref<32768x1024xf32, #tpu.memory_space<hbm>> -> memref<32x1024xf32, #tpu.memory_space<hbm>>
    %dma_start3A_36 = arith.constant 0 : i32
    %dma_start3A_37 = tpu.memref_slice %arg4[%add3A_33, %dma_start3A_36] : memref<32768x1024xf32, #tpu.memory_space<hbm>> -> memref<32x1024xf32, #tpu.memory_space<hbm>>
    tpu.enqueue_dma source(%arg7 : memref<32x1024xf32, #tpu.memory_space<vmem>>) target(%dma_start3A_37 : memref<32x1024xf32, #tpu.memory_space<hbm>>) target_semaphore(%arg8 : memref<!tpu.dma_semaphore, #tpu.memory_space<semaphore_mem>>)
    %add3A_38 = arith.constant 128 : i32
    %add3A_39 = arith.addi %mul3A_14, %add3A_38 : i32
    %dma_start3A_40 = arith.constant 0 : i32
    %dma_start3A_41 = tpu.memref_slice %arg4[%add3A_39, %dma_start3A_40] : memref<32768x1024xf32, #tpu.memory_space<hbm>> -> memref<32x1024xf32, #tpu.memory_space<hbm>>
    %dma_start3A_42 = arith.constant 0 : i32
    %dma_start3A_43 = tpu.memref_slice %arg4[%add3A_39, %dma_start3A_42] : memref<32768x1024xf32, #tpu.memory_space<hbm>> -> memref<32x1024xf32, #tpu.memory_space<hbm>>
    tpu.enqueue_dma source(%arg7 : memref<32x1024xf32, #tpu.memory_space<vmem>>) target(%dma_start3A_43 : memref<32x1024xf32, #tpu.memory_space<hbm>>) target_semaphore(%arg8 : memref<!tpu.dma_semaphore, #tpu.memory_space<semaphore_mem>>)
    %add3A_44 = arith.constant 160 : i32
    %add3A_45 = arith.addi %mul3A_14, %add3A_44 : i32
    %dma_start3A_46 = arith.constant 0 : i32
    %dma_start3A_47 = tpu.memref_slice %arg4[%add3A_45, %dma_start3A_46] : memref<32768x1024xf32, #tpu.memory_space<hbm>> -> memref<32x1024xf32, #tpu.memory_space<hbm>>
    %dma_start3A_48 = arith.constant 0 : i32
    %dma_start3A_49 = tpu.memref_slice %arg4[%add3A_45, %dma_start3A_48] : memref<32768x1024xf32, #tpu.memory_space<hbm>> -> memref<32x1024xf32, #tpu.memory_space<hbm>>
    tpu.enqueue_dma source(%arg7 : memref<32x1024xf32, #tpu.memory_space<vmem>>) target(%dma_start3A_49 : memref<32x1024xf32, #tpu.memory_space<hbm>>) target_semaphore(%arg8 : memref<!tpu.dma_semaphore, #tpu.memory_space<semaphore_mem>>)
    %add3A_50 = arith.constant 192 : i32
    %add3A_51 = arith.addi %mul3A_14, %add3A_50 : i32
    %dma_start3A_52 = arith.constant 0 : i32
    %dma_start3A_53 = tpu.memref_slice %arg4[%add3A_51, %dma_start3A_52] : memref<32768x1024xf32, #tpu.memory_space<hbm>> -> memref<32x1024xf32, #tpu.memory_space<hbm>>
    %dma_start3A_54 = arith.constant 0 : i32
    %dma_start3A_55 = tpu.memref_slice %arg4[%add3A_51, %dma_start3A_54] : memref<32768x1024xf32, #tpu.memory_space<hbm>> -> memref<32x1024xf32, #tpu.memory_space<hbm>>
    tpu.enqueue_dma source(%arg7 : memref<32x1024xf32, #tpu.memory_space<vmem>>) target(%dma_start3A_55 : memref<32x1024xf32, #tpu.memory_space<hbm>>) target_semaphore(%arg8 : memref<!tpu.dma_semaphore, #tpu.memory_space<semaphore_mem>>)
    %add3A_56 = arith.constant 224 : i32
    %add3A_57 = arith.addi %mul3A_14, %add3A_56 : i32
    %dma_start3A_58 = arith.constant 0 : i32
    %dma_start3A_59 = tpu.memref_slice %arg4[%add3A_57, %dma_start3A_58] : memref<32768x1024xf32, #tpu.memory_space<hbm>> -> memref<32x1024xf32, #tpu.memory_space<hbm>>
    %dma_start3A_60 = arith.constant 0 : i32
    %dma_start3A_61 = tpu.memref_slice %arg4[%add3A_57, %dma_start3A_60] : memref<32768x1024xf32, #tpu.memory_space<hbm>> -> memref<32x1024xf32, #tpu.memory_space<hbm>>
    tpu.enqueue_dma source(%arg7 : memref<32x1024xf32, #tpu.memory_space<vmem>>) target(%dma_start3A_61 : memref<32x1024xf32, #tpu.memory_space<hbm>>) target_semaphore(%arg8 : memref<!tpu.dma_semaphore, #tpu.memory_space<semaphore_mem>>)
    %add3A_62 = arith.constant 0 : i32
    %add3A_63 = arith.addi %mul3A_2, %add3A_62 : i32
    %dma_start3A_64 = arith.constant 0 : i32
    %dma_start3A_65 = arith.constant 0 : i32
    %dma_start3A_66 = arith.constant 0 : i32
    %dma_start3A_67 = tpu.memref_slice %arg5[%dma_start3A_64, %dma_start3A_65, %dma_start3A_66] : memref<2x32x1024xf32, #tpu.memory_space<vmem>> -> memref<1x32x1024xf32, #tpu.memory_space<vmem>>
    %dma_start3A_68 = tpu.memref_squeeze %dma_start3A_67 : memref<1x32x1024xf32, #tpu.memory_space<vmem>> -> memref<32x1024xf32, #tpu.memory_space<vmem>>
    %dma_start3A_69 = arith.constant 0 : i32
    %dma_start3A_70 = tpu.memref_slice %arg2[%add3A_63, %dma_start3A_69] : memref<4096x1024xf32, #tpu.memory_space<hbm>> -> memref<32x1024xf32, #tpu.memory_space<hbm>>
    %dma_start3A_71 = arith.constant 0 : i32
    %dma_start3A_72 = arith.constant 0 : i32
    %dma_start3A_73 = tpu.memref_slice %arg5[%dma_start3A_64, %dma_start3A_71, %dma_start3A_72] : memref<2x32x1024xf32, #tpu.memory_space<vmem>> -> memref<1x32x1024xf32, #tpu.memory_space<vmem>>
    %dma_start3A_74 = tpu.memref_squeeze %dma_start3A_73 : memref<1x32x1024xf32, #tpu.memory_space<vmem>> -> memref<32x1024xf32, #tpu.memory_space<vmem>>
    %dma_start3A_75 = arith.constant 0 : i32
    %dma_start3A_76 = tpu.memref_slice %arg2[%add3A_63, %dma_start3A_75] : memref<4096x1024xf32, #tpu.memory_space<hbm>> -> memref<32x1024xf32, #tpu.memory_space<hbm>>
    tpu.enqueue_dma source(%dma_start3A_76 : memref<32x1024xf32, #tpu.memory_space<hbm>>) target(%dma_start3A_74 : memref<32x1024xf32, #tpu.memory_space<vmem>>) target_semaphore(%arg12 : memref<!tpu.dma_semaphore, #tpu.memory_space<semaphore_mem>>)
    %add3A_77 = arith.constant 32 : i32
    %add3A_78 = arith.addi %mul3A_2, %add3A_77 : i32
    %mul3A_79 = arith.constant 8 : i32
    %mul3A_80 = arith.muli %add3A_78, %mul3A_79 : i32
    %add3A_81 = arith.constant 0 : i32
    %add3A_82 = arith.addi %mul3A_80, %add3A_81 : i32
    %dma_start3A_83 = arith.constant 0 : i32
    %dma_start3A_84 = tpu.memref_slice %arg4[%add3A_82, %dma_start3A_83] : memref<32768x1024xf32, #tpu.memory_space<hbm>> -> memref<32x1024xf32, #tpu.memory_space<hbm>>
    %dma_start3A_85 = arith.constant 0 : i32
    %dma_start3A_86 = tpu.memref_slice %arg4[%add3A_82, %dma_start3A_85] : memref<32768x1024xf32, #tpu.memory_space<hbm>> -> memref<32x1024xf32, #tpu.memory_space<hbm>>
    tpu.enqueue_dma source(%arg7 : memref<32x1024xf32, #tpu.memory_space<vmem>>) target(%dma_start3A_86 : memref<32x1024xf32, #tpu.memory_space<hbm>>) target_semaphore(%arg9 : memref<!tpu.dma_semaphore, #tpu.memory_space<semaphore_mem>>)
    %add3A_87 = arith.constant 32 : i32
    %add3A_88 = arith.addi %mul3A_80, %add3A_87 : i32
    %dma_start3A_89 = arith.constant 0 : i32
    %dma_start3A_90 = tpu.memref_slice %arg4[%add3A_88, %dma_start3A_89] : memref<32768x1024xf32, #tpu.memory_space<hbm>> -> memref<32x1024xf32, #tpu.memory_space<hbm>>
    %dma_start3A_91 = arith.constant 0 : i32
    %dma_start3A_92 = tpu.memref_slice %arg4[%add3A_88, %dma_start3A_91] : memref<32768x1024xf32, #tpu.memory_space<hbm>> -> memref<32x1024xf32, #tpu.memory_space<hbm>>
    tpu.enqueue_dma source(%arg7 : memref<32x1024xf32, #tpu.memory_space<vmem>>) target(%dma_start3A_92 : memref<32x1024xf32, #tpu.memory_space<hbm>>) target_semaphore(%arg9 : memref<!tpu.dma_semaphore, #tpu.memory_space<semaphore_mem>>)
    %add3A_93 = arith.constant 64 : i32
    %add3A_94 = arith.addi %mul3A_80, %add3A_93 : i32
    %dma_start3A_95 = arith.constant 0 : i32
    %dma_start3A_96 = tpu.memref_slice %arg4[%add3A_94, %dma_start3A_95] : memref<32768x1024xf32, #tpu.memory_space<hbm>> -> memref<32x1024xf32, #tpu.memory_space<hbm>>
    %dma_start3A_97 = arith.constant 0 : i32
    %dma_start3A_98 = tpu.memref_slice %arg4[%add3A_94, %dma_start3A_97] : memref<32768x1024xf32, #tpu.memory_space<hbm>> -> memref<32x1024xf32, #tpu.memory_space<hbm>>
    tpu.enqueue_dma source(%arg7 : memref<32x1024xf32, #tpu.memory_space<vmem>>) target(%dma_start3A_98 : memref<32x1024xf32, #tpu.memory_space<hbm>>) target_semaphore(%arg9 : memref<!tpu.dma_semaphore, #tpu.memory_space<semaphore_mem>>)
    %add3A_99 = arith.constant 96 : i32
    %add3A_100 = arith.addi %mul3A_80, %add3A_99 : i32
    %dma_start3A_101 = arith.constant 0 : i32
    %dma_start3A_102 = tpu.memref_slice %arg4[%add3A_100, %dma_start3A_101] : memref<32768x1024xf32, #tpu.memory_space<hbm>> -> memref<32x1024xf32, #tpu.memory_space<hbm>>
    %dma_start3A_103 = arith.constant 0 : i32
    %dma_start3A_104 = tpu.memref_slice %arg4[%add3A_100, %dma_start3A_103] : memref<32768x1024xf32, #tpu.memory_space<hbm>> -> memref<32x1024xf32, #tpu.memory_space<hbm>>
    tpu.enqueue_dma source(%arg7 : memref<32x1024xf32, #tpu.memory_space<vmem>>) target(%dma_start3A_104 : memref<32x1024xf32, #tpu.memory_space<hbm>>) target_semaphore(%arg9 : memref<!tpu.dma_semaphore, #tpu.memory_space<semaphore_mem>>)
    %add3A_105 = arith.constant 128 : i32
    %add3A_106 = arith.addi %mul3A_80, %add3A_105 : i32
    %dma_start3A_107 = arith.constant 0 : i32
    %dma_start3A_108 = tpu.memref_slice %arg4[%add3A_106, %dma_start3A_107] : memref<32768x1024xf32, #tpu.memory_space<hbm>> -> memref<32x1024xf32, #tpu.memory_space<hbm>>
    %dma_start3A_109 = arith.constant 0 : i32
    %dma_start3A_110 = tpu.memref_slice %arg4[%add3A_106, %dma_start3A_109] : memref<32768x1024xf32, #tpu.memory_space<hbm>> -> memref<32x1024xf32, #tpu.memory_space<hbm>>
    tpu.enqueue_dma source(%arg7 : memref<32x1024xf32, #tpu.memory_space<vmem>>) target(%dma_start3A_110 : memref<32x1024xf32, #tpu.memory_space<hbm>>) target_semaphore(%arg9 : memref<!tpu.dma_semaphore, #tpu.memory_space<semaphore_mem>>)
    %add3A_111 = arith.constant 160 : i32
    %add3A_112 = arith.addi %mul3A_80, %add3A_111 : i32
    %dma_start3A_113 = arith.constant 0 : i32
    %dma_start3A_114 = tpu.memref_slice %arg4[%add3A_112, %dma_start3A_113] : memref<32768x1024xf32, #tpu.memory_space<hbm>> -> memref<32x1024xf32, #tpu.memory_space<hbm>>
    %dma_start3A_115 = arith.constant 0 : i32
    %dma_start3A_116 = tpu.memref_slice %arg4[%add3A_112, %dma_start3A_115] : memref<32768x1024xf32, #tpu.memory_space<hbm>> -> memref<32x1024xf32, #tpu.memory_space<hbm>>
    tpu.enqueue_dma source(%arg7 : memref<32x1024xf32, #tpu.memory_space<vmem>>) target(%dma_start3A_116 : memref<32x1024xf32, #tpu.memory_space<hbm>>) target_semaphore(%arg9 : memref<!tpu.dma_semaphore, #tpu.memory_space<semaphore_mem>>)
    %add3A_117 = arith.constant 192 : i32
    %add3A_118 = arith.addi %mul3A_80, %add3A_117 : i32
    %dma_start3A_119 = arith.constant 0 : i32
    %dma_start3A_120 = tpu.memref_slice %arg4[%add3A_118, %dma_start3A_119] : memref<32768x1024xf32, #tpu.memory_space<hbm>> -> memref<32x1024xf32, #tpu.memory_space<hbm>>
    %dma_start3A_121 = arith.constant 0 : i32
    %dma_start3A_122 = tpu.memref_slice %arg4[%add3A_118, %dma_start3A_121] : memref<32768x1024xf32, #tpu.memory_space<hbm>> -> memref<32x1024xf32, #tpu.memory_space<hbm>>
    tpu.enqueue_dma source(%arg7 : memref<32x1024xf32, #tpu.memory_space<vmem>>) target(%dma_start3A_122 : memref<32x1024xf32, #tpu.memory_space<hbm>>) target_semaphore(%arg9 : memref<!tpu.dma_semaphore, #tpu.memory_space<semaphore_mem>>)
    %add3A_123 = arith.constant 224 : i32
    %add3A_124 = arith.addi %mul3A_80, %add3A_123 : i32
    %dma_start3A_125 = arith.constant 0 : i32
    %dma_start3A_126 = tpu.memref_slice %arg4[%add3A_124, %dma_start3A_125] : memref<32768x1024xf32, #tpu.memory_space<hbm>> -> memref<32x1024xf32, #tpu.memory_space<hbm>>
    %dma_start3A_127 = arith.constant 0 : i32
    %dma_start3A_128 = tpu.memref_slice %arg4[%add3A_124, %dma_start3A_127] : memref<32768x1024xf32, #tpu.memory_space<hbm>> -> memref<32x1024xf32, #tpu.memory_space<hbm>>
    tpu.enqueue_dma source(%arg7 : memref<32x1024xf32, #tpu.memory_space<vmem>>) target(%dma_start3A_128 : memref<32x1024xf32, #tpu.memory_space<hbm>>) target_semaphore(%arg9 : memref<!tpu.dma_semaphore, #tpu.memory_space<semaphore_mem>>)
    %add3A_129 = arith.constant 32 : i32
    %add3A_130 = arith.addi %mul3A_2, %add3A_129 : i32
    %dma_start3A_131 = arith.constant 1 : i32
    %dma_start3A_132 = arith.constant 0 : i32
    %dma_start3A_133 = arith.constant 0 : i32
    %dma_start3A_134 = tpu.memref_slice %arg5[%dma_start3A_131, %dma_start3A_132, %dma_start3A_133] : memref<2x32x1024xf32, #tpu.memory_space<vmem>> -> memref<1x32x1024xf32, #tpu.memory_space<vmem>>
    %dma_start3A_135 = tpu.memref_squeeze %dma_start3A_134 : memref<1x32x1024xf32, #tpu.memory_space<vmem>> -> memref<32x1024xf32, #tpu.memory_space<vmem>>
    %dma_start3A_136 = arith.constant 0 : i32
    %dma_start3A_137 = tpu.memref_slice %arg2[%add3A_130, %dma_start3A_136] : memref<4096x1024xf32, #tpu.memory_space<hbm>> -> memref<32x1024xf32, #tpu.memory_space<hbm>>
    %dma_start3A_138 = arith.constant 0 : i32
    %dma_start3A_139 = arith.constant 0 : i32
    %dma_start3A_140 = tpu.memref_slice %arg5[%dma_start3A_131, %dma_start3A_138, %dma_start3A_139] : memref<2x32x1024xf32, #tpu.memory_space<vmem>> -> memref<1x32x1024xf32, #tpu.memory_space<vmem>>
    %dma_start3A_141 = tpu.memref_squeeze %dma_start3A_140 : memref<1x32x1024xf32, #tpu.memory_space<vmem>> -> memref<32x1024xf32, #tpu.memory_space<vmem>>
    %dma_start3A_142 = arith.constant 0 : i32
    %dma_start3A_143 = tpu.memref_slice %arg2[%add3A_130, %dma_start3A_142] : memref<4096x1024xf32, #tpu.memory_space<hbm>> -> memref<32x1024xf32, #tpu.memory_space<hbm>>
    tpu.enqueue_dma source(%dma_start3A_143 : memref<32x1024xf32, #tpu.memory_space<hbm>>) target(%dma_start3A_141 : memref<32x1024xf32, #tpu.memory_space<vmem>>) target_semaphore(%arg13 : memref<!tpu.dma_semaphore, #tpu.memory_space<semaphore_mem>>)
    %add3A_144 = arith.constant 0 : i32
    %add3A_145 = arith.addi %mul3A_2, %add3A_144 : i32
    %mul3A_146 = arith.constant 8 : i32
    %mul3A_147 = arith.muli %add3A_145, %mul3A_146 : i32
    %add3A_148 = arith.constant 0 : i32
    %add3A_149 = arith.addi %mul3A_147, %add3A_148 : i32
    %dma_wait3A = arith.constant 0 : i32
    %dma_wait3A_150 = tpu.memref_slice %arg4[%add3A_149, %dma_wait3A] : memref<32768x1024xf32, #tpu.memory_space<hbm>> -> memref<32x1024xf32, #tpu.memory_space<hbm>>
    %dma_wait3A_151 = arith.constant 0 : i32
    %dma_wait3A_152 = tpu.memref_slice %arg4[%add3A_149, %dma_wait3A_151] : memref<32768x1024xf32, #tpu.memory_space<hbm>> -> memref<32x1024xf32, #tpu.memory_space<hbm>>
    tpu.wait_dma2 semaphore(%arg8 : memref<!tpu.dma_semaphore, #tpu.memory_space<semaphore_mem>>) src(%arg7 : memref<32x1024xf32, #tpu.memory_space<vmem>>) dst(%dma_wait3A_152 : memref<32x1024xf32, #tpu.memory_space<hbm>>)
    %add3A_153 = arith.constant 32 : i32
    %add3A_154 = arith.addi %mul3A_147, %add3A_153 : i32
    %dma_wait3A_155 = arith.constant 0 : i32
    %dma_wait3A_156 = tpu.memref_slice %arg4[%add3A_154, %dma_wait3A_155] : memref<32768x1024xf32, #tpu.memory_space<hbm>> -> memref<32x1024xf32, #tpu.memory_space<hbm>>
    %dma_wait3A_157 = arith.constant 0 : i32
    %dma_wait3A_158 = tpu.memref_slice %arg4[%add3A_154, %dma_wait3A_157] : memref<32768x1024xf32, #tpu.memory_space<hbm>> -> memref<32x1024xf32, #tpu.memory_space<hbm>>
    tpu.wait_dma2 semaphore(%arg8 : memref<!tpu.dma_semaphore, #tpu.memory_space<semaphore_mem>>) src(%arg7 : memref<32x1024xf32, #tpu.memory_space<vmem>>) dst(%dma_wait3A_158 : memref<32x1024xf32, #tpu.memory_space<hbm>>)
    %add3A_159 = arith.constant 64 : i32
    %add3A_160 = arith.addi %mul3A_147, %add3A_159 : i32
    %dma_wait3A_161 = arith.constant 0 : i32
    %dma_wait3A_162 = tpu.memref_slice %arg4[%add3A_160, %dma_wait3A_161] : memref<32768x1024xf32, #tpu.memory_space<hbm>> -> memref<32x1024xf32, #tpu.memory_space<hbm>>
    %dma_wait3A_163 = arith.constant 0 : i32
    %dma_wait3A_164 = tpu.memref_slice %arg4[%add3A_160, %dma_wait3A_163] : memref<32768x1024xf32, #tpu.memory_space<hbm>> -> memref<32x1024xf32, #tpu.memory_space<hbm>>
    tpu.wait_dma2 semaphore(%arg8 : memref<!tpu.dma_semaphore, #tpu.memory_space<semaphore_mem>>) src(%arg7 : memref<32x1024xf32, #tpu.memory_space<vmem>>) dst(%dma_wait3A_164 : memref<32x1024xf32, #tpu.memory_space<hbm>>)
    %add3A_165 = arith.constant 96 : i32
    %add3A_166 = arith.addi %mul3A_147, %add3A_165 : i32
    %dma_wait3A_167 = arith.constant 0 : i32
    %dma_wait3A_168 = tpu.memref_slice %arg4[%add3A_166, %dma_wait3A_167] : memref<32768x1024xf32, #tpu.memory_space<hbm>> -> memref<32x1024xf32, #tpu.memory_space<hbm>>
    %dma_wait3A_169 = arith.constant 0 : i32
    %dma_wait3A_170 = tpu.memref_slice %arg4[%add3A_166, %dma_wait3A_169] : memref<32768x1024xf32, #tpu.memory_space<hbm>> -> memref<32x1024xf32, #tpu.memory_space<hbm>>
    tpu.wait_dma2 semaphore(%arg8 : memref<!tpu.dma_semaphore, #tpu.memory_space<semaphore_mem>>) src(%arg7 : memref<32x1024xf32, #tpu.memory_space<vmem>>) dst(%dma_wait3A_170 : memref<32x1024xf32, #tpu.memory_space<hbm>>)
    %add3A_171 = arith.constant 128 : i32
    %add3A_172 = arith.addi %mul3A_147, %add3A_171 : i32
    %dma_wait3A_173 = arith.constant 0 : i32
    %dma_wait3A_174 = tpu.memref_slice %arg4[%add3A_172, %dma_wait3A_173] : memref<32768x1024xf32, #tpu.memory_space<hbm>> -> memref<32x1024xf32, #tpu.memory_space<hbm>>
    %dma_wait3A_175 = arith.constant 0 : i32
    %dma_wait3A_176 = tpu.memref_slice %arg4[%add3A_172, %dma_wait3A_175] : memref<32768x1024xf32, #tpu.memory_space<hbm>> -> memref<32x1024xf32, #tpu.memory_space<hbm>>
    tpu.wait_dma2 semaphore(%arg8 : memref<!tpu.dma_semaphore, #tpu.memory_space<semaphore_mem>>) src(%arg7 : memref<32x1024xf32, #tpu.memory_space<vmem>>) dst(%dma_wait3A_176 : memref<32x1024xf32, #tpu.memory_space<hbm>>)
    %add3A_177 = arith.constant 160 : i32
    %add3A_178 = arith.addi %mul3A_147, %add3A_177 : i32
    %dma_wait3A_179 = arith.constant 0 : i32
    %dma_wait3A_180 = tpu.memref_slice %arg4[%add3A_178, %dma_wait3A_179] : memref<32768x1024xf32, #tpu.memory_space<hbm>> -> memref<32x1024xf32, #tpu.memory_space<hbm>>
    %dma_wait3A_181 = arith.constant 0 : i32
    %dma_wait3A_182 = tpu.memref_slice %arg4[%add3A_178, %dma_wait3A_181] : memref<32768x1024xf32, #tpu.memory_space<hbm>> -> memref<32x1024xf32, #tpu.memory_space<hbm>>
    tpu.wait_dma2 semaphore(%arg8 : memref<!tpu.dma_semaphore, #tpu.memory_space<semaphore_mem>>) src(%arg7 : memref<32x1024xf32, #tpu.memory_space<vmem>>) dst(%dma_wait3A_182 : memref<32x1024xf32, #tpu.memory_space<hbm>>)
    %add3A_183 = arith.constant 192 : i32
    %add3A_184 = arith.addi %mul3A_147, %add3A_183 : i32
    %dma_wait3A_185 = arith.constant 0 : i32
    %dma_wait3A_186 = tpu.memref_slice %arg4[%add3A_184, %dma_wait3A_185] : memref<32768x1024xf32, #tpu.memory_space<hbm>> -> memref<32x1024xf32, #tpu.memory_space<hbm>>
    %dma_wait3A_187 = arith.constant 0 : i32
    %dma_wait3A_188 = tpu.memref_slice %arg4[%add3A_184, %dma_wait3A_187] : memref<32768x1024xf32, #tpu.memory_space<hbm>> -> memref<32x1024xf32, #tpu.memory_space<hbm>>
    tpu.wait_dma2 semaphore(%arg8 : memref<!tpu.dma_semaphore, #tpu.memory_space<semaphore_mem>>) src(%arg7 : memref<32x1024xf32, #tpu.memory_space<vmem>>) dst(%dma_wait3A_188 : memref<32x1024xf32, #tpu.memory_space<hbm>>)
    %add3A_189 = arith.constant 224 : i32
    %add3A_190 = arith.addi %mul3A_147, %add3A_189 : i32
    %dma_wait3A_191 = arith.constant 0 : i32
    %dma_wait3A_192 = tpu.memref_slice %arg4[%add3A_190, %dma_wait3A_191] : memref<32768x1024xf32, #tpu.memory_space<hbm>> -> memref<32x1024xf32, #tpu.memory_space<hbm>>
    %dma_wait3A_193 = arith.constant 0 : i32
    %dma_wait3A_194 = tpu.memref_slice %arg4[%add3A_190, %dma_wait3A_193] : memref<32768x1024xf32, #tpu.memory_space<hbm>> -> memref<32x1024xf32, #tpu.memory_space<hbm>>
    tpu.wait_dma2 semaphore(%arg8 : memref<!tpu.dma_semaphore, #tpu.memory_space<semaphore_mem>>) src(%arg7 : memref<32x1024xf32, #tpu.memory_space<vmem>>) dst(%dma_wait3A_194 : memref<32x1024xf32, #tpu.memory_space<hbm>>)
    %add3A_195 = arith.constant 0 : i32
    %add3A_196 = arith.addi %mul3A_2, %add3A_195 : i32
    %dma_wait3A_197 = arith.constant 0 : i32
    %dma_wait3A_198 = arith.constant 0 : i32
    %dma_wait3A_199 = arith.constant 0 : i32
    %dma_wait3A_200 = tpu.memref_slice %arg5[%dma_wait3A_197, %dma_wait3A_198, %dma_wait3A_199] : memref<2x32x1024xf32, #tpu.memory_space<vmem>> -> memref<1x32x1024xf32, #tpu.memory_space<vmem>>
    %dma_wait3A_201 = tpu.memref_squeeze %dma_wait3A_200 : memref<1x32x1024xf32, #tpu.memory_space<vmem>> -> memref<32x1024xf32, #tpu.memory_space<vmem>>
    %dma_wait3A_202 = arith.constant 0 : i32
    %dma_wait3A_203 = tpu.memref_slice %arg2[%add3A_196, %dma_wait3A_202] : memref<4096x1024xf32, #tpu.memory_space<hbm>> -> memref<32x1024xf32, #tpu.memory_space<hbm>>
    %dma_wait3A_204 = arith.constant 0 : i32
    %dma_wait3A_205 = arith.constant 0 : i32
    %dma_wait3A_206 = tpu.memref_slice %arg5[%dma_wait3A_197, %dma_wait3A_204, %dma_wait3A_205] : memref<2x32x1024xf32, #tpu.memory_space<vmem>> -> memref<1x32x1024xf32, #tpu.memory_space<vmem>>
    %dma_wait3A_207 = tpu.memref_squeeze %dma_wait3A_206 : memref<1x32x1024xf32, #tpu.memory_space<vmem>> -> memref<32x1024xf32, #tpu.memory_space<vmem>>
    %dma_wait3A_208 = arith.constant 0 : i32
    %dma_wait3A_209 = tpu.memref_slice %arg2[%add3A_196, %dma_wait3A_208] : memref<4096x1024xf32, #tpu.memory_space<hbm>> -> memref<32x1024xf32, #tpu.memory_space<hbm>>
    tpu.wait_dma2 semaphore(%arg12 : memref<!tpu.dma_semaphore, #tpu.memory_space<semaphore_mem>>) src(%dma_wait3A_209 : memref<32x1024xf32, #tpu.memory_space<hbm>>) dst(%dma_wait3A_207 : memref<32x1024xf32, #tpu.memory_space<vmem>>)
    %dma_start3A_210 = arith.constant 0 : i32
    %dma_start3A_211 = arith.constant 0 : i32
    %dma_start3A_212 = arith.constant 0 : i32
    %dma_start3A_213 = arith.constant 0 : i32
    %dma_start3A_214 = arith.constant 0 : i32
    %dma_start3A_215 = tpu.memref_slice %arg5[%dma_start3A_210, %dma_start3A_213, %dma_start3A_214] : memref<2x32x1024xf32, #tpu.memory_space<vmem>> -> memref<1x32x1024xf32, #tpu.memory_space<vmem>>
    %dma_start3A_216 = tpu.memref_squeeze %dma_start3A_215 : memref<1x32x1024xf32, #tpu.memory_space<vmem>> -> memref<32x1024xf32, #tpu.memory_space<vmem>>
    %dma_start3A_217 = arith.constant 0 : i32
    %dma_start3A_218 = tpu.memref_slice %arg6[%dma_start3A_211, %dma_start3A_212, %dma_start3A_217] : memref<2x4x32xi32, #tpu.memory_space<vmem>> -> memref<1x1x32xi32, #tpu.memory_space<vmem>>
    %dma_start3A_219 = tpu.memref_squeeze %dma_start3A_218 : memref<1x1x32xi32, #tpu.memory_space<vmem>> -> memref<32xi32, #tpu.memory_space<vmem>>
    %dma_start3A_220 = arith.constant 0 : i32
    %dma_start3A_221 = arith.constant 0 : i32
    %dma_start3A_222 = tpu.memref_slice %arg4[%dma_start3A_220, %dma_start3A_221] : memref<32768x1024xf32, #tpu.memory_space<hbm>> -> memref<32768x1024xf32, #tpu.memory_space<hbm>>
    tpu.enqueue_indirect_dma source(%dma_start3A_216 : memref<32x1024xf32, #tpu.memory_space<vmem>>) target(%dma_start3A_222 : memref<32768x1024xf32, #tpu.memory_space<hbm>>) offsets(%dma_start3A_219 : memref<32xi32, #tpu.memory_space<vmem>>) semaphore(%arg14 : memref<!tpu.dma_semaphore, #tpu.memory_space<semaphore_mem>>)
    %dma_start3A_223 = arith.constant 0 : i32
    %dma_start3A_224 = arith.constant 1 : i32
    %dma_start3A_225 = arith.constant 0 : i32
    %dma_start3A_226 = arith.constant 0 : i32
    %dma_start3A_227 = arith.constant 0 : i32
    %dma_start3A_228 = tpu.memref_slice %arg5[%dma_start3A_223, %dma_start3A_226, %dma_start3A_227] : memref<2x32x1024xf32, #tpu.memory_space<vmem>> -> memref<1x32x1024xf32, #tpu.memory_space<vmem>>
    %dma_start3A_229 = tpu.memref_squeeze %dma_start3A_228 : memref<1x32x1024xf32, #tpu.memory_space<vmem>> -> memref<32x1024xf32, #tpu.memory_space<vmem>>
    %dma_start3A_230 = arith.constant 0 : i32
    %dma_start3A_231 = tpu.memref_slice %arg6[%dma_start3A_224, %dma_start3A_225, %dma_start3A_230] : memref<2x4x32xi32, #tpu.memory_space<vmem>> -> memref<1x1x32xi32, #tpu.memory_space<vmem>>
    %dma_start3A_232 = tpu.memref_squeeze %dma_start3A_231 : memref<1x1x32xi32, #tpu.memory_space<vmem>> -> memref<32xi32, #tpu.memory_space<vmem>>
    %dma_start3A_233 = arith.constant 0 : i32
    %dma_start3A_234 = arith.constant 0 : i32
    %dma_start3A_235 = tpu.memref_slice %arg4[%dma_start3A_233, %dma_start3A_234] : memref<32768x1024xf32, #tpu.memory_space<hbm>> -> memref<32768x1024xf32, #tpu.memory_space<hbm>>
    tpu.enqueue_indirect_dma source(%dma_start3A_229 : memref<32x1024xf32, #tpu.memory_space<vmem>>) target(%dma_start3A_235 : memref<32768x1024xf32, #tpu.memory_space<hbm>>) offsets(%dma_start3A_232 : memref<32xi32, #tpu.memory_space<vmem>>) semaphore(%arg14 : memref<!tpu.dma_semaphore, #tpu.memory_space<semaphore_mem>>)
    %add3A_236 = arith.constant 64 : i32
    %add3A_237 = arith.addi %mul3A_2, %add3A_236 : i32
    %mul3A_238 = arith.constant 8 : i32
    %mul3A_239 = arith.muli %add3A_237, %mul3A_238 : i32
    %add3A_240 = arith.constant 0 : i32
    %add3A_241 = arith.addi %mul3A_239, %add3A_240 : i32
    %dma_start3A_242 = arith.constant 0 : i32
    %dma_start3A_243 = tpu.memref_slice %arg4[%add3A_241, %dma_start3A_242] : memref<32768x1024xf32, #tpu.memory_space<hbm>> -> memref<32x1024xf32, #tpu.memory_space<hbm>>
    %dma_start3A_244 = arith.constant 0 : i32
    %dma_start3A_245 = tpu.memref_slice %arg4[%add3A_241, %dma_start3A_244] : memref<32768x1024xf32, #tpu.memory_space<hbm>> -> memref<32x1024xf32, #tpu.memory_space<hbm>>
    tpu.enqueue_dma source(%arg7 : memref<32x1024xf32, #tpu.memory_space<vmem>>) target(%dma_start3A_245 : memref<32x1024xf32, #tpu.memory_space<hbm>>) target_semaphore(%arg10 : memref<!tpu.dma_semaphore, #tpu.memory_space<semaphore_mem>>)
    %add3A_246 = arith.constant 32 : i32
    %add3A_247 = arith.addi %mul3A_239, %add3A_246 : i32
    %dma_start3A_248 = arith.constant 0 : i32
    %dma_start3A_249 = tpu.memref_slice %arg4[%add3A_247, %dma_start3A_248] : memref<32768x1024xf32, #tpu.memory_space<hbm>> -> memref<32x1024xf32, #tpu.memory_space<hbm>>
    %dma_start3A_250 = arith.constant 0 : i32
    %dma_start3A_251 = tpu.memref_slice %arg4[%add3A_247, %dma_start3A_250] : memref<32768x1024xf32, #tpu.memory_space<hbm>> -> memref<32x1024xf32, #tpu.memory_space<hbm>>
    tpu.enqueue_dma source(%arg7 : memref<32x1024xf32, #tpu.memory_space<vmem>>) target(%dma_start3A_251 : memref<32x1024xf32, #tpu.memory_space<hbm>>) target_semaphore(%arg10 : memref<!tpu.dma_semaphore, #tpu.memory_space<semaphore_mem>>)
    %add3A_252 = arith.constant 64 : i32
    %add3A_253 = arith.addi %mul3A_239, %add3A_252 : i32
    %dma_start3A_254 = arith.constant 0 : i32
    %dma_start3A_255 = tpu.memref_slice %arg4[%add3A_253, %dma_start3A_254] : memref<32768x1024xf32, #tpu.memory_space<hbm>> -> memref<32x1024xf32, #tpu.memory_space<hbm>>
    %dma_start3A_256 = arith.constant 0 : i32
    %dma_start3A_257 = tpu.memref_slice %arg4[%add3A_253, %dma_start3A_256] : memref<32768x1024xf32, #tpu.memory_space<hbm>> -> memref<32x1024xf32, #tpu.memory_space<hbm>>
    tpu.enqueue_dma source(%arg7 : memref<32x1024xf32, #tpu.memory_space<vmem>>) target(%dma_start3A_257 : memref<32x1024xf32, #tpu.memory_space<hbm>>) target_semaphore(%arg10 : memref<!tpu.dma_semaphore, #tpu.memory_space<semaphore_mem>>)
    %add3A_258 = arith.constant 96 : i32
    %add3A_259 = arith.addi %mul3A_239, %add3A_258 : i32
    %dma_start3A_260 = arith.constant 0 : i32
    %dma_start3A_261 = tpu.memref_slice %arg4[%add3A_259, %dma_start3A_260] : memref<32768x1024xf32, #tpu.memory_space<hbm>> -> memref<32x1024xf32, #tpu.memory_space<hbm>>
    %dma_start3A_262 = arith.constant 0 : i32
    %dma_start3A_263 = tpu.memref_slice %arg4[%add3A_259, %dma_start3A_262] : memref<32768x1024xf32, #tpu.memory_space<hbm>> -> memref<32x1024xf32, #tpu.memory_space<hbm>>
    tpu.enqueue_dma source(%arg7 : memref<32x1024xf32, #tpu.memory_space<vmem>>) target(%dma_start3A_263 : memref<32x1024xf32, #tpu.memory_space<hbm>>) target_semaphore(%arg10 : memref<!tpu.dma_semaphore, #tpu.memory_space<semaphore_mem>>)
    %add3A_264 = arith.constant 128 : i32
    %add3A_265 = arith.addi %mul3A_239, %add3A_264 : i32
    %dma_start3A_266 = arith.constant 0 : i32
    %dma_start3A_267 = tpu.memref_slice %arg4[%add3A_265, %dma_start3A_266] : memref<32768x1024xf32, #tpu.memory_space<hbm>> -> memref<32x1024xf32, #tpu.memory_space<hbm>>
    %dma_start3A_268 = arith.constant 0 : i32
    %dma_start3A_269 = tpu.memref_slice %arg4[%add3A_265, %dma_start3A_268] : memref<32768x1024xf32, #tpu.memory_space<hbm>> -> memref<32x1024xf32, #tpu.memory_space<hbm>>
    tpu.enqueue_dma source(%arg7 : memref<32x1024xf32, #tpu.memory_space<vmem>>) target(%dma_start3A_269 : memref<32x1024xf32, #tpu.memory_space<hbm>>) target_semaphore(%arg10 : memref<!tpu.dma_semaphore, #tpu.memory_space<semaphore_mem>>)
    %add3A_270 = arith.constant 160 : i32
    %add3A_271 = arith.addi %mul3A_239, %add3A_270 : i32
    %dma_start3A_272 = arith.constant 0 : i32
    %dma_start3A_273 = tpu.memref_slice %arg4[%add3A_271, %dma_start3A_272] : memref<32768x1024xf32, #tpu.memory_space<hbm>> -> memref<32x1024xf32, #tpu.memory_space<hbm>>
    %dma_start3A_274 = arith.constant 0 : i32
    %dma_start3A_275 = tpu.memref_slice %arg4[%add3A_271, %dma_start3A_274] : memref<32768x1024xf32, #tpu.memory_space<hbm>> -> memref<32x1024xf32, #tpu.memory_space<hbm>>
    tpu.enqueue_dma source(%arg7 : memref<32x1024xf32, #tpu.memory_space<vmem>>) target(%dma_start3A_275 : memref<32x1024xf32, #tpu.memory_space<hbm>>) target_semaphore(%arg10 : memref<!tpu.dma_semaphore, #tpu.memory_space<semaphore_mem>>)
    %add3A_276 = arith.constant 192 : i32
    %add3A_277 = arith.addi %mul3A_239, %add3A_276 : i32
    %dma_start3A_278 = arith.constant 0 : i32
    %dma_start3A_279 = tpu.memref_slice %arg4[%add3A_277, %dma_start3A_278] : memref<32768x1024xf32, #tpu.memory_space<hbm>> -> memref<32x1024xf32, #tpu.memory_space<hbm>>
    %dma_start3A_280 = arith.constant 0 : i32
    %dma_start3A_281 = tpu.memref_slice %arg4[%add3A_277, %dma_start3A_280] : memref<32768x1024xf32, #tpu.memory_space<hbm>> -> memref<32x1024xf32, #tpu.memory_space<hbm>>
    tpu.enqueue_dma source(%arg7 : memref<32x1024xf32, #tpu.memory_space<vmem>>) target(%dma_start3A_281 : memref<32x1024xf32, #tpu.memory_space<hbm>>) target_semaphore(%arg10 : memref<!tpu.dma_semaphore, #tpu.memory_space<semaphore_mem>>)
    %add3A_282 = arith.constant 224 : i32
    %add3A_283 = arith.addi %mul3A_239, %add3A_282 : i32
    %dma_start3A_284 = arith.constant 0 : i32
    %dma_start3A_285 = tpu.memref_slice %arg4[%add3A_283, %dma_start3A_284] : memref<32768x1024xf32, #tpu.memory_space<hbm>> -> memref<32x1024xf32, #tpu.memory_space<hbm>>
    %dma_start3A_286 = arith.constant 0 : i32
    %dma_start3A_287 = tpu.memref_slice %arg4[%add3A_283, %dma_start3A_286] : memref<32768x1024xf32, #tpu.memory_space<hbm>> -> memref<32x1024xf32, #tpu.memory_space<hbm>>
    tpu.enqueue_dma source(%arg7 : memref<32x1024xf32, #tpu.memory_space<vmem>>) target(%dma_start3A_287 : memref<32x1024xf32, #tpu.memory_space<hbm>>) target_semaphore(%arg10 : memref<!tpu.dma_semaphore, #tpu.memory_space<semaphore_mem>>)
    %dma_wait3A_288 = arith.constant 0 : i32
    %dma_wait3A_289 = arith.constant 0 : i32
    %dma_wait3A_290 = arith.constant 0 : i32
    %dma_wait3A_291 = arith.constant 0 : i32
    %dma_wait3A_292 = arith.constant 0 : i32
    %dma_wait3A_293 = tpu.memref_slice %arg5[%dma_wait3A_288, %dma_wait3A_291, %dma_wait3A_292] : memref<2x32x1024xf32, #tpu.memory_space<vmem>> -> memref<1x32x1024xf32, #tpu.memory_space<vmem>>
    %dma_wait3A_294 = tpu.memref_squeeze %dma_wait3A_293 : memref<1x32x1024xf32, #tpu.memory_space<vmem>> -> memref<32x1024xf32, #tpu.memory_space<vmem>>
    %dma_wait3A_295 = arith.constant 0 : i32
    %dma_wait3A_296 = tpu.memref_slice %arg6[%dma_wait3A_289, %dma_wait3A_290, %dma_wait3A_295] : memref<2x4x32xi32, #tpu.memory_space<vmem>> -> memref<1x1x32xi32, #tpu.memory_space<vmem>>
    %dma_wait3A_297 = tpu.memref_squeeze %dma_wait3A_296 : memref<1x1x32xi32, #tpu.memory_space<vmem>> -> memref<32xi32, #tpu.memory_space<vmem>>
    %dma_wait3A_298 = arith.constant 0 : i32
    %dma_wait3A_299 = arith.constant 0 : i32
    %dma_wait3A_300 = tpu.memref_slice %arg4[%dma_wait3A_298, %dma_wait3A_299] : memref<32768x1024xf32, #tpu.memory_space<hbm>> -> memref<32768x1024xf32, #tpu.memory_space<hbm>>
    tpu.wait_indirect_dma semaphore(%arg14 : memref<!tpu.dma_semaphore, #tpu.memory_space<semaphore_mem>>) src(%dma_wait3A_294 : memref<32x1024xf32, #tpu.memory_space<vmem>>) dst(%dma_wait3A_300 : memref<32768x1024xf32, #tpu.memory_space<hbm>>)
    %dma_wait3A_301 = arith.constant 0 : i32
    %dma_wait3A_302 = arith.constant 1 : i32
    %dma_wait3A_303 = arith.constant 0 : i32
    %dma_wait3A_304 = arith.constant 0 : i32
    %dma_wait3A_305 = arith.constant 0 : i32
    %dma_wait3A_306 = tpu.memref_slice %arg5[%dma_wait3A_301, %dma_wait3A_304, %dma_wait3A_305] : memref<2x32x1024xf32, #tpu.memory_space<vmem>> -> memref<1x32x1024xf32, #tpu.memory_space<vmem>>
    %dma_wait3A_307 = tpu.memref_squeeze %dma_wait3A_306 : memref<1x32x1024xf32, #tpu.memory_space<vmem>> -> memref<32x1024xf32, #tpu.memory_space<vmem>>
    %dma_wait3A_308 = arith.constant 0 : i32
    %dma_wait3A_309 = tpu.memref_slice %arg6[%dma_wait3A_302, %dma_wait3A_303, %dma_wait3A_308] : memref<2x4x32xi32, #tpu.memory_space<vmem>> -> memref<1x1x32xi32, #tpu.memory_space<vmem>>
    %dma_wait3A_310 = tpu.memref_squeeze %dma_wait3A_309 : memref<1x1x32xi32, #tpu.memory_space<vmem>> -> memref<32xi32, #tpu.memory_space<vmem>>
    %dma_wait3A_311 = arith.constant 0 : i32
    %dma_wait3A_312 = arith.constant 0 : i32
    %dma_wait3A_313 = tpu.memref_slice %arg4[%dma_wait3A_311, %dma_wait3A_312] : memref<32768x1024xf32, #tpu.memory_space<hbm>> -> memref<32768x1024xf32, #tpu.memory_space<hbm>>
    tpu.wait_indirect_dma semaphore(%arg14 : memref<!tpu.dma_semaphore, #tpu.memory_space<semaphore_mem>>) src(%dma_wait3A_307 : memref<32x1024xf32, #tpu.memory_space<vmem>>) dst(%dma_wait3A_313 : memref<32768x1024xf32, #tpu.memory_space<hbm>>)
    %add3A_314 = arith.constant 64 : i32
    %add3A_315 = arith.addi %mul3A_2, %add3A_314 : i32
    %dma_start3A_316 = arith.constant 0 : i32
    %dma_start3A_317 = arith.constant 0 : i32
    %dma_start3A_318 = arith.constant 0 : i32
    %dma_start3A_319 = tpu.memref_slice %arg5[%dma_start3A_316, %dma_start3A_317, %dma_start3A_318] : memref<2x32x1024xf32, #tpu.memory_space<vmem>> -> memref<1x32x1024xf32, #tpu.memory_space<vmem>>
    %dma_start3A_320 = tpu.memref_squeeze %dma_start3A_319 : memref<1x32x1024xf32, #tpu.memory_space<vmem>> -> memref<32x1024xf32, #tpu.memory_space<vmem>>
    %dma_start3A_321 = arith.constant 0 : i32
    %dma_start3A_322 = tpu.memref_slice %arg2[%add3A_315, %dma_start3A_321] : memref<4096x1024xf32, #tpu.memory_space<hbm>> -> memref<32x1024xf32, #tpu.memory_space<hbm>>
    %dma_start3A_323 = arith.constant 0 : i32
    %dma_start3A_324 = arith.constant 0 : i32
    %dma_start3A_325 = tpu.memref_slice %arg5[%dma_start3A_316, %dma_start3A_323, %dma_start3A_324] : memref<2x32x1024xf32, #tpu.memory_space<vmem>> -> memref<1x32x1024xf32, #tpu.memory_space<vmem>>
    %dma_start3A_326 = tpu.memref_squeeze %dma_start3A_325 : memref<1x32x1024xf32, #tpu.memory_space<vmem>> -> memref<32x1024xf32, #tpu.memory_space<vmem>>
    %dma_start3A_327 = arith.constant 0 : i32
    %dma_start3A_328 = tpu.memref_slice %arg2[%add3A_315, %dma_start3A_327] : memref<4096x1024xf32, #tpu.memory_space<hbm>> -> memref<32x1024xf32, #tpu.memory_space<hbm>>
    tpu.enqueue_dma source(%dma_start3A_328 : memref<32x1024xf32, #tpu.memory_space<hbm>>) target(%dma_start3A_326 : memref<32x1024xf32, #tpu.memory_space<vmem>>) target_semaphore(%arg12 : memref<!tpu.dma_semaphore, #tpu.memory_space<semaphore_mem>>)
    %add3A_329 = arith.constant 32 : i32
    %add3A_330 = arith.addi %mul3A_2, %add3A_329 : i32
    %mul3A_331 = arith.constant 8 : i32
    %mul3A_332 = arith.muli %add3A_330, %mul3A_331 : i32
    %add3A_333 = arith.constant 0 : i32
    %add3A_334 = arith.addi %mul3A_332, %add3A_333 : i32
    %dma_wait3A_335 = arith.constant 0 : i32
    %dma_wait3A_336 = tpu.memref_slice %arg4[%add3A_334, %dma_wait3A_335] : memref<32768x1024xf32, #tpu.memory_space<hbm>> -> memref<32x1024xf32, #tpu.memory_space<hbm>>
    %dma_wait3A_337 = arith.constant 0 : i32
    %dma_wait3A_338 = tpu.memref_slice %arg4[%add3A_334, %dma_wait3A_337] : memref<32768x1024xf32, #tpu.memory_space<hbm>> -> memref<32x1024xf32, #tpu.memory_space<hbm>>
    tpu.wait_dma2 semaphore(%arg9 : memref<!tpu.dma_semaphore, #tpu.memory_space<semaphore_mem>>) src(%arg7 : memref<32x1024xf32, #tpu.memory_space<vmem>>) dst(%dma_wait3A_338 : memref<32x1024xf32, #tpu.memory_space<hbm>>)
    %add3A_339 = arith.constant 32 : i32
    %add3A_340 = arith.addi %mul3A_332, %add3A_339 : i32
    %dma_wait3A_341 = arith.constant 0 : i32
    %dma_wait3A_342 = tpu.memref_slice %arg4[%add3A_340, %dma_wait3A_341] : memref<32768x1024xf32, #tpu.memory_space<hbm>> -> memref<32x1024xf32, #tpu.memory_space<hbm>>
    %dma_wait3A_343 = arith.constant 0 : i32
    %dma_wait3A_344 = tpu.memref_slice %arg4[%add3A_340, %dma_wait3A_343] : memref<32768x1024xf32, #tpu.memory_space<hbm>> -> memref<32x1024xf32, #tpu.memory_space<hbm>>
    tpu.wait_dma2 semaphore(%arg9 : memref<!tpu.dma_semaphore, #tpu.memory_space<semaphore_mem>>) src(%arg7 : memref<32x1024xf32, #tpu.memory_space<vmem>>) dst(%dma_wait3A_344 : memref<32x1024xf32, #tpu.memory_space<hbm>>)
    %add3A_345 = arith.constant 64 : i32
    %add3A_346 = arith.addi %mul3A_332, %add3A_345 : i32
    %dma_wait3A_347 = arith.constant 0 : i32
    %dma_wait3A_348 = tpu.memref_slice %arg4[%add3A_346, %dma_wait3A_347] : memref<32768x1024xf32, #tpu.memory_space<hbm>> -> memref<32x1024xf32, #tpu.memory_space<hbm>>
    %dma_wait3A_349 = arith.constant 0 : i32
    %dma_wait3A_350 = tpu.memref_slice %arg4[%add3A_346, %dma_wait3A_349] : memref<32768x1024xf32, #tpu.memory_space<hbm>> -> memref<32x1024xf32, #tpu.memory_space<hbm>>
    tpu.wait_dma2 semaphore(%arg9 : memref<!tpu.dma_semaphore, #tpu.memory_space<semaphore_mem>>) src(%arg7 : memref<32x1024xf32, #tpu.memory_space<vmem>>) dst(%dma_wait3A_350 : memref<32x1024xf32, #tpu.memory_space<hbm>>)
    %add3A_351 = arith.constant 96 : i32
    %add3A_352 = arith.addi %mul3A_332, %add3A_351 : i32
    %dma_wait3A_353 = arith.constant 0 : i32
    %dma_wait3A_354 = tpu.memref_slice %arg4[%add3A_352, %dma_wait3A_353] : memref<32768x1024xf32, #tpu.memory_space<hbm>> -> memref<32x1024xf32, #tpu.memory_space<hbm>>
    %dma_wait3A_355 = arith.constant 0 : i32
    %dma_wait3A_356 = tpu.memref_slice %arg4[%add3A_352, %dma_wait3A_355] : memref<32768x1024xf32, #tpu.memory_space<hbm>> -> memref<32x1024xf32, #tpu.memory_space<hbm>>
    tpu.wait_dma2 semaphore(%arg9 : memref<!tpu.dma_semaphore, #tpu.memory_space<semaphore_mem>>) src(%arg7 : memref<32x1024xf32, #tpu.memory_space<vmem>>) dst(%dma_wait3A_356 : memref<32x1024xf32, #tpu.memory_space<hbm>>)
    %add3A_357 = arith.constant 128 : i32
    %add3A_358 = arith.addi %mul3A_332, %add3A_357 : i32
    %dma_wait3A_359 = arith.constant 0 : i32
    %dma_wait3A_360 = tpu.memref_slice %arg4[%add3A_358, %dma_wait3A_359] : memref<32768x1024xf32, #tpu.memory_space<hbm>> -> memref<32x1024xf32, #tpu.memory_space<hbm>>
    %dma_wait3A_361 = arith.constant 0 : i32
    %dma_wait3A_362 = tpu.memref_slice %arg4[%add3A_358, %dma_wait3A_361] : memref<32768x1024xf32, #tpu.memory_space<hbm>> -> memref<32x1024xf32, #tpu.memory_space<hbm>>
    tpu.wait_dma2 semaphore(%arg9 : memref<!tpu.dma_semaphore, #tpu.memory_space<semaphore_mem>>) src(%arg7 : memref<32x1024xf32, #tpu.memory_space<vmem>>) dst(%dma_wait3A_362 : memref<32x1024xf32, #tpu.memory_space<hbm>>)
    %add3A_363 = arith.constant 160 : i32
    %add3A_364 = arith.addi %mul3A_332, %add3A_363 : i32
    %dma_wait3A_365 = arith.constant 0 : i32
    %dma_wait3A_366 = tpu.memref_slice %arg4[%add3A_364, %dma_wait3A_365] : memref<32768x1024xf32, #tpu.memory_space<hbm>> -> memref<32x1024xf32, #tpu.memory_space<hbm>>
    %dma_wait3A_367 = arith.constant 0 : i32
    %dma_wait3A_368 = tpu.memref_slice %arg4[%add3A_364, %dma_wait3A_367] : memref<32768x1024xf32, #tpu.memory_space<hbm>> -> memref<32x1024xf32, #tpu.memory_space<hbm>>
    tpu.wait_dma2 semaphore(%arg9 : memref<!tpu.dma_semaphore, #tpu.memory_space<semaphore_mem>>) src(%arg7 : memref<32x1024xf32, #tpu.memory_space<vmem>>) dst(%dma_wait3A_368 : memref<32x1024xf32, #tpu.memory_space<hbm>>)
    %add3A_369 = arith.constant 192 : i32
    %add3A_370 = arith.addi %mul3A_332, %add3A_369 : i32
    %dma_wait3A_371 = arith.constant 0 : i32
    %dma_wait3A_372 = tpu.memref_slice %arg4[%add3A_370, %dma_wait3A_371] : memref<32768x1024xf32, #tpu.memory_space<hbm>> -> memref<32x1024xf32, #tpu.memory_space<hbm>>
    %dma_wait3A_373 = arith.constant 0 : i32
    %dma_wait3A_374 = tpu.memref_slice %arg4[%add3A_370, %dma_wait3A_373] : memref<32768x1024xf32, #tpu.memory_space<hbm>> -> memref<32x1024xf32, #tpu.memory_space<hbm>>
    tpu.wait_dma2 semaphore(%arg9 : memref<!tpu.dma_semaphore, #tpu.memory_space<semaphore_mem>>) src(%arg7 : memref<32x1024xf32, #tpu.memory_space<vmem>>) dst(%dma_wait3A_374 : memref<32x1024xf32, #tpu.memory_space<hbm>>)
    %add3A_375 = arith.constant 224 : i32
    %add3A_376 = arith.addi %mul3A_332, %add3A_375 : i32
    %dma_wait3A_377 = arith.constant 0 : i32
    %dma_wait3A_378 = tpu.memref_slice %arg4[%add3A_376, %dma_wait3A_377] : memref<32768x1024xf32, #tpu.memory_space<hbm>> -> memref<32x1024xf32, #tpu.memory_space<hbm>>
    %dma_wait3A_379 = arith.constant 0 : i32
    %dma_wait3A_380 = tpu.memref_slice %arg4[%add3A_376, %dma_wait3A_379] : memref<32768x1024xf32, #tpu.memory_space<hbm>> -> memref<32x1024xf32, #tpu.memory_space<hbm>>
    tpu.wait_dma2 semaphore(%arg9 : memref<!tpu.dma_semaphore, #tpu.memory_space<semaphore_mem>>) src(%arg7 : memref<32x1024xf32, #tpu.memory_space<vmem>>) dst(%dma_wait3A_380 : memref<32x1024xf32, #tpu.memory_space<hbm>>)
    %add3A_381 = arith.constant 32 : i32
    %add3A_382 = arith.addi %mul3A_2, %add3A_381 : i32
    %dma_wait3A_383 = arith.constant 1 : i32
    %dma_wait3A_384 = arith.constant 0 : i32
    %dma_wait3A_385 = arith.constant 0 : i32
    %dma_wait3A_386 = tpu.memref_slice %arg5[%dma_wait3A_383, %dma_wait3A_384, %dma_wait3A_385] : memref<2x32x1024xf32, #tpu.memory_space<vmem>> -> memref<1x32x1024xf32, #tpu.memory_space<vmem>>
    %dma_wait3A_387 = tpu.memref_squeeze %dma_wait3A_386 : memref<1x32x1024xf32, #tpu.memory_space<vmem>> -> memref<32x1024xf32, #tpu.memory_space<vmem>>
    %dma_wait3A_388 = arith.constant 0 : i32
    %dma_wait3A_389 = tpu.memref_slice %arg2[%add3A_382, %dma_wait3A_388] : memref<4096x1024xf32, #tpu.memory_space<hbm>> -> memref<32x1024xf32, #tpu.memory_space<hbm>>
    %dma_wait3A_390 = arith.constant 0 : i32
    %dma_wait3A_391 = arith.constant 0 : i32
    %dma_wait3A_392 = tpu.memref_slice %arg5[%dma_wait3A_383, %dma_wait3A_390, %dma_wait3A_391] : memref<2x32x1024xf32, #tpu.memory_space<vmem>> -> memref<1x32x1024xf32, #tpu.memory_space<vmem>>
    %dma_wait3A_393 = tpu.memref_squeeze %dma_wait3A_392 : memref<1x32x1024xf32, #tpu.memory_space<vmem>> -> memref<32x1024xf32, #tpu.memory_space<vmem>>
    %dma_wait3A_394 = arith.constant 0 : i32
    %dma_wait3A_395 = tpu.memref_slice %arg2[%add3A_382, %dma_wait3A_394] : memref<4096x1024xf32, #tpu.memory_space<hbm>> -> memref<32x1024xf32, #tpu.memory_space<hbm>>
    tpu.wait_dma2 semaphore(%arg13 : memref<!tpu.dma_semaphore, #tpu.memory_space<semaphore_mem>>) src(%dma_wait3A_395 : memref<32x1024xf32, #tpu.memory_space<hbm>>) dst(%dma_wait3A_393 : memref<32x1024xf32, #tpu.memory_space<vmem>>)
    %dma_start3A_396 = arith.constant 1 : i32
    %dma_start3A_397 = arith.constant 0 : i32
    %dma_start3A_398 = arith.constant 1 : i32
    %dma_start3A_399 = arith.constant 0 : i32
    %dma_start3A_400 = arith.constant 0 : i32
    %dma_start3A_401 = tpu.memref_slice %arg5[%dma_start3A_396, %dma_start3A_399, %dma_start3A_400] : memref<2x32x1024xf32, #tpu.memory_space<vmem>> -> memref<1x32x1024xf32, #tpu.memory_space<vmem>>
    %dma_start3A_402 = tpu.memref_squeeze %dma_start3A_401 : memref<1x32x1024xf32, #tpu.memory_space<vmem>> -> memref<32x1024xf32, #tpu.memory_space<vmem>>
    %dma_start3A_403 = arith.constant 0 : i32
    %dma_start3A_404 = tpu.memref_slice %arg6[%dma_start3A_397, %dma_start3A_398, %dma_start3A_403] : memref<2x4x32xi32, #tpu.memory_space<vmem>> -> memref<1x1x32xi32, #tpu.memory_space<vmem>>
    %dma_start3A_405 = tpu.memref_squeeze %dma_start3A_404 : memref<1x1x32xi32, #tpu.memory_space<vmem>> -> memref<32xi32, #tpu.memory_space<vmem>>
    %dma_start3A_406 = arith.constant 0 : i32
    %dma_start3A_407 = arith.constant 0 : i32
    %dma_start3A_408 = tpu.memref_slice %arg4[%dma_start3A_406, %dma_start3A_407] : memref<32768x1024xf32, #tpu.memory_space<hbm>> -> memref<32768x1024xf32, #tpu.memory_space<hbm>>
    tpu.enqueue_indirect_dma source(%dma_start3A_402 : memref<32x1024xf32, #tpu.memory_space<vmem>>) target(%dma_start3A_408 : memref<32768x1024xf32, #tpu.memory_space<hbm>>) offsets(%dma_start3A_405 : memref<32xi32, #tpu.memory_space<vmem>>) semaphore(%arg15 : memref<!tpu.dma_semaphore, #tpu.memory_space<semaphore_mem>>)
    %dma_start3A_409 = arith.constant 1 : i32
    %dma_start3A_410 = arith.constant 1 : i32
    %dma_start3A_411 = arith.constant 1 : i32
    %dma_start3A_412 = arith.constant 0 : i32
    %dma_start3A_413 = arith.constant 0 : i32
    %dma_start3A_414 = tpu.memref_slice %arg5[%dma_start3A_409, %dma_start3A_412, %dma_start3A_413] : memref<2x32x1024xf32, #tpu.memory_space<vmem>> -> memref<1x32x1024xf32, #tpu.memory_space<vmem>>
    %dma_start3A_415 = tpu.memref_squeeze %dma_start3A_414 : memref<1x32x1024xf32, #tpu.memory_space<vmem>> -> memref<32x1024xf32, #tpu.memory_space<vmem>>
    %dma_start3A_416 = arith.constant 0 : i32
    %dma_start3A_417 = tpu.memref_slice %arg6[%dma_start3A_410, %dma_start3A_411, %dma_start3A_416] : memref<2x4x32xi32, #tpu.memory_space<vmem>> -> memref<1x1x32xi32, #tpu.memory_space<vmem>>
    %dma_start3A_418 = tpu.memref_squeeze %dma_start3A_417 : memref<1x1x32xi32, #tpu.memory_space<vmem>> -> memref<32xi32, #tpu.memory_space<vmem>>
    %dma_start3A_419 = arith.constant 0 : i32
    %dma_start3A_420 = arith.constant 0 : i32
    %dma_start3A_421 = tpu.memref_slice %arg4[%dma_start3A_419, %dma_start3A_420] : memref<32768x1024xf32, #tpu.memory_space<hbm>> -> memref<32768x1024xf32, #tpu.memory_space<hbm>>
    tpu.enqueue_indirect_dma source(%dma_start3A_415 : memref<32x1024xf32, #tpu.memory_space<vmem>>) target(%dma_start3A_421 : memref<32768x1024xf32, #tpu.memory_space<hbm>>) offsets(%dma_start3A_418 : memref<32xi32, #tpu.memory_space<vmem>>) semaphore(%arg15 : memref<!tpu.dma_semaphore, #tpu.memory_space<semaphore_mem>>)
    %add3A_422 = arith.constant 96 : i32
    %add3A_423 = arith.addi %mul3A_2, %add3A_422 : i32
    %mul3A_424 = arith.constant 8 : i32
    %mul3A_425 = arith.muli %add3A_423, %mul3A_424 : i32
    %add3A_426 = arith.constant 0 : i32
    %add3A_427 = arith.addi %mul3A_425, %add3A_426 : i32
    %dma_start3A_428 = arith.constant 0 : i32
    %dma_start3A_429 = tpu.memref_slice %arg4[%add3A_427, %dma_start3A_428] : memref<32768x1024xf32, #tpu.memory_space<hbm>> -> memref<32x1024xf32, #tpu.memory_space<hbm>>
    %dma_start3A_430 = arith.constant 0 : i32
    %dma_start3A_431 = tpu.memref_slice %arg4[%add3A_427, %dma_start3A_430] : memref<32768x1024xf32, #tpu.memory_space<hbm>> -> memref<32x1024xf32, #tpu.memory_space<hbm>>
    tpu.enqueue_dma source(%arg7 : memref<32x1024xf32, #tpu.memory_space<vmem>>) target(%dma_start3A_431 : memref<32x1024xf32, #tpu.memory_space<hbm>>) target_semaphore(%arg11 : memref<!tpu.dma_semaphore, #tpu.memory_space<semaphore_mem>>)
    %add3A_432 = arith.constant 32 : i32
    %add3A_433 = arith.addi %mul3A_425, %add3A_432 : i32
    %dma_start3A_434 = arith.constant 0 : i32
    %dma_start3A_435 = tpu.memref_slice %arg4[%add3A_433, %dma_start3A_434] : memref<32768x1024xf32, #tpu.memory_space<hbm>> -> memref<32x1024xf32, #tpu.memory_space<hbm>>
    %dma_start3A_436 = arith.constant 0 : i32
    %dma_start3A_437 = tpu.memref_slice %arg4[%add3A_433, %dma_start3A_436] : memref<32768x1024xf32, #tpu.memory_space<hbm>> -> memref<32x1024xf32, #tpu.memory_space<hbm>>
    tpu.enqueue_dma source(%arg7 : memref<32x1024xf32, #tpu.memory_space<vmem>>) target(%dma_start3A_437 : memref<32x1024xf32, #tpu.memory_space<hbm>>) target_semaphore(%arg11 : memref<!tpu.dma_semaphore, #tpu.memory_space<semaphore_mem>>)
    %add3A_438 = arith.constant 64 : i32
    %add3A_439 = arith.addi %mul3A_425, %add3A_438 : i32
    %dma_start3A_440 = arith.constant 0 : i32
    %dma_start3A_441 = tpu.memref_slice %arg4[%add3A_439, %dma_start3A_440] : memref<32768x1024xf32, #tpu.memory_space<hbm>> -> memref<32x1024xf32, #tpu.memory_space<hbm>>
    %dma_start3A_442 = arith.constant 0 : i32
    %dma_start3A_443 = tpu.memref_slice %arg4[%add3A_439, %dma_start3A_442] : memref<32768x1024xf32, #tpu.memory_space<hbm>> -> memref<32x1024xf32, #tpu.memory_space<hbm>>
    tpu.enqueue_dma source(%arg7 : memref<32x1024xf32, #tpu.memory_space<vmem>>) target(%dma_start3A_443 : memref<32x1024xf32, #tpu.memory_space<hbm>>) target_semaphore(%arg11 : memref<!tpu.dma_semaphore, #tpu.memory_space<semaphore_mem>>)
    %add3A_444 = arith.constant 96 : i32
    %add3A_445 = arith.addi %mul3A_425, %add3A_444 : i32
    %dma_start3A_446 = arith.constant 0 : i32
    %dma_start3A_447 = tpu.memref_slice %arg4[%add3A_445, %dma_start3A_446] : memref<32768x1024xf32, #tpu.memory_space<hbm>> -> memref<32x1024xf32, #tpu.memory_space<hbm>>
    %dma_start3A_448 = arith.constant 0 : i32
    %dma_start3A_449 = tpu.memref_slice %arg4[%add3A_445, %dma_start3A_448] : memref<32768x1024xf32, #tpu.memory_space<hbm>> -> memref<32x1024xf32, #tpu.memory_space<hbm>>
    tpu.enqueue_dma source(%arg7 : memref<32x1024xf32, #tpu.memory_space<vmem>>) target(%dma_start3A_449 : memref<32x1024xf32, #tpu.memory_space<hbm>>) target_semaphore(%arg11 : memref<!tpu.dma_semaphore, #tpu.memory_space<semaphore_mem>>)
    %add3A_450 = arith.constant 128 : i32
    %add3A_451 = arith.addi %mul3A_425, %add3A_450 : i32
    %dma_start3A_452 = arith.constant 0 : i32
    %dma_start3A_453 = tpu.memref_slice %arg4[%add3A_451, %dma_start3A_452] : memref<32768x1024xf32, #tpu.memory_space<hbm>> -> memref<32x1024xf32, #tpu.memory_space<hbm>>
    %dma_start3A_454 = arith.constant 0 : i32
    %dma_start3A_455 = tpu.memref_slice %arg4[%add3A_451, %dma_start3A_454] : memref<32768x1024xf32, #tpu.memory_space<hbm>> -> memref<32x1024xf32, #tpu.memory_space<hbm>>
    tpu.enqueue_dma source(%arg7 : memref<32x1024xf32, #tpu.memory_space<vmem>>) target(%dma_start3A_455 : memref<32x1024xf32, #tpu.memory_space<hbm>>) target_semaphore(%arg11 : memref<!tpu.dma_semaphore, #tpu.memory_space<semaphore_mem>>)
    %add3A_456 = arith.constant 160 : i32
    %add3A_457 = arith.addi %mul3A_425, %add3A_456 : i32
    %dma_start3A_458 = arith.constant 0 : i32
    %dma_start3A_459 = tpu.memref_slice %arg4[%add3A_457, %dma_start3A_458] : memref<32768x1024xf32, #tpu.memory_space<hbm>> -> memref<32x1024xf32, #tpu.memory_space<hbm>>
    %dma_start3A_460 = arith.constant 0 : i32
    %dma_start3A_461 = tpu.memref_slice %arg4[%add3A_457, %dma_start3A_460] : memref<32768x1024xf32, #tpu.memory_space<hbm>> -> memref<32x1024xf32, #tpu.memory_space<hbm>>
    tpu.enqueue_dma source(%arg7 : memref<32x1024xf32, #tpu.memory_space<vmem>>) target(%dma_start3A_461 : memref<32x1024xf32, #tpu.memory_space<hbm>>) target_semaphore(%arg11 : memref<!tpu.dma_semaphore, #tpu.memory_space<semaphore_mem>>)
    %add3A_462 = arith.constant 192 : i32
    %add3A_463 = arith.addi %mul3A_425, %add3A_462 : i32
    %dma_start3A_464 = arith.constant 0 : i32
    %dma_start3A_465 = tpu.memref_slice %arg4[%add3A_463, %dma_start3A_464] : memref<32768x1024xf32, #tpu.memory_space<hbm>> -> memref<32x1024xf32, #tpu.memory_space<hbm>>
    %dma_start3A_466 = arith.constant 0 : i32
    %dma_start3A_467 = tpu.memref_slice %arg4[%add3A_463, %dma_start3A_466] : memref<32768x1024xf32, #tpu.memory_space<hbm>> -> memref<32x1024xf32, #tpu.memory_space<hbm>>
    tpu.enqueue_dma source(%arg7 : memref<32x1024xf32, #tpu.memory_space<vmem>>) target(%dma_start3A_467 : memref<32x1024xf32, #tpu.memory_space<hbm>>) target_semaphore(%arg11 : memref<!tpu.dma_semaphore, #tpu.memory_space<semaphore_mem>>)
    %add3A_468 = arith.constant 224 : i32
    %add3A_469 = arith.addi %mul3A_425, %add3A_468 : i32
    %dma_start3A_470 = arith.constant 0 : i32
    %dma_start3A_471 = tpu.memref_slice %arg4[%add3A_469, %dma_start3A_470] : memref<32768x1024xf32, #tpu.memory_space<hbm>> -> memref<32x1024xf32, #tpu.memory_space<hbm>>
    %dma_start3A_472 = arith.constant 0 : i32
    %dma_start3A_473 = tpu.memref_slice %arg4[%add3A_469, %dma_start3A_472] : memref<32768x1024xf32, #tpu.memory_space<hbm>> -> memref<32x1024xf32, #tpu.memory_space<hbm>>
    tpu.enqueue_dma source(%arg7 : memref<32x1024xf32, #tpu.memory_space<vmem>>) target(%dma_start3A_473 : memref<32x1024xf32, #tpu.memory_space<hbm>>) target_semaphore(%arg11 : memref<!tpu.dma_semaphore, #tpu.memory_space<semaphore_mem>>)
    %dma_wait3A_474 = arith.constant 1 : i32
    %dma_wait3A_475 = arith.constant 0 : i32
    %dma_wait3A_476 = arith.constant 1 : i32
    %dma_wait3A_477 = arith.constant 0 : i32
    %dma_wait3A_478 = arith.constant 0 : i32
    %dma_wait3A_479 = tpu.memref_slice %arg5[%dma_wait3A_474, %dma_wait3A_477, %dma_wait3A_478] : memref<2x32x1024xf32, #tpu.memory_space<vmem>> -> memref<1x32x1024xf32, #tpu.memory_space<vmem>>
    %dma_wait3A_480 = tpu.memref_squeeze %dma_wait3A_479 : memref<1x32x1024xf32, #tpu.memory_space<vmem>> -> memref<32x1024xf32, #tpu.memory_space<vmem>>
    %dma_wait3A_481 = arith.constant 0 : i32
    %dma_wait3A_482 = tpu.memref_slice %arg6[%dma_wait3A_475, %dma_wait3A_476, %dma_wait3A_481] : memref<2x4x32xi32, #tpu.memory_space<vmem>> -> memref<1x1x32xi32, #tpu.memory_space<vmem>>
    %dma_wait3A_483 = tpu.memref_squeeze %dma_wait3A_482 : memref<1x1x32xi32, #tpu.memory_space<vmem>> -> memref<32xi32, #tpu.memory_space<vmem>>
    %dma_wait3A_484 = arith.constant 0 : i32
    %dma_wait3A_485 = arith.constant 0 : i32
    %dma_wait3A_486 = tpu.memref_slice %arg4[%dma_wait3A_484, %dma_wait3A_485] : memref<32768x1024xf32, #tpu.memory_space<hbm>> -> memref<32768x1024xf32, #tpu.memory_space<hbm>>
    tpu.wait_indirect_dma semaphore(%arg15 : memref<!tpu.dma_semaphore, #tpu.memory_space<semaphore_mem>>) src(%dma_wait3A_480 : memref<32x1024xf32, #tpu.memory_space<vmem>>) dst(%dma_wait3A_486 : memref<32768x1024xf32, #tpu.memory_space<hbm>>)
    %dma_wait3A_487 = arith.constant 1 : i32
    %dma_wait3A_488 = arith.constant 1 : i32
    %dma_wait3A_489 = arith.constant 1 : i32
    %dma_wait3A_490 = arith.constant 0 : i32
    %dma_wait3A_491 = arith.constant 0 : i32
    %dma_wait3A_492 = tpu.memref_slice %arg5[%dma_wait3A_487, %dma_wait3A_490, %dma_wait3A_491] : memref<2x32x1024xf32, #tpu.memory_space<vmem>> -> memref<1x32x1024xf32, #tpu.memory_space<vmem>>
    %dma_wait3A_493 = tpu.memref_squeeze %dma_wait3A_492 : memref<1x32x1024xf32, #tpu.memory_space<vmem>> -> memref<32x1024xf32, #tpu.memory_space<vmem>>
    %dma_wait3A_494 = arith.constant 0 : i32
    %dma_wait3A_495 = tpu.memref_slice %arg6[%dma_wait3A_488, %dma_wait3A_489, %dma_wait3A_494] : memref<2x4x32xi32, #tpu.memory_space<vmem>> -> memref<1x1x32xi32, #tpu.memory_space<vmem>>
    %dma_wait3A_496 = tpu.memref_squeeze %dma_wait3A_495 : memref<1x1x32xi32, #tpu.memory_space<vmem>> -> memref<32xi32, #tpu.memory_space<vmem>>
    %dma_wait3A_497 = arith.constant 0 : i32
    %dma_wait3A_498 = arith.constant 0 : i32
    %dma_wait3A_499 = tpu.memref_slice %arg4[%dma_wait3A_497, %dma_wait3A_498] : memref<32768x1024xf32, #tpu.memory_space<hbm>> -> memref<32768x1024xf32, #tpu.memory_space<hbm>>
    tpu.wait_indirect_dma semaphore(%arg15 : memref<!tpu.dma_semaphore, #tpu.memory_space<semaphore_mem>>) src(%dma_wait3A_493 : memref<32x1024xf32, #tpu.memory_space<vmem>>) dst(%dma_wait3A_499 : memref<32768x1024xf32, #tpu.memory_space<hbm>>)
    %add3A_500 = arith.constant 96 : i32
    %add3A_501 = arith.addi %mul3A_2, %add3A_500 : i32
    %dma_start3A_502 = arith.constant 1 : i32
    %dma_start3A_503 = arith.constant 0 : i32
    %dma_start3A_504 = arith.constant 0 : i32
    %dma_start3A_505 = tpu.memref_slice %arg5[%dma_start3A_502, %dma_start3A_503, %dma_start3A_504] : memref<2x32x1024xf32, #tpu.memory_space<vmem>> -> memref<1x32x1024xf32, #tpu.memory_space<vmem>>
    %dma_start3A_506 = tpu.memref_squeeze %dma_start3A_505 : memref<1x32x1024xf32, #tpu.memory_space<vmem>> -> memref<32x1024xf32, #tpu.memory_space<vmem>>
    %dma_start3A_507 = arith.constant 0 : i32
    %dma_start3A_508 = tpu.memref_slice %arg2[%add3A_501, %dma_start3A_507] : memref<4096x1024xf32, #tpu.memory_space<hbm>> -> memref<32x1024xf32, #tpu.memory_space<hbm>>
    %dma_start3A_509 = arith.constant 0 : i32
    %dma_start3A_510 = arith.constant 0 : i32
    %dma_start3A_511 = tpu.memref_slice %arg5[%dma_start3A_502, %dma_start3A_509, %dma_start3A_510] : memref<2x32x1024xf32, #tpu.memory_space<vmem>> -> memref<1x32x1024xf32, #tpu.memory_space<vmem>>
    %dma_start3A_512 = tpu.memref_squeeze %dma_start3A_511 : memref<1x32x1024xf32, #tpu.memory_space<vmem>> -> memref<32x1024xf32, #tpu.memory_space<vmem>>
    %dma_start3A_513 = arith.constant 0 : i32
    %dma_start3A_514 = tpu.memref_slice %arg2[%add3A_501, %dma_start3A_513] : memref<4096x1024xf32, #tpu.memory_space<hbm>> -> memref<32x1024xf32, #tpu.memory_space<hbm>>
    tpu.enqueue_dma source(%dma_start3A_514 : memref<32x1024xf32, #tpu.memory_space<hbm>>) target(%dma_start3A_512 : memref<32x1024xf32, #tpu.memory_space<vmem>>) target_semaphore(%arg13 : memref<!tpu.dma_semaphore, #tpu.memory_space<semaphore_mem>>)
    %add3A_515 = arith.constant 64 : i32
    %add3A_516 = arith.addi %mul3A_2, %add3A_515 : i32
    %mul3A_517 = arith.constant 8 : i32
    %mul3A_518 = arith.muli %add3A_516, %mul3A_517 : i32
    %add3A_519 = arith.constant 0 : i32
    %add3A_520 = arith.addi %mul3A_518, %add3A_519 : i32
    %dma_wait3A_521 = arith.constant 0 : i32
    %dma_wait3A_522 = tpu.memref_slice %arg4[%add3A_520, %dma_wait3A_521] : memref<32768x1024xf32, #tpu.memory_space<hbm>> -> memref<32x1024xf32, #tpu.memory_space<hbm>>
    %dma_wait3A_523 = arith.constant 0 : i32
    %dma_wait3A_524 = tpu.memref_slice %arg4[%add3A_520, %dma_wait3A_523] : memref<32768x1024xf32, #tpu.memory_space<hbm>> -> memref<32x1024xf32, #tpu.memory_space<hbm>>
    tpu.wait_dma2 semaphore(%arg10 : memref<!tpu.dma_semaphore, #tpu.memory_space<semaphore_mem>>) src(%arg7 : memref<32x1024xf32, #tpu.memory_space<vmem>>) dst(%dma_wait3A_524 : memref<32x1024xf32, #tpu.memory_space<hbm>>)
    %add3A_525 = arith.constant 32 : i32
    %add3A_526 = arith.addi %mul3A_518, %add3A_525 : i32
    %dma_wait3A_527 = arith.constant 0 : i32
    %dma_wait3A_528 = tpu.memref_slice %arg4[%add3A_526, %dma_wait3A_527] : memref<32768x1024xf32, #tpu.memory_space<hbm>> -> memref<32x1024xf32, #tpu.memory_space<hbm>>
    %dma_wait3A_529 = arith.constant 0 : i32
    %dma_wait3A_530 = tpu.memref_slice %arg4[%add3A_526, %dma_wait3A_529] : memref<32768x1024xf32, #tpu.memory_space<hbm>> -> memref<32x1024xf32, #tpu.memory_space<hbm>>
    tpu.wait_dma2 semaphore(%arg10 : memref<!tpu.dma_semaphore, #tpu.memory_space<semaphore_mem>>) src(%arg7 : memref<32x1024xf32, #tpu.memory_space<vmem>>) dst(%dma_wait3A_530 : memref<32x1024xf32, #tpu.memory_space<hbm>>)
    %add3A_531 = arith.constant 64 : i32
    %add3A_532 = arith.addi %mul3A_518, %add3A_531 : i32
    %dma_wait3A_533 = arith.constant 0 : i32
    %dma_wait3A_534 = tpu.memref_slice %arg4[%add3A_532, %dma_wait3A_533] : memref<32768x1024xf32, #tpu.memory_space<hbm>> -> memref<32x1024xf32, #tpu.memory_space<hbm>>
    %dma_wait3A_535 = arith.constant 0 : i32
    %dma_wait3A_536 = tpu.memref_slice %arg4[%add3A_532, %dma_wait3A_535] : memref<32768x1024xf32, #tpu.memory_space<hbm>> -> memref<32x1024xf32, #tpu.memory_space<hbm>>
    tpu.wait_dma2 semaphore(%arg10 : memref<!tpu.dma_semaphore, #tpu.memory_space<semaphore_mem>>) src(%arg7 : memref<32x1024xf32, #tpu.memory_space<vmem>>) dst(%dma_wait3A_536 : memref<32x1024xf32, #tpu.memory_space<hbm>>)
    %add3A_537 = arith.constant 96 : i32
    %add3A_538 = arith.addi %mul3A_518, %add3A_537 : i32
    %dma_wait3A_539 = arith.constant 0 : i32
    %dma_wait3A_540 = tpu.memref_slice %arg4[%add3A_538, %dma_wait3A_539] : memref<32768x1024xf32, #tpu.memory_space<hbm>> -> memref<32x1024xf32, #tpu.memory_space<hbm>>
    %dma_wait3A_541 = arith.constant 0 : i32
    %dma_wait3A_542 = tpu.memref_slice %arg4[%add3A_538, %dma_wait3A_541] : memref<32768x1024xf32, #tpu.memory_space<hbm>> -> memref<32x1024xf32, #tpu.memory_space<hbm>>
    tpu.wait_dma2 semaphore(%arg10 : memref<!tpu.dma_semaphore, #tpu.memory_space<semaphore_mem>>) src(%arg7 : memref<32x1024xf32, #tpu.memory_space<vmem>>) dst(%dma_wait3A_542 : memref<32x1024xf32, #tpu.memory_space<hbm>>)
    %add3A_543 = arith.constant 128 : i32
    %add3A_544 = arith.addi %mul3A_518, %add3A_543 : i32
    %dma_wait3A_545 = arith.constant 0 : i32
    %dma_wait3A_546 = tpu.memref_slice %arg4[%add3A_544, %dma_wait3A_545] : memref<32768x1024xf32, #tpu.memory_space<hbm>> -> memref<32x1024xf32, #tpu.memory_space<hbm>>
    %dma_wait3A_547 = arith.constant 0 : i32
    %dma_wait3A_548 = tpu.memref_slice %arg4[%add3A_544, %dma_wait3A_547] : memref<32768x1024xf32, #tpu.memory_space<hbm>> -> memref<32x1024xf32, #tpu.memory_space<hbm>>
    tpu.wait_dma2 semaphore(%arg10 : memref<!tpu.dma_semaphore, #tpu.memory_space<semaphore_mem>>) src(%arg7 : memref<32x1024xf32, #tpu.memory_space<vmem>>) dst(%dma_wait3A_548 : memref<32x1024xf32, #tpu.memory_space<hbm>>)
    %add3A_549 = arith.constant 160 : i32
    %add3A_550 = arith.addi %mul3A_518, %add3A_549 : i32
    %dma_wait3A_551 = arith.constant 0 : i32
    %dma_wait3A_552 = tpu.memref_slice %arg4[%add3A_550, %dma_wait3A_551] : memref<32768x1024xf32, #tpu.memory_space<hbm>> -> memref<32x1024xf32, #tpu.memory_space<hbm>>
    %dma_wait3A_553 = arith.constant 0 : i32
    %dma_wait3A_554 = tpu.memref_slice %arg4[%add3A_550, %dma_wait3A_553] : memref<32768x1024xf32, #tpu.memory_space<hbm>> -> memref<32x1024xf32, #tpu.memory_space<hbm>>
    tpu.wait_dma2 semaphore(%arg10 : memref<!tpu.dma_semaphore, #tpu.memory_space<semaphore_mem>>) src(%arg7 : memref<32x1024xf32, #tpu.memory_space<vmem>>) dst(%dma_wait3A_554 : memref<32x1024xf32, #tpu.memory_space<hbm>>)
    %add3A_555 = arith.constant 192 : i32
    %add3A_556 = arith.addi %mul3A_518, %add3A_555 : i32
    %dma_wait3A_557 = arith.constant 0 : i32
    %dma_wait3A_558 = tpu.memref_slice %arg4[%add3A_556, %dma_wait3A_557] : memref<32768x1024xf32, #tpu.memory_space<hbm>> -> memref<32x1024xf32, #tpu.memory_space<hbm>>
    %dma_wait3A_559 = arith.constant 0 : i32
    %dma_wait3A_560 = tpu.memref_slice %arg4[%add3A_556, %dma_wait3A_559] : memref<32768x1024xf32, #tpu.memory_space<hbm>> -> memref<32x1024xf32, #tpu.memory_space<hbm>>
    tpu.wait_dma2 semaphore(%arg10 : memref<!tpu.dma_semaphore, #tpu.memory_space<semaphore_mem>>) src(%arg7 : memref<32x1024xf32, #tpu.memory_space<vmem>>) dst(%dma_wait3A_560 : memref<32x1024xf32, #tpu.memory_space<hbm>>)
    %add3A_561 = arith.constant 224 : i32
    %add3A_562 = arith.addi %mul3A_518, %add3A_561 : i32
    %dma_wait3A_563 = arith.constant 0 : i32
    %dma_wait3A_564 = tpu.memref_slice %arg4[%add3A_562, %dma_wait3A_563] : memref<32768x1024xf32, #tpu.memory_space<hbm>> -> memref<32x1024xf32, #tpu.memory_space<hbm>>
    %dma_wait3A_565 = arith.constant 0 : i32
    %dma_wait3A_566 = tpu.memref_slice %arg4[%add3A_562, %dma_wait3A_565] : memref<32768x1024xf32, #tpu.memory_space<hbm>> -> memref<32x1024xf32, #tpu.memory_space<hbm>>
    tpu.wait_dma2 semaphore(%arg10 : memref<!tpu.dma_semaphore, #tpu.memory_space<semaphore_mem>>) src(%arg7 : memref<32x1024xf32, #tpu.memory_space<vmem>>) dst(%dma_wait3A_566 : memref<32x1024xf32, #tpu.memory_space<hbm>>)
    %add3A_567 = arith.constant 64 : i32
    %add3A_568 = arith.addi %mul3A_2, %add3A_567 : i32
    %dma_wait3A_569 = arith.constant 0 : i32
    %dma_wait3A_570 = arith.constant 0 : i32
    %dma_wait3A_571 = arith.constant 0 : i32
    %dma_wait3A_572 = tpu.memref_slice %arg5[%dma_wait3A_569, %dma_wait3A_570, %dma_wait3A_571] : memref<2x32x1024xf32, #tpu.memory_space<vmem>> -> memref<1x32x1024xf32, #tpu.memory_space<vmem>>
    %dma_wait3A_573 = tpu.memref_squeeze %dma_wait3A_572 : memref<1x32x1024xf32, #tpu.memory_space<vmem>> -> memref<32x1024xf32, #tpu.memory_space<vmem>>
    %dma_wait3A_574 = arith.constant 0 : i32
    %dma_wait3A_575 = tpu.memref_slice %arg2[%add3A_568, %dma_wait3A_574] : memref<4096x1024xf32, #tpu.memory_space<hbm>> -> memref<32x1024xf32, #tpu.memory_space<hbm>>
    %dma_wait3A_576 = arith.constant 0 : i32
    %dma_wait3A_577 = arith.constant 0 : i32
    %dma_wait3A_578 = tpu.memref_slice %arg5[%dma_wait3A_569, %dma_wait3A_576, %dma_wait3A_577] : memref<2x32x1024xf32, #tpu.memory_space<vmem>> -> memref<1x32x1024xf32, #tpu.memory_space<vmem>>
    %dma_wait3A_579 = tpu.memref_squeeze %dma_wait3A_578 : memref<1x32x1024xf32, #tpu.memory_space<vmem>> -> memref<32x1024xf32, #tpu.memory_space<vmem>>
    %dma_wait3A_580 = arith.constant 0 : i32
    %dma_wait3A_581 = tpu.memref_slice %arg2[%add3A_568, %dma_wait3A_580] : memref<4096x1024xf32, #tpu.memory_space<hbm>> -> memref<32x1024xf32, #tpu.memory_space<hbm>>
    tpu.wait_dma2 semaphore(%arg12 : memref<!tpu.dma_semaphore, #tpu.memory_space<semaphore_mem>>) src(%dma_wait3A_581 : memref<32x1024xf32, #tpu.memory_space<hbm>>) dst(%dma_wait3A_579 : memref<32x1024xf32, #tpu.memory_space<vmem>>)
    %dma_start3A_582 = arith.constant 0 : i32
    %dma_start3A_583 = arith.constant 0 : i32
    %dma_start3A_584 = arith.constant 2 : i32
    %dma_start3A_585 = arith.constant 0 : i32
    %dma_start3A_586 = arith.constant 0 : i32
    %dma_start3A_587 = tpu.memref_slice %arg5[%dma_start3A_582, %dma_start3A_585, %dma_start3A_586] : memref<2x32x1024xf32, #tpu.memory_space<vmem>> -> memref<1x32x1024xf32, #tpu.memory_space<vmem>>
    %dma_start3A_588 = tpu.memref_squeeze %dma_start3A_587 : memref<1x32x1024xf32, #tpu.memory_space<vmem>> -> memref<32x1024xf32, #tpu.memory_space<vmem>>
    %dma_start3A_589 = arith.constant 0 : i32
    %dma_start3A_590 = tpu.memref_slice %arg6[%dma_start3A_583, %dma_start3A_584, %dma_start3A_589] : memref<2x4x32xi32, #tpu.memory_space<vmem>> -> memref<1x1x32xi32, #tpu.memory_space<vmem>>
    %dma_start3A_591 = tpu.memref_squeeze %dma_start3A_590 : memref<1x1x32xi32, #tpu.memory_space<vmem>> -> memref<32xi32, #tpu.memory_space<vmem>>
    %dma_start3A_592 = arith.constant 0 : i32
    %dma_start3A_593 = arith.constant 0 : i32
    %dma_start3A_594 = tpu.memref_slice %arg4[%dma_start3A_592, %dma_start3A_593] : memref<32768x1024xf32, #tpu.memory_space<hbm>> -> memref<32768x1024xf32, #tpu.memory_space<hbm>>
    tpu.enqueue_indirect_dma source(%dma_start3A_588 : memref<32x1024xf32, #tpu.memory_space<vmem>>) target(%dma_start3A_594 : memref<32768x1024xf32, #tpu.memory_space<hbm>>) offsets(%dma_start3A_591 : memref<32xi32, #tpu.memory_space<vmem>>) semaphore(%arg14 : memref<!tpu.dma_semaphore, #tpu.memory_space<semaphore_mem>>)
    %dma_start3A_595 = arith.constant 0 : i32
    %dma_start3A_596 = arith.constant 1 : i32
    %dma_start3A_597 = arith.constant 2 : i32
    %dma_start3A_598 = arith.constant 0 : i32
    %dma_start3A_599 = arith.constant 0 : i32
    %dma_start3A_600 = tpu.memref_slice %arg5[%dma_start3A_595, %dma_start3A_598, %dma_start3A_599] : memref<2x32x1024xf32, #tpu.memory_space<vmem>> -> memref<1x32x1024xf32, #tpu.memory_space<vmem>>
    %dma_start3A_601 = tpu.memref_squeeze %dma_start3A_600 : memref<1x32x1024xf32, #tpu.memory_space<vmem>> -> memref<32x1024xf32, #tpu.memory_space<vmem>>
    %dma_start3A_602 = arith.constant 0 : i32
    %dma_start3A_603 = tpu.memref_slice %arg6[%dma_start3A_596, %dma_start3A_597, %dma_start3A_602] : memref<2x4x32xi32, #tpu.memory_space<vmem>> -> memref<1x1x32xi32, #tpu.memory_space<vmem>>
    %dma_start3A_604 = tpu.memref_squeeze %dma_start3A_603 : memref<1x1x32xi32, #tpu.memory_space<vmem>> -> memref<32xi32, #tpu.memory_space<vmem>>
    %dma_start3A_605 = arith.constant 0 : i32
    %dma_start3A_606 = arith.constant 0 : i32
    %dma_start3A_607 = tpu.memref_slice %arg4[%dma_start3A_605, %dma_start3A_606] : memref<32768x1024xf32, #tpu.memory_space<hbm>> -> memref<32768x1024xf32, #tpu.memory_space<hbm>>
    tpu.enqueue_indirect_dma source(%dma_start3A_601 : memref<32x1024xf32, #tpu.memory_space<vmem>>) target(%dma_start3A_607 : memref<32768x1024xf32, #tpu.memory_space<hbm>>) offsets(%dma_start3A_604 : memref<32xi32, #tpu.memory_space<vmem>>) semaphore(%arg14 : memref<!tpu.dma_semaphore, #tpu.memory_space<semaphore_mem>>)
    %add3A_608 = arith.constant 96 : i32
    %add3A_609 = arith.addi %mul3A_2, %add3A_608 : i32
    %mul3A_610 = arith.constant 8 : i32
    %mul3A_611 = arith.muli %add3A_609, %mul3A_610 : i32
    %add3A_612 = arith.constant 0 : i32
    %add3A_613 = arith.addi %mul3A_611, %add3A_612 : i32
    %dma_wait3A_614 = arith.constant 0 : i32
    %dma_wait3A_615 = tpu.memref_slice %arg4[%add3A_613, %dma_wait3A_614] : memref<32768x1024xf32, #tpu.memory_space<hbm>> -> memref<32x1024xf32, #tpu.memory_space<hbm>>
    %dma_wait3A_616 = arith.constant 0 : i32
    %dma_wait3A_617 = tpu.memref_slice %arg4[%add3A_613, %dma_wait3A_616] : memref<32768x1024xf32, #tpu.memory_space<hbm>> -> memref<32x1024xf32, #tpu.memory_space<hbm>>
    tpu.wait_dma2 semaphore(%arg11 : memref<!tpu.dma_semaphore, #tpu.memory_space<semaphore_mem>>) src(%arg7 : memref<32x1024xf32, #tpu.memory_space<vmem>>) dst(%dma_wait3A_617 : memref<32x1024xf32, #tpu.memory_space<hbm>>)
    %add3A_618 = arith.constant 32 : i32
    %add3A_619 = arith.addi %mul3A_611, %add3A_618 : i32
    %dma_wait3A_620 = arith.constant 0 : i32
    %dma_wait3A_621 = tpu.memref_slice %arg4[%add3A_619, %dma_wait3A_620] : memref<32768x1024xf32, #tpu.memory_space<hbm>> -> memref<32x1024xf32, #tpu.memory_space<hbm>>
    %dma_wait3A_622 = arith.constant 0 : i32
    %dma_wait3A_623 = tpu.memref_slice %arg4[%add3A_619, %dma_wait3A_622] : memref<32768x1024xf32, #tpu.memory_space<hbm>> -> memref<32x1024xf32, #tpu.memory_space<hbm>>
    tpu.wait_dma2 semaphore(%arg11 : memref<!tpu.dma_semaphore, #tpu.memory_space<semaphore_mem>>) src(%arg7 : memref<32x1024xf32, #tpu.memory_space<vmem>>) dst(%dma_wait3A_623 : memref<32x1024xf32, #tpu.memory_space<hbm>>)
    %add3A_624 = arith.constant 64 : i32
    %add3A_625 = arith.addi %mul3A_611, %add3A_624 : i32
    %dma_wait3A_626 = arith.constant 0 : i32
    %dma_wait3A_627 = tpu.memref_slice %arg4[%add3A_625, %dma_wait3A_626] : memref<32768x1024xf32, #tpu.memory_space<hbm>> -> memref<32x1024xf32, #tpu.memory_space<hbm>>
    %dma_wait3A_628 = arith.constant 0 : i32
    %dma_wait3A_629 = tpu.memref_slice %arg4[%add3A_625, %dma_wait3A_628] : memref<32768x1024xf32, #tpu.memory_space<hbm>> -> memref<32x1024xf32, #tpu.memory_space<hbm>>
    tpu.wait_dma2 semaphore(%arg11 : memref<!tpu.dma_semaphore, #tpu.memory_space<semaphore_mem>>) src(%arg7 : memref<32x1024xf32, #tpu.memory_space<vmem>>) dst(%dma_wait3A_629 : memref<32x1024xf32, #tpu.memory_space<hbm>>)
    %add3A_630 = arith.constant 96 : i32
    %add3A_631 = arith.addi %mul3A_611, %add3A_630 : i32
    %dma_wait3A_632 = arith.constant 0 : i32
    %dma_wait3A_633 = tpu.memref_slice %arg4[%add3A_631, %dma_wait3A_632] : memref<32768x1024xf32, #tpu.memory_space<hbm>> -> memref<32x1024xf32, #tpu.memory_space<hbm>>
    %dma_wait3A_634 = arith.constant 0 : i32
    %dma_wait3A_635 = tpu.memref_slice %arg4[%add3A_631, %dma_wait3A_634] : memref<32768x1024xf32, #tpu.memory_space<hbm>> -> memref<32x1024xf32, #tpu.memory_space<hbm>>
    tpu.wait_dma2 semaphore(%arg11 : memref<!tpu.dma_semaphore, #tpu.memory_space<semaphore_mem>>) src(%arg7 : memref<32x1024xf32, #tpu.memory_space<vmem>>) dst(%dma_wait3A_635 : memref<32x1024xf32, #tpu.memory_space<hbm>>)
    %add3A_636 = arith.constant 128 : i32
    %add3A_637 = arith.addi %mul3A_611, %add3A_636 : i32
    %dma_wait3A_638 = arith.constant 0 : i32
    %dma_wait3A_639 = tpu.memref_slice %arg4[%add3A_637, %dma_wait3A_638] : memref<32768x1024xf32, #tpu.memory_space<hbm>> -> memref<32x1024xf32, #tpu.memory_space<hbm>>
    %dma_wait3A_640 = arith.constant 0 : i32
    %dma_wait3A_641 = tpu.memref_slice %arg4[%add3A_637, %dma_wait3A_640] : memref<32768x1024xf32, #tpu.memory_space<hbm>> -> memref<32x1024xf32, #tpu.memory_space<hbm>>
    tpu.wait_dma2 semaphore(%arg11 : memref<!tpu.dma_semaphore, #tpu.memory_space<semaphore_mem>>) src(%arg7 : memref<32x1024xf32, #tpu.memory_space<vmem>>) dst(%dma_wait3A_641 : memref<32x1024xf32, #tpu.memory_space<hbm>>)
    %add3A_642 = arith.constant 160 : i32
    %add3A_643 = arith.addi %mul3A_611, %add3A_642 : i32
    %dma_wait3A_644 = arith.constant 0 : i32
    %dma_wait3A_645 = tpu.memref_slice %arg4[%add3A_643, %dma_wait3A_644] : memref<32768x1024xf32, #tpu.memory_space<hbm>> -> memref<32x1024xf32, #tpu.memory_space<hbm>>
    %dma_wait3A_646 = arith.constant 0 : i32
    %dma_wait3A_647 = tpu.memref_slice %arg4[%add3A_643, %dma_wait3A_646] : memref<32768x1024xf32, #tpu.memory_space<hbm>> -> memref<32x1024xf32, #tpu.memory_space<hbm>>
    tpu.wait_dma2 semaphore(%arg11 : memref<!tpu.dma_semaphore, #tpu.memory_space<semaphore_mem>>) src(%arg7 : memref<32x1024xf32, #tpu.memory_space<vmem>>) dst(%dma_wait3A_647 : memref<32x1024xf32, #tpu.memory_space<hbm>>)
    %add3A_648 = arith.constant 192 : i32
    %add3A_649 = arith.addi %mul3A_611, %add3A_648 : i32
    %dma_wait3A_650 = arith.constant 0 : i32
    %dma_wait3A_651 = tpu.memref_slice %arg4[%add3A_649, %dma_wait3A_650] : memref<32768x1024xf32, #tpu.memory_space<hbm>> -> memref<32x1024xf32, #tpu.memory_space<hbm>>
    %dma_wait3A_652 = arith.constant 0 : i32
    %dma_wait3A_653 = tpu.memref_slice %arg4[%add3A_649, %dma_wait3A_652] : memref<32768x1024xf32, #tpu.memory_space<hbm>> -> memref<32x1024xf32, #tpu.memory_space<hbm>>
    tpu.wait_dma2 semaphore(%arg11 : memref<!tpu.dma_semaphore, #tpu.memory_space<semaphore_mem>>) src(%arg7 : memref<32x1024xf32, #tpu.memory_space<vmem>>) dst(%dma_wait3A_653 : memref<32x1024xf32, #tpu.memory_space<hbm>>)
    %add3A_654 = arith.constant 224 : i32
    %add3A_655 = arith.addi %mul3A_611, %add3A_654 : i32
    %dma_wait3A_656 = arith.constant 0 : i32
    %dma_wait3A_657 = tpu.memref_slice %arg4[%add3A_655, %dma_wait3A_656] : memref<32768x1024xf32, #tpu.memory_space<hbm>> -> memref<32x1024xf32, #tpu.memory_space<hbm>>
    %dma_wait3A_658 = arith.constant 0 : i32
    %dma_wait3A_659 = tpu.memref_slice %arg4[%add3A_655, %dma_wait3A_658] : memref<32768x1024xf32, #tpu.memory_space<hbm>> -> memref<32x1024xf32, #tpu.memory_space<hbm>>
    tpu.wait_dma2 semaphore(%arg11 : memref<!tpu.dma_semaphore, #tpu.memory_space<semaphore_mem>>) src(%arg7 : memref<32x1024xf32, #tpu.memory_space<vmem>>) dst(%dma_wait3A_659 : memref<32x1024xf32, #tpu.memory_space<hbm>>)
    %add3A_660 = arith.constant 96 : i32
    %add3A_661 = arith.addi %mul3A_2, %add3A_660 : i32
    %dma_wait3A_662 = arith.constant 1 : i32
    %dma_wait3A_663 = arith.constant 0 : i32
    %dma_wait3A_664 = arith.constant 0 : i32
    %dma_wait3A_665 = tpu.memref_slice %arg5[%dma_wait3A_662, %dma_wait3A_663, %dma_wait3A_664] : memref<2x32x1024xf32, #tpu.memory_space<vmem>> -> memref<1x32x1024xf32, #tpu.memory_space<vmem>>
    %dma_wait3A_666 = tpu.memref_squeeze %dma_wait3A_665 : memref<1x32x1024xf32, #tpu.memory_space<vmem>> -> memref<32x1024xf32, #tpu.memory_space<vmem>>
    %dma_wait3A_667 = arith.constant 0 : i32
    %dma_wait3A_668 = tpu.memref_slice %arg2[%add3A_661, %dma_wait3A_667] : memref<4096x1024xf32, #tpu.memory_space<hbm>> -> memref<32x1024xf32, #tpu.memory_space<hbm>>
    %dma_wait3A_669 = arith.constant 0 : i32
    %dma_wait3A_670 = arith.constant 0 : i32
    %dma_wait3A_671 = tpu.memref_slice %arg5[%dma_wait3A_662, %dma_wait3A_669, %dma_wait3A_670] : memref<2x32x1024xf32, #tpu.memory_space<vmem>> -> memref<1x32x1024xf32, #tpu.memory_space<vmem>>
    %dma_wait3A_672 = tpu.memref_squeeze %dma_wait3A_671 : memref<1x32x1024xf32, #tpu.memory_space<vmem>> -> memref<32x1024xf32, #tpu.memory_space<vmem>>
    %dma_wait3A_673 = arith.constant 0 : i32
    %dma_wait3A_674 = tpu.memref_slice %arg2[%add3A_661, %dma_wait3A_673] : memref<4096x1024xf32, #tpu.memory_space<hbm>> -> memref<32x1024xf32, #tpu.memory_space<hbm>>
    tpu.wait_dma2 semaphore(%arg13 : memref<!tpu.dma_semaphore, #tpu.memory_space<semaphore_mem>>) src(%dma_wait3A_674 : memref<32x1024xf32, #tpu.memory_space<hbm>>) dst(%dma_wait3A_672 : memref<32x1024xf32, #tpu.memory_space<vmem>>)
    %dma_start3A_675 = arith.constant 1 : i32
    %dma_start3A_676 = arith.constant 0 : i32
    %dma_start3A_677 = arith.constant 3 : i32
    %dma_start3A_678 = arith.constant 0 : i32
    %dma_start3A_679 = arith.constant 0 : i32
    %dma_start3A_680 = tpu.memref_slice %arg5[%dma_start3A_675, %dma_start3A_678, %dma_start3A_679] : memref<2x32x1024xf32, #tpu.memory_space<vmem>> -> memref<1x32x1024xf32, #tpu.memory_space<vmem>>
    %dma_start3A_681 = tpu.memref_squeeze %dma_start3A_680 : memref<1x32x1024xf32, #tpu.memory_space<vmem>> -> memref<32x1024xf32, #tpu.memory_space<vmem>>
    %dma_start3A_682 = arith.constant 0 : i32
    %dma_start3A_683 = tpu.memref_slice %arg6[%dma_start3A_676, %dma_start3A_677, %dma_start3A_682] : memref<2x4x32xi32, #tpu.memory_space<vmem>> -> memref<1x1x32xi32, #tpu.memory_space<vmem>>
    %dma_start3A_684 = tpu.memref_squeeze %dma_start3A_683 : memref<1x1x32xi32, #tpu.memory_space<vmem>> -> memref<32xi32, #tpu.memory_space<vmem>>
    %dma_start3A_685 = arith.constant 0 : i32
    %dma_start3A_686 = arith.constant 0 : i32
    %dma_start3A_687 = tpu.memref_slice %arg4[%dma_start3A_685, %dma_start3A_686] : memref<32768x1024xf32, #tpu.memory_space<hbm>> -> memref<32768x1024xf32, #tpu.memory_space<hbm>>
    tpu.enqueue_indirect_dma source(%dma_start3A_681 : memref<32x1024xf32, #tpu.memory_space<vmem>>) target(%dma_start3A_687 : memref<32768x1024xf32, #tpu.memory_space<hbm>>) offsets(%dma_start3A_684 : memref<32xi32, #tpu.memory_space<vmem>>) semaphore(%arg15 : memref<!tpu.dma_semaphore, #tpu.memory_space<semaphore_mem>>)
    %dma_start3A_688 = arith.constant 1 : i32
    %dma_start3A_689 = arith.constant 1 : i32
    %dma_start3A_690 = arith.constant 3 : i32
    %dma_start3A_691 = arith.constant 0 : i32
    %dma_start3A_692 = arith.constant 0 : i32
    %dma_start3A_693 = tpu.memref_slice %arg5[%dma_start3A_688, %dma_start3A_691, %dma_start3A_692] : memref<2x32x1024xf32, #tpu.memory_space<vmem>> -> memref<1x32x1024xf32, #tpu.memory_space<vmem>>
    %dma_start3A_694 = tpu.memref_squeeze %dma_start3A_693 : memref<1x32x1024xf32, #tpu.memory_space<vmem>> -> memref<32x1024xf32, #tpu.memory_space<vmem>>
    %dma_start3A_695 = arith.constant 0 : i32
    %dma_start3A_696 = tpu.memref_slice %arg6[%dma_start3A_689, %dma_start3A_690, %dma_start3A_695] : memref<2x4x32xi32, #tpu.memory_space<vmem>> -> memref<1x1x32xi32, #tpu.memory_space<vmem>>
    %dma_start3A_697 = tpu.memref_squeeze %dma_start3A_696 : memref<1x1x32xi32, #tpu.memory_space<vmem>> -> memref<32xi32, #tpu.memory_space<vmem>>
    %dma_start3A_698 = arith.constant 0 : i32
    %dma_start3A_699 = arith.constant 0 : i32
    %dma_start3A_700 = tpu.memref_slice %arg4[%dma_start3A_698, %dma_start3A_699] : memref<32768x1024xf32, #tpu.memory_space<hbm>> -> memref<32768x1024xf32, #tpu.memory_space<hbm>>
    tpu.enqueue_indirect_dma source(%dma_start3A_694 : memref<32x1024xf32, #tpu.memory_space<vmem>>) target(%dma_start3A_700 : memref<32768x1024xf32, #tpu.memory_space<hbm>>) offsets(%dma_start3A_697 : memref<32xi32, #tpu.memory_space<vmem>>) semaphore(%arg15 : memref<!tpu.dma_semaphore, #tpu.memory_space<semaphore_mem>>)
    %dma_wait3A_701 = arith.constant 0 : i32
    %dma_wait3A_702 = arith.constant 0 : i32
    %dma_wait3A_703 = arith.constant 2 : i32
    %dma_wait3A_704 = arith.constant 0 : i32
    %dma_wait3A_705 = arith.constant 0 : i32
    %dma_wait3A_706 = tpu.memref_slice %arg5[%dma_wait3A_701, %dma_wait3A_704, %dma_wait3A_705] : memref<2x32x1024xf32, #tpu.memory_space<vmem>> -> memref<1x32x1024xf32, #tpu.memory_space<vmem>>
    %dma_wait3A_707 = tpu.memref_squeeze %dma_wait3A_706 : memref<1x32x1024xf32, #tpu.memory_space<vmem>> -> memref<32x1024xf32, #tpu.memory_space<vmem>>
    %dma_wait3A_708 = arith.constant 0 : i32
    %dma_wait3A_709 = tpu.memref_slice %arg6[%dma_wait3A_702, %dma_wait3A_703, %dma_wait3A_708] : memref<2x4x32xi32, #tpu.memory_space<vmem>> -> memref<1x1x32xi32, #tpu.memory_space<vmem>>
    %dma_wait3A_710 = tpu.memref_squeeze %dma_wait3A_709 : memref<1x1x32xi32, #tpu.memory_space<vmem>> -> memref<32xi32, #tpu.memory_space<vmem>>
    %dma_wait3A_711 = arith.constant 0 : i32
    %dma_wait3A_712 = arith.constant 0 : i32
    %dma_wait3A_713 = tpu.memref_slice %arg4[%dma_wait3A_711, %dma_wait3A_712] : memref<32768x1024xf32, #tpu.memory_space<hbm>> -> memref<32768x1024xf32, #tpu.memory_space<hbm>>
    tpu.wait_indirect_dma semaphore(%arg14 : memref<!tpu.dma_semaphore, #tpu.memory_space<semaphore_mem>>) src(%dma_wait3A_707 : memref<32x1024xf32, #tpu.memory_space<vmem>>) dst(%dma_wait3A_713 : memref<32768x1024xf32, #tpu.memory_space<hbm>>)
    %dma_wait3A_714 = arith.constant 0 : i32
    %dma_wait3A_715 = arith.constant 1 : i32
    %dma_wait3A_716 = arith.constant 2 : i32
    %dma_wait3A_717 = arith.constant 0 : i32
    %dma_wait3A_718 = arith.constant 0 : i32
    %dma_wait3A_719 = tpu.memref_slice %arg5[%dma_wait3A_714, %dma_wait3A_717, %dma_wait3A_718] : memref<2x32x1024xf32, #tpu.memory_space<vmem>> -> memref<1x32x1024xf32, #tpu.memory_space<vmem>>
    %dma_wait3A_720 = tpu.memref_squeeze %dma_wait3A_719 : memref<1x32x1024xf32, #tpu.memory_space<vmem>> -> memref<32x1024xf32, #tpu.memory_space<vmem>>
    %dma_wait3A_721 = arith.constant 0 : i32
    %dma_wait3A_722 = tpu.memref_slice %arg6[%dma_wait3A_715, %dma_wait3A_716, %dma_wait3A_721] : memref<2x4x32xi32, #tpu.memory_space<vmem>> -> memref<1x1x32xi32, #tpu.memory_space<vmem>>
    %dma_wait3A_723 = tpu.memref_squeeze %dma_wait3A_722 : memref<1x1x32xi32, #tpu.memory_space<vmem>> -> memref<32xi32, #tpu.memory_space<vmem>>
    %dma_wait3A_724 = arith.constant 0 : i32
    %dma_wait3A_725 = arith.constant 0 : i32
    %dma_wait3A_726 = tpu.memref_slice %arg4[%dma_wait3A_724, %dma_wait3A_725] : memref<32768x1024xf32, #tpu.memory_space<hbm>> -> memref<32768x1024xf32, #tpu.memory_space<hbm>>
    tpu.wait_indirect_dma semaphore(%arg14 : memref<!tpu.dma_semaphore, #tpu.memory_space<semaphore_mem>>) src(%dma_wait3A_720 : memref<32x1024xf32, #tpu.memory_space<vmem>>) dst(%dma_wait3A_726 : memref<32768x1024xf32, #tpu.memory_space<hbm>>)
    %dma_wait3A_727 = arith.constant 1 : i32
    %dma_wait3A_728 = arith.constant 0 : i32
    %dma_wait3A_729 = arith.constant 3 : i32
    %dma_wait3A_730 = arith.constant 0 : i32
    %dma_wait3A_731 = arith.constant 0 : i32
    %dma_wait3A_732 = tpu.memref_slice %arg5[%dma_wait3A_727, %dma_wait3A_730, %dma_wait3A_731] : memref<2x32x1024xf32, #tpu.memory_space<vmem>> -> memref<1x32x1024xf32, #tpu.memory_space<vmem>>
    %dma_wait3A_733 = tpu.memref_squeeze %dma_wait3A_732 : memref<1x32x1024xf32, #tpu.memory_space<vmem>> -> memref<32x1024xf32, #tpu.memory_space<vmem>>
    %dma_wait3A_734 = arith.constant 0 : i32
    %dma_wait3A_735 = tpu.memref_slice %arg6[%dma_wait3A_728, %dma_wait3A_729, %dma_wait3A_734] : memref<2x4x32xi32, #tpu.memory_space<vmem>> -> memref<1x1x32xi32, #tpu.memory_space<vmem>>
    %dma_wait3A_736 = tpu.memref_squeeze %dma_wait3A_735 : memref<1x1x32xi32, #tpu.memory_space<vmem>> -> memref<32xi32, #tpu.memory_space<vmem>>
    %dma_wait3A_737 = arith.constant 0 : i32
    %dma_wait3A_738 = arith.constant 0 : i32
    %dma_wait3A_739 = tpu.memref_slice %arg4[%dma_wait3A_737, %dma_wait3A_738] : memref<32768x1024xf32, #tpu.memory_space<hbm>> -> memref<32768x1024xf32, #tpu.memory_space<hbm>>
    tpu.wait_indirect_dma semaphore(%arg15 : memref<!tpu.dma_semaphore, #tpu.memory_space<semaphore_mem>>) src(%dma_wait3A_733 : memref<32x1024xf32, #tpu.memory_space<vmem>>) dst(%dma_wait3A_739 : memref<32768x1024xf32, #tpu.memory_space<hbm>>)
    %dma_wait3A_740 = arith.constant 1 : i32
    %dma_wait3A_741 = arith.constant 1 : i32
    %dma_wait3A_742 = arith.constant 3 : i32
    %dma_wait3A_743 = arith.constant 0 : i32
    %dma_wait3A_744 = arith.constant 0 : i32
    %dma_wait3A_745 = tpu.memref_slice %arg5[%dma_wait3A_740, %dma_wait3A_743, %dma_wait3A_744] : memref<2x32x1024xf32, #tpu.memory_space<vmem>> -> memref<1x32x1024xf32, #tpu.memory_space<vmem>>
    %dma_wait3A_746 = tpu.memref_squeeze %dma_wait3A_745 : memref<1x32x1024xf32, #tpu.memory_space<vmem>> -> memref<32x1024xf32, #tpu.memory_space<vmem>>
    %dma_wait3A_747 = arith.constant 0 : i32
    %dma_wait3A_748 = tpu.memref_slice %arg6[%dma_wait3A_741, %dma_wait3A_742, %dma_wait3A_747] : memref<2x4x32xi32, #tpu.memory_space<vmem>> -> memref<1x1x32xi32, #tpu.memory_space<vmem>>
    %dma_wait3A_749 = tpu.memref_squeeze %dma_wait3A_748 : memref<1x1x32xi32, #tpu.memory_space<vmem>> -> memref<32xi32, #tpu.memory_space<vmem>>
    %dma_wait3A_750 = arith.constant 0 : i32
    %dma_wait3A_751 = arith.constant 0 : i32
    %dma_wait3A_752 = tpu.memref_slice %arg4[%dma_wait3A_750, %dma_wait3A_751] : memref<32768x1024xf32, #tpu.memory_space<hbm>> -> memref<32768x1024xf32, #tpu.memory_space<hbm>>
    tpu.wait_indirect_dma semaphore(%arg15 : memref<!tpu.dma_semaphore, #tpu.memory_space<semaphore_mem>>) src(%dma_wait3A_746 : memref<32x1024xf32, #tpu.memory_space<vmem>>) dst(%dma_wait3A_752 : memref<32768x1024xf32, #tpu.memory_space<hbm>>)
    return
  }
}

</mosaic_0001>

<sc_bundles>
// kernel: kernel.3.cloned.1.call-start
scs
__scs_entry_jumppad:
0x0: {  	(pc) =	sbr.rel $0x88, $3  }
0x1: {  	(tag) =	ssettag $0x0;
	lr =	simm.s32 $0x1  }
0x2: {  	[smem:$0x3F9F] =	sst lr;
	_ =	strace $0xD0000000  }
0x3: {  	_ = 	snop  }
0x4: {  	_ = 	snop  }
0x5: {  	_ = 	snop  }
0x6: {  	_ = 	snop  }
0x7: {  	_ = 	snop  }
__scs_overlays_trampoline_lowered:
0x8: {  	[smem:$0x3FAE] =	sst s0  }
0x9: {  	[smem:$0x3FAF] =	sst s1  }
0xa: {  	[smem:$0x3FB0] =	sst s2  }
0xb: {  	[smem:$0x3FB1] =	sst s3  }
0xc: {  	[smem:$0x3FB2] =	sst s4  }
0xd: {  	[smem:$0x3FB3] =	sst s5  }
0xe: {  	[smem:$0x3FB4] =	sst s6  }
0xf: {  	[smem:$0x3FB5] =	sst s7  }
0x10: {  	[smem:$0x3FB6] =	sst s8  }
0x11: {  	[smem:$0x3FB7] =	sst s9;
	s0 =	simm.s32 @!p0 $0x0  }
0x12: {  	s1 =	sld [smem:$0x3F9D];
	s0 =	simm.s32 @p0 $0x1  }
0x13: {  	[smem:$0x3FB8] =	sst s0;
	s0 =	simm.s32 @!p1 $0x0  }
0x14: {  	s2 =	sld [smem:$0x3F9C];
	s0 =	simm.s32 @p1 $0x1  }
0x15: {  	[smem:$0x3FB9] =	sst s0;
	s0 =	simm.s32 @!p2 $0x0  }
0x16: {  	s3 =	sld [smem:$0x3FDB];
	s0 =	simm.s32 @p2 $0x1  }
0x17: {  	s4 =	simm.s32 $0x1BF5;
	[smem:$0x3FBB] =	sst s0  }
0x18: {  	s0 =	sld [smem:$0x3F9E];
	_ =	swait.ge [sflag:s4], $0x0  }
0x19: {  	s7 =	sld [smem:$0x3F9F]  }
0x1a: {  	s8 =	sadd.s32 $0xFFFFE003, lr  }
0x1b: {  	s9 =	sadd.s32 $0xFFFFFEF7, lr;
	s5 =	simm.s32 $0xFFFFFFFF;
	p2 =	slt.u32 s8, $0xFFFFF086  }
0x1c: {  	p1 =	slt.u32 s9, $0xF7A;
	s5 =	simm.s32 @!p2 $0x0  }
0x1d: {  	s5 =	simm.s32 @p1 $0x1;
	p0 =	seq.s32 s7, s2  }
0x1e: {  	s7 =	smul.u32 @!p0 $0xF7A, s2;
	p2 =	seq.s32 @!p0 s5, $0x0  }
0x1f: {  	s9 =	smul.u32 $0xF7A, s1;
	s8 =	simm.s32 @!p0 $0x1BF5;
	p2 =	por !p2, p0  }
0x20: {  	[sflag:s8] =	ssyncset.s32 @!p0 $0xFFFFF086;
	s6 =	sadd.s32 @!p0 s3, s7;
	s7 =	simm.s32 @!p0 $0x108  }
0x21: {  	s3 =	sadd.s32 s3, s9;
	s6 =	sadd.s32 @!p0 $0x88, s6;
	s7 =	simm.s32 @p2 $0x1082  }
0x22: {  	[simem:s7], [sflag:s8] =	dma.local @!p0 [hbm:s6], $0xF7A  }
0x23: {  	s9 =	sor.u32 $0xD0000000, s2;
	s6 =	simm.s32 $0x108;
	_ =	swait.ge @!p0 [sflag:s8], $0x0  }
0x24: {  	s3 =	sadd.s32 $0x88, s3;
	s6 =	simm.s32 @!p1 $0x1082;
	[sflag:s4] =	ssyncset.s32 $0xFFFFF086  }
0x25: {  	[simem:s6], [sflag:s4] =	dma.local [hbm:s3], $0xF7A  }
0x26: {  	[smem:$0x3F9F] =	sst s1;
	(tag) =	ssettag s2;
	_ =	strace s9  }
0x27: {  	s1 =	sld [smem:$0x3FAF]  }
0x28: {  	s2 =	sld [smem:$0x3FB0]  }
0x29: {  	s4 =	sld [smem:$0x3FB2]  }
0x2a: {  	p0 =	seq.s32 s5, $0x0;
	s5 =	sld [smem:$0x3FB3]  }
0x2b: {  	s6 =	sld [smem:$0x3FB4]  }
0x2c: {  	s7 =	sld [smem:$0x3FB5]  }
0x2d: {  	s3 =	simm.s32 $0x108;
	s8 =	sld [smem:$0x3FB6]  }
0x2e: {  	s3 =	simm.s32 @!p0 $0x1082;
	s9 =	sld [smem:$0x3FB7]  }
0x2f: {  	lr =	sadd.s32 s0, s3;
	s0 =	sld [smem:$0x3FAE]  }
0x30: {  	s3 =	sld [smem:$0x3FB1]  }
0x31: {  	[smem:$0x3FBA] =	sst s10  }
0x32: {  	s10 =	sld [smem:$0x3FB8];
	_ =	sdelay $0x3  }
0x33: {  	p0 =	seq.s32 s10, $0x1;
	s10 =	sld [smem:$0x3FBA];
	_ =	sdelay $0x3  }
0x34: {  	[smem:$0x3FBA] =	sst s10  }
0x35: {  	s10 =	sld [smem:$0x3FB9];
	_ =	sdelay $0x3  }
0x36: {  	p1 =	seq.s32 s10, $0x1;
	s10 =	sld [smem:$0x3FBA];
	_ =	sdelay $0x3  }
0x37: {  	[smem:$0x3FBA] =	sst s10  }
0x38: {  	s10 =	sld [smem:$0x3FBB]  }
0x39: {  	_ = 	snop;
	(pc) =	sbr.ind lr, $3  }
0x3a: {  	_ = 	snop  }
0x3b: {  	_ = 	snop  }
0x3c: {  	p2 =	seq.s32 s10, $0x1;
	s10 =	sld [smem:$0x3FBA]  }
0x3d: {  	_ =	shalt  }
0x3e: {  	_ =	shalt  }
0x3f: {  	_ =	shalt  }
0x40: {  	_ =	shalt  }
0x41: {  	_ =	shalt  }
0x42: {  	_ =	shalt  }
0x43: {  	_ =	shalt  }
0x44: {  	_ =	shalt  }
0x45: {  	_ =	shalt  }
0x46: {  	_ =	shalt  }
0x47: {  	_ =	shalt  }
0x48: {  	_ =	shalt  }
0x49: {  	_ =	shalt  }
0x4a: {  	_ =	shalt  }
0x4b: {  	_ =	shalt  }
0x4c: {  	_ =	shalt  }
0x4d: {  	_ =	shalt  }
0x4e: {  	_ =	shalt  }
0x4f: {  	_ =	shalt  }
0x50: {  	_ =	shalt  }
0x51: {  	_ =	shalt  }
0x52: {  	_ =	shalt  }
0x53: {  	_ =	shalt  }
0x54: {  	_ =	shalt  }
0x55: {  	_ =	shalt  }
0x56: {  	_ =	shalt  }
0x57: {  	_ =	shalt  }
0x58: {  	_ =	shalt  }
0x59: {  	_ =	shalt  }
0x5a: {  	_ =	shalt  }
0x5b: {  	_ =	shalt  }
0x5c: {  	_ =	shalt  }
0x5d: {  	_ =	shalt  }
0x5e: {  	_ =	shalt  }
0x5f: {  	_ =	shalt  }
0x60: {  	_ =	shalt  }
0x61: {  	_ =	shalt  }
0x62: {  	_ =	shalt  }
0x63: {  	_ =	shalt  }
0x64: {  	_ =	shalt  }
0x65: {  	_ =	shalt  }
0x66: {  	_ =	shalt  }
0x67: {  	_ =	shalt  }
0x68: {  	_ =	shalt  }
0x69: {  	_ =	shalt  }
0x6a: {  	_ =	shalt  }
0x6b: {  	_ =	shalt  }
0x6c: {  	_ =	shalt  }
0x6d: {  	_ =	shalt  }
0x6e: {  	_ =	shalt  }
0x6f: {  	_ =	shalt  }
0x70: {  	_ =	shalt  }
0x71: {  	_ =	shalt  }
0x72: {  	_ =	shalt  }
0x73: {  	_ =	shalt  }
0x74: {  	_ =	shalt  }
0x75: {  	_ =	shalt  }
0x76: {  	_ =	shalt  }
0x77: {  	_ =	shalt  }
0x78: {  	_ =	shalt  }
0x79: {  	_ =	shalt  }
0x7a: {  	_ =	shalt  }
0x7b: {  	_ =	shalt  }
0x7c: {  	_ =	shalt  }
0x7d: {  	_ =	shalt  }
0x7e: {  	_ =	shalt  }
0x7f: {  	_ =	shalt  }
0x80: {  	_ =	shalt  }
0x81: {  	_ =	shalt  }
0x82: {  	_ =	shalt  }
0x83: {  	_ =	shalt  }
0x84: {  	_ =	shalt  }
0x85: {  	_ =	shalt  }
0x86: {  	_ =	shalt  }
0x87: {  	_ =	shalt  }
.Lfunc_end0:
.L_simem_size_0:
called_computation_lowered:
.L_overlay_start_0:
0x88: {  	s2 =	sld [smem:$0x3FD9]  }
0x89: {  	s3 =	sld [smem:$0x3FFE];
	_ =	sdelay $0x1  }
0x8a: {  	s1 =	srdreg.scid  }
0x8b: {  	s0 =	sand.u32 $0x1, s1  }
0x8c: {  	s17 =	sshll.u32 s0, $0xA;
	s2 =	sadd.s32 s3, s2  }
0x8d: {  	s2 =	sadd.s32 s2, s17  }
0x8e: {  	[smem:$0x3FC6] =	sst s2  }
0x8f: {  	_ = 	snop  }
0x90: {  	s2 =	sld [smem:$0x3FC9]  }
0x91: {  	s18 =	sld [smem:$0x3FD0];
	(tm) =	ssettm $0x1  }
0x92: {  	s4 =	sld [smem:$0x3FFB];
	_ =	sdelay $0x3  }
0x93: {  	_ =	strace s4  }
0x94: {  	s4 =	sld [smem:$0x3FFC];
	_ =	sdelay $0x3  }
0x95: {  	_ =	strace s4  }
0x96: {  	s4 =	sld [smem:$0x3FFD];
	_ =	sdelay $0x3  }
0x97: {  	_ =	strace s4  }
0x98: {  	_ =	strace $0x8FFFFFFF  }
0x99: {  	s19 =	sld [smem:$0x3FDB];
	_ =	sdelay $0x1  }
0x9a: {  	s5 =	simm.s32 $_scs_section_size  }
0x9b: {  	s6 =	simm.s32 $_size__tile_overlayer_lowered;
	s7 =	simm.s32 $_tile_overlayer_lowered  }
0x9c: {  	s22 =	simm.s32 $0x1BFF;
	s21 =	sshll.u32 s7, $0x1;
	s4 =	sadd.s32 s5, s19  }
0x9d: {  	s8 =	simm.s32 $0x0;
	s20 =	sshll.u32 s6, $0x1;
	s6 =	sadd.s32 s21, s4  }
0x9e: {  	[timem:s8], [sflag:s22] =	dma.local [hbm:s6], s20  }
0x9f: {  	_ =	swait.ge [sflag:s22], s20  }
0xa0: {  	s5 =	ssub.s32 $0x0, s20;
	[sflag:s22] =	ssyncset.done $0x0  }
0xa1: {  	[sflag:s22] =	ssyncadd.s32 s5;
	_ =	sdelay $0x1  }
0xa2: {  	s23 =	simm.s32 $0x1B8B  }
0xa3: {  	_ =	swait.ge [sflag:s23], $0x1  }
0xa4: {  	[sflag:s23] =	ssyncset.done $0x0  }
0xa5: {  	s25 =	simm.s32 $0x1B8E;
	s24 =	sld [smem:$0x3FFE];
	[sflag:s23] =	ssyncadd.s32 $0xFFFFFFFF  }
0xa6: {  	s26 =	simm.s32 $execute0_lowered;
	[smem:$0x3FD2] =	sst s25  }
0xa7: {  	s6 =	sshll.u32 s26, $0x1;
	_ =	strace $0x80000046;
	[dreg:$0x1] =	wrdreg $0xFFFFFFFF  }
0xa8: {  	s28 =	simm.s32 $_size_execute0_lowered;
	s4 =	sadd.s32 s4, s6;
	[dreg:$0x0] =	wrdreg $0x0  }
0xa9: {  	s6 =	sshll.u32 s28, $0x1;
	[dreg:$0x2] =	wrdreg s4  }
0xaa: {  	[dreg:$0x3] =	wrdreg s6  }
0xab: {  	[dreg:$0x4] =	wrdreg $0xC0  }
0xac: {  	_ =	task [dreg:s8], $0x5FFFF  }
0xad: {  	[dreg:$0x1] =	wrdreg $0xFFFFFFFF  }
0xae: {  	[dreg:$0x0] =	wrdreg $0x60  }
0xaf: {  	[dreg:$0x2] =	wrdreg s2  }
0xb0: {  	[dreg:$0x3] =	wrdreg s24  }
0xb1: {  	[dreg:$0x4] =	wrdreg s18  }
0xb2: {  	[dreg:$0x5] =	wrdreg $0x9  }
0xb3: {  	_ =	task.clear_ibuf [dreg:s8], $0x6FFFF;
	_ =	strace $0x90000046  }
0xb4: {  	s29 =	simm.s32 $0x9;
	_ =	strace $0x80000048  }
0xb5: {  	_ =	swait.ge [sflag:s29], $0x1  }
0xb6: {  	[sflag:s29] =	ssyncadd.s32 $0xFFFFFFFF  }
0xb7: {  	_ =	strace $0x90000048  }
0xb8: {  	_ =	sfence  }
0xb9: {  	s30 =	sld [smem:$0x0];
	_ =	sdelay $0x2  }
0xba: {  	s31 =	sshll.u32 s1, $0xD;
	s1 =	sshrl.u32 s1, $0x2  }
0xbb: {  	s3 =	sand.u32 $0x4000, s31;
	s1 =	sadd.s32 s1, s30  }
0xbc: {  	s0 =	sor.u32 s3, s0;
	s1 =	sshll.u32 s1, $0x11  }
0xbd: {  	s0 =	sor.u32 s1, s0  }
0xbe: {  	s0 =	sadd.s32 $0x8F2B, s0  }
0xbf: {  	[sflag:s0] =	ssyncadd.remote.s32 $0x1  }
0xc0: {  	_ =	sfence.sel $0xFFFF  }
0xc1: {  	[dreg:$0x0] =	wrdreg $0xFFFFFFFF;
	(pc) =	sbr.abs _section_cstart, $3  }
0xc2: {  	[dreg:$0x1] =	wrdreg $0xFFFFFFFF  }
0xc3: {  	_ =	task.clear_ibuf [dreg:s8], $0x2FFFF;
	_ =	strace $0x9FFFFFFF  }
0xc4: {  	(tm) =	ssettm $0x7FFFFFFF  }
0xc5: {  	_ =	shalt  }
tec
execute0_lowered:
.L_overlay_start_1:
0x0: {  	(tag) =	ssettag $0x1  }
0x1: {  	s0 =	rddreg [dreg:$0x0]  }
0x2: {  	s3 =	srdreg.scid;
	s5 =	stileid.u32  }
0x3: {  	s1 =	rddreg [dreg:$0x1];
	s4 =	sand.u32 $0x1, s3;
	s5 =	sshll.u32 s5, $0x1  }
0x4: {  	s2 =	rddreg [dreg:$0x2];
	s3 =	simm.s32 $0x0;
	s5 =	sor.u32 s4, s5  }
0x5: {  	s9 =	sadd.s32 $0x3000, s2;
	[smem:$0x7FF] =	sst s3;
	s6 =	sshll.u32 s5, $0x6  }
0x6: {  	_ =	strace $0x80000047;
	s26 =	sshll.u32 s5, $0x7;
	s31 =	sshll.u32 s5, $0x11  }
0x7: {  	s5 =	sshll.u32 s5, $0xE;
	s1 =	sadd.s32 s6, s1;
	s14 =	sadd.s32 s2, s31  }
0x8: {  	s15 =	sadd.s32 s31, s9;
	s5 =	sadd.s32 s0, s5;
	[dreg:$0x6] =	wrdreg s14  }
0x9: {  	s16 =	sor.u32 $0x20, s26;
	s12 =	sor.u32 $0x40, s26;
	[dreg:$0x9] =	wrdreg s15  }
0xa: {  	s6 =	sor.u32 $0x60, s26;
	s30 =	sadd.s32 $0x400, s1;
	[dreg:$0xb] =	wrdreg s5  }
0xb: {  	s1 =	sadd.s32 $0xC00, s1;
	s13 =	sshll.u32 s16, $0x7;
	[dreg:$0x4] =	wrdreg s30  }
0xc: {  	s14 =	sshll.u32 s12, $0x7;
	[dreg:$0x5] =	wrdreg s1;
	s13 =	sadd.s32 s0, s13  }
0xd: {  	s18 =	sshll.u32 s6, $0x7;
	s17 =	sadd.s32 s0, s14;
	[dreg:$0xc] =	wrdreg s13  }
0xe: {  	s5 =	sshll.u32 s16, $0xA;
	s0 =	sadd.s32 s0, s18;
	[dreg:$0xd] =	wrdreg s17  }
0xf: {  	s22 =	sadd.s32 s2, s5;
	[dreg:$0xe] =	wrdreg s0  }
0x10: {  	s21 =	sshll.u32 s12, $0xA;
	s25 =	sadd.s32 s5, s9;
	[dreg:$0x12] =	wrdreg s22  }
0x11: {  	s1 =	sadd.s32 $0x1000, s2;
	s14 =	sadd.s32 s2, s21;
	[dreg:$0x15] =	wrdreg s25  }
0x12: {  	s8 =	sadd.s32 s31, s1;
	[dreg:$0x1a] =	wrdreg s14  }
0x13: {  	s4 =	ssub.s32 $0x2, s4;
	s23 =	sadd.s32 s5, s1;
	[dreg:$0x7] =	wrdreg s8  }
0x14: {  	s7 =	sshrl.u32 s4, $0x1;
	s15 =	sadd.s32 s21, s1;
	[dreg:$0x13] =	wrdreg s23  }
0x15: {  	s12 =	sshll.u32 s6, $0xA;
	s17 =	sadd.s32 s21, s9;
	[dreg:$0x1b] =	wrdreg s15  }
0x16: {  	s0 =	sadd.s32 $0x6000, s2;
	s1 =	sadd.s32 s12, s1;
	[dreg:$0x1d] =	wrdreg s17  }
0x17: {  	s13 =	sadd.s32 $0x7000, s2;
	s20 =	sadd.s32 s31, s0;
	[smem:$0x7F5] =	sst s1  }
0x18: {  	s4 =	ssub.s32 s4, s7;
	s7 =	sadd.s32 s31, s13;
	[dreg:$0x10] =	wrdreg s20  }
0x19: {  	s8 =	sadd.s32 $0x2000, s2;
	s23 =	sadd.s32 s12, s9;
	[dreg:$0x11] =	wrdreg s7  }
0x1a: {  	s10 =	sadd.s32 s31, s8;
	[smem:$0x7F7] =	sst s23  }
0x1b: {  	s24 =	sadd.s32 s5, s8;
	[dreg:$0x8] =	wrdreg s10  }
0x1c: {  	s16 =	sadd.s32 s21, s8;
	[dreg:$0x14] =	wrdreg s24  }
0x1d: {  	s20 =	sadd.s32 s21, s0;
	[dreg:$0x1c] =	wrdreg s16  }
0x1e: {  	s22 =	sadd.s32 s12, s8;
	s10 =	sadd.s32 $0x4000, s2;
	[smem:$0x7F3] =	sst s20  }
0x1f: {  	[smem:$0x7F6] =	sst s22;
	s11 =	sadd.s32 s31, s10  }
0x20: {  	s26 =	sadd.s32 s5, s10;
	[dreg:$0xa] =	wrdreg s11  }
0x21: {  	s18 =	sadd.s32 s21, s10;
	[dreg:$0x16] =	wrdreg s26  }
0x22: {  	s24 =	sadd.s32 s12, s10;
	[dreg:$0x1e] =	wrdreg s18  }
0x23: {  	s11 =	sadd.s32 $0x5000, s2;
	[smem:$0x7F8] =	sst s24;
	s26 =	sadd.s32 s12, s13  }
0x24: {  	s19 =	sadd.s32 s31, s11;
	[smem:$0x7FB] =	sst s26  }
0x25: {  	s30 =	sadd.s32 s5, s11;
	[dreg:$0xf] =	wrdreg s19  }
0x26: {  	s28 =	simm.s32 $0x4000;
	s31 =	sadd.s32 s5, s0;
	[dreg:$0x17] =	wrdreg s30  }
0x27: {  	s29 =	simm.s32 $0x4800;
	s5 =	sadd.s32 s5, s13;
	[dreg:$0x18] =	wrdreg s31  }
0x28: {  	s6 =	simm.s32 $0x3;
	s25 =	sadd.s32 s12, s11;
	[dreg:$0x19] =	wrdreg s5  }
0x29: {  	s14 =	sadd.s32 $0x100, s2;
	s0 =	sadd.s32 s12, s0;
	[smem:$0x7F9] =	sst s25  }
0x2a: {  	s15 =	sadd.s32 $0x200, s2;
	s19 =	sadd.s32 s21, s11;
	[smem:$0x7FA] =	sst s0  }
0x2b: {  	s9 =	simm.s32 $0x2;
	s21 =	sadd.s32 s21, s13;
	[dreg:$0x1f] =	wrdreg s19  }
0x2c: {  	v3 =	vlaneseq.u32;
	s7 =	simm.s32 $0x4;
	s30 =	sadd.s32 s2, s12;
	[smem:$0x7F4] =	sst s21  }
0x2d: {  	v0 =	vimm.f32 $0.0e+00;
	vm0 =	vmmov $0xffff;
	v2 =	vshrl.u32 v3, $0x3;
	s16 =	sadd.s32 $0x300, s2;
	s31 =	smax.u32 s4, $0x1;
	[smem:$0x7FC] =	sst s30  }
0x2e: {  	v1 =	vand.u32 $0x7, v3;
	v3 =	vor.u32 $0x8, v3;
	v2 =	vmul.u32 $0x8, v2;
	s18 =	simm.s32 $0x10400;
	s0 =	simm.s32 $0x0;
	[smem:$0x7FD] =	sst s31  }
.LBB2_1:
0x2f: {  	[smem:$0x7F2] =	sst s0;
	s12 =	simm.s32 $0xFFFF8000  }
0x30: {  	s13 =	simm.s32 $0x0;
	s22 =	simm.s32 $0x0;
	s23 =	simm.s32 $0x0  }
.LBB2_2:
0x31: {  	s24 =	sadd.s32 $0x8000, s12  }
0x32: {  	s25 =	sand.u32 $0x380, s23;
	s24 =	sand.u32 $0x6000, s24  }
0x33: {  	s24 =	sor.u32 s25, s24  }
0x34: {  	[tilespmem:s24+$0x10400] =	vst v0  }
0x35: {  	[tilespmem:s24+$0x10410] =	vst v0  }
0x36: {  	[tilespmem:s24+$0x10420] =	vst v0  }
0x37: {  	[tilespmem:s24+$0x10430] =	vst v0  }
0x38: {  	[tilespmem:s24+$0x10440] =	vst v0  }
0x39: {  	[tilespmem:s24+$0x10450] =	vst v0  }
0x3a: {  	[tilespmem:s24+$0x10460] =	vst v0  }
0x3b: {  	[tilespmem:s24+$0x10470] =	vst v0  }
0x3c: {  	[tilespmem:s24+$0x10800] =	vst v0  }
0x3d: {  	[tilespmem:s24+$0x10810] =	vst v0  }
0x3e: {  	[tilespmem:s24+$0x10820] =	vst v0  }
0x3f: {  	[tilespmem:s24+$0x10830] =	vst v0  }
0x40: {  	[tilespmem:s24+$0x10840] =	vst v0  }
0x41: {  	[tilespmem:s24+$0x10850] =	vst v0  }
0x42: {  	[tilespmem:s24+$0x10860] =	vst v0  }
0x43: {  	[tilespmem:s24+$0x10870] =	vst v0  }
0x44: {  	[tilespmem:s24+$0x10C00] =	vst v0  }
0x45: {  	[tilespmem:s24+$0x10C10] =	vst v0  }
0x46: {  	[tilespmem:s24+$0x10C20] =	vst v0  }
0x47: {  	[tilespmem:s24+$0x10C30] =	vst v0  }
0x48: {  	[tilespmem:s24+$0x10C40] =	vst v0  }
0x49: {  	[tilespmem:s24+$0x10C50] =	vst v0  }
0x4a: {  	[tilespmem:s24+$0x10C60] =	vst v0  }
0x4b: {  	[tilespmem:s24+$0x10C70] =	vst v0  }
0x4c: {  	[tilespmem:s24+$0x11000] =	vst v0  }
0x4d: {  	[tilespmem:s24+$0x11010] =	vst v0  }
0x4e: {  	[tilespmem:s24+$0x11020] =	vst v0  }
0x4f: {  	[tilespmem:s24+$0x11030] =	vst v0  }
0x50: {  	[tilespmem:s24+$0x11040] =	vst v0  }
0x51: {  	[tilespmem:s24+$0x11050] =	vst v0  }
0x52: {  	[tilespmem:s24+$0x11060] =	vst v0  }
0x53: {  	[tilespmem:s24+$0x11070] =	vst v0  }
0x54: {  	[tilespmem:s24+$0x11400] =	vst v0  }
0x55: {  	[tilespmem:s24+$0x11410] =	vst v0  }
0x56: {  	[tilespmem:s24+$0x11420] =	vst v0  }
0x57: {  	[tilespmem:s24+$0x11430] =	vst v0  }
0x58: {  	[tilespmem:s24+$0x11440] =	vst v0  }
0x59: {  	[tilespmem:s24+$0x11450] =	vst v0  }
0x5a: {  	[tilespmem:s24+$0x11460] =	vst v0  }
0x5b: {  	[tilespmem:s24+$0x11470] =	vst v0  }
0x5c: {  	[tilespmem:s24+$0x11800] =	vst v0  }
0x5d: {  	[tilespmem:s24+$0x11810] =	vst v0  }
0x5e: {  	[tilespmem:s24+$0x11820] =	vst v0  }
0x5f: {  	[tilespmem:s24+$0x11830] =	vst v0  }
0x60: {  	[tilespmem:s24+$0x11840] =	vst v0  }
0x61: {  	[tilespmem:s24+$0x11850] =	vst v0  }
0x62: {  	[tilespmem:s24+$0x11860] =	vst v0  }
0x63: {  	[tilespmem:s24+$0x11870] =	vst v0  }
0x64: {  	[tilespmem:s24+$0x11C00] =	vst v0  }
0x65: {  	[tilespmem:s24+$0x11C10] =	vst v0  }
0x66: {  	[tilespmem:s24+$0x11C20] =	vst v0  }
0x67: {  	[tilespmem:s24+$0x11C30] =	vst v0  }
0x68: {  	s10 =	sand.u32 $0x7, s13;
	[tilespmem:s24+$0x11C40] =	vst v0  }
0x69: {  	s25 =	sshll.u32 s10, $0x7;
	[tilespmem:s24+$0x11C50] =	vst v0  }
0x6a: {  	s25 =	sadd.s32 s25, s22;
	[tilespmem:s24+$0x11C60] =	vst v0  }
0x6b: {  	[tilespmem:s24+$0x11C70] =	vst v0;
	s11 =	sor.u32 $0x1C00, s25  }
0x6c: {  	s17 =	sor.u32 $0x1C10, s25;
	[tilespmem:s11+$0x10400] =	vst v0  }
0x6d: {  	s19 =	sor.u32 $0x1C20, s25;
	[tilespmem:s17+$0x10400] =	vst v0  }
0x6e: {  	p0 =	sne.s32 s23, $0xF80;
	s20 =	sor.u32 $0x1C30, s25;
	[tilespmem:s19+$0x10400] =	vst v0  }
.Ltmp0:
0x6f: {  	s21 =	sor.u32 $0x1C40, s25;
	[tilespmem:s20+$0x10400] =	vst v0;
	(pc) =	sbr.rel @p0 .LBB2_2-.Ltmp0, $4  }
0x70: {  	s26 =	sor.u32 $0x1C50, s25;
	[tilespmem:s21+$0x10400] =	vst v0  }
0x71: {  	s30 =	sor.u32 $0x1C60, s25;
	[tilespmem:s26+$0x10400] =	vst v0  }
0x72: {  	s13 =	sadd.s32 $0x1, s13;
	s31 =	sor.u32 $0x1C70, s25;
	[tilespmem:s30+$0x10400] =	vst v0  }
0x73: {  	s12 =	sadd.s32 $0x400, s12;
	s23 =	sadd.s32 $0x80, s23;
	s22 =	sadd.s32 $0x400, s22;
	[tilespmem:s31+$0x10400] =	vst v0  }
0x74: {  	s12 =	rddreg [dreg:$0x4];
	s13 =	simm.s32 $0x10000;
	s0 =	simm.s32 $0x9  }
0x75: {  	[tilespmem:s13], [sflag:$0x9] =	stream.linear.gather [hbm4b:s12+s3], $0x200, $0x38;
	[tilespmem:$0x18400] =	vst v63  }
0x76: {  	_ =	swait.ge [sflag:s0], $0x200  }
0x77: {  	[sflag:s0] =	ssyncset.done $0x0  }
0x78: {  	s26 =	simm.s32 $0x10200;
	s25 =	rddreg [dreg:$0x5];
	[sflag:s0] =	ssyncadd.s32 $0xFFFFFE00  }
0x79: {  	[tilespmem:s26], [sflag:$0x9] =	stream.linear.gather [hbm4b:s25+s3], $0x200, $0x38;
	[tilespmem:$0x18400] =	vst v63  }
0x7a: {  	_ =	swait.ge [sflag:s0], $0x200  }
0x7b: {  	[sflag:s0] =	ssyncset.done $0x0  }
0x7c: {  	s30 =	rddreg [dreg:$0x6];
	[sflag:s0] =	ssyncadd.s32 $0xFFFFFE00  }
0x7d: {  	[hbm4b:s30+s3] =	stream.linear.scatter [tilespmem:s18], [sflag:$0x1], $0x8000, $0x38;
	[tilespmem:$0x18400] =	vst v63  }
0x7e: {  	s31 =	rddreg [dreg:$0x7]  }
0x7f: {  	[hbm4b:s31+s3] =	stream.linear.scatter [tilespmem:s18], [sflag:$0x1], $0x8000, $0x38;
	[tilespmem:$0x18400] =	vst v63  }
0x80: {  	s0 =	rddreg [dreg:$0x8]  }
0x81: {  	[hbm4b:s0+s3] =	stream.linear.scatter [tilespmem:s18], [sflag:$0x1], $0x8000, $0x38;
	[tilespmem:$0x18400] =	vst v63  }
0x82: {  	s1 =	rddreg [dreg:$0x9]  }
0x83: {  	[hbm4b:s1+s3] =	stream.linear.scatter [tilespmem:s18], [sflag:$0x1], $0x8000, $0x38;
	[tilespmem:$0x18400] =	vst v63  }
0x84: {  	s4 =	rddreg [dreg:$0xa]  }
0x85: {  	[hbm4b:s4+s3] =	stream.linear.scatter [tilespmem:s18], [sflag:$0x1], $0x8000, $0x38;
	[tilespmem:$0x18400] =	vst v63  }
0x86: {  	s5 =	rddreg [dreg:$0xf]  }
0x87: {  	[hbm4b:s5+s3] =	stream.linear.scatter [tilespmem:s18], [sflag:$0x1], $0x8000, $0x38;
	[tilespmem:$0x18400] =	vst v63  }
0x88: {  	s8 =	rddreg [dreg:$0x10]  }
0x89: {  	[hbm4b:s8+s3] =	stream.linear.scatter [tilespmem:s18], [sflag:$0x1], $0x8000, $0x38;
	[tilespmem:$0x18400] =	vst v63  }
0x8a: {  	s10 =	rddreg [dreg:$0x11]  }
0x8b: {  	[hbm4b:s10+s3] =	stream.linear.scatter [tilespmem:s18], [sflag:$0x1], $0x8000, $0x38;
	[tilespmem:$0x18400] =	vst v63  }
0x8c: {  	s11 =	rddreg [dreg:$0xb]  }
0x8d: {  	[tilespmem:s3], [sflag:$0x5] =	stream.linear.gather [hbm4b:s11+s3], $0x8000, $0x38;
	[tilespmem:$0x18400] =	vst v63  }
0x8e: {  	s13 =	rddreg [dreg:$0x12]  }
0x8f: {  	[hbm4b:s13+s3] =	stream.linear.scatter [tilespmem:s18], [sflag:$0x2], $0x8000, $0x38;
	[tilespmem:$0x18400] =	vst v63  }
0x90: {  	s17 =	rddreg [dreg:$0x13]  }
0x91: {  	[hbm4b:s17+s3] =	stream.linear.scatter [tilespmem:s18], [sflag:$0x2], $0x8000, $0x38;
	[tilespmem:$0x18400] =	vst v63  }
0x92: {  	s19 =	rddreg [dreg:$0x14]  }
0x93: {  	[hbm4b:s19+s3] =	stream.linear.scatter [tilespmem:s18], [sflag:$0x2], $0x8000, $0x38;
	[tilespmem:$0x18400] =	vst v63  }
0x94: {  	s20 =	rddreg [dreg:$0x15]  }
0x95: {  	[hbm4b:s20+s3] =	stream.linear.scatter [tilespmem:s18], [sflag:$0x2], $0x8000, $0x38;
	[tilespmem:$0x18400] =	vst v63  }
0x96: {  	s21 =	rddreg [dreg:$0x16]  }
0x97: {  	[hbm4b:s21+s3] =	stream.linear.scatter [tilespmem:s18], [sflag:$0x2], $0x8000, $0x38;
	[tilespmem:$0x18400] =	vst v63  }
0x98: {  	s22 =	rddreg [dreg:$0x17]  }
0x99: {  	[hbm4b:s22+s3] =	stream.linear.scatter [tilespmem:s18], [sflag:$0x2], $0x8000, $0x38;
	[tilespmem:$0x18400] =	vst v63  }
0x9a: {  	s23 =	rddreg [dreg:$0x18]  }
0x9b: {  	[hbm4b:s23+s3] =	stream.linear.scatter [tilespmem:s18], [sflag:$0x2], $0x8000, $0x38;
	[tilespmem:$0x18400] =	vst v63  }
0x9c: {  	s24 =	rddreg [dreg:$0x19]  }
0x9d: {  	[hbm4b:s24+s3] =	stream.linear.scatter [tilespmem:s18], [sflag:$0x2], $0x8000, $0x38;
	[tilespmem:$0x18400] =	vst v63  }
0x9e: {  	s26 =	simm.s32 $0x8000;
	s25 =	rddreg [dreg:$0xc];
	s30 =	simm.s32 $0x1  }
0x9f: {  	[tilespmem:s26], [sflag:$0x6] =	stream.linear.gather [hbm4b:s25+s3], $0x8000, $0x38;
	[tilespmem:$0x18400] =	vst v63  }
0xa0: {  	_ =	swait.ge [sflag:s30], $0x8000  }
0xa1: {  	[sflag:s30] =	ssyncset.done $0x0  }
0xa2: {  	[sflag:s30] =	ssyncadd.s32 $0xFFFF8000  }
0xa3: {  	_ =	swait.ge [sflag:s30], $0x8000  }
0xa4: {  	[sflag:s30] =	ssyncset.done $0x0  }
0xa5: {  	[sflag:s30] =	ssyncadd.s32 $0xFFFF8000  }
0xa6: {  	_ =	swait.ge [sflag:s30], $0x8000  }
0xa7: {  	[sflag:s30] =	ssyncset.done $0x0  }
0xa8: {  	[sflag:s30] =	ssyncadd.s32 $0xFFFF8000  }
0xa9: {  	_ =	swait.ge [sflag:s30], $0x8000  }
0xaa: {  	[sflag:s30] =	ssyncset.done $0x0  }
0xab: {  	[sflag:s30] =	ssyncadd.s32 $0xFFFF8000  }
0xac: {  	_ =	swait.ge [sflag:s30], $0x8000  }
0xad: {  	[sflag:s30] =	ssyncset.done $0x0  }
0xae: {  	[sflag:s30] =	ssyncadd.s32 $0xFFFF8000  }
0xaf: {  	_ =	swait.ge [sflag:s30], $0x8000  }
0xb0: {  	[sflag:s30] =	ssyncset.done $0x0  }
0xb1: {  	[sflag:s30] =	ssyncadd.s32 $0xFFFF8000  }
0xb2: {  	_ =	swait.ge [sflag:s30], $0x8000  }
0xb3: {  	[sflag:s30] =	ssyncset.done $0x0  }
0xb4: {  	[sflag:s30] =	ssyncadd.s32 $0xFFFF8000  }
0xb5: {  	_ =	swait.ge [sflag:s30], $0x8000  }
0xb6: {  	[sflag:s30] =	ssyncset.done $0x0  }
0xb7: {  	s10 =	simm.s32 $0x5;
	[sflag:s30] =	ssyncadd.s32 $0xFFFF8000  }
0xb8: {  	_ =	swait.ge [sflag:s10], $0x8000  }
0xb9: {  	[sflag:s10] =	ssyncset.done $0x0  }
0xba: {  	[sflag:s10] =	ssyncadd.s32 $0xFFFF8000  }
0xbb: {  	v4 =	vld [tilespmem:$0x10000];
	_ =	sdelay $0x4  }
0xbc: {  	v5 =	vshll.u32 v4, $0x3  }
0xbd: {  	v4 =	vand.u32 $0x7, v4;
	v5 =	vand.u32 $0xFFFFFFC0, v5  }
0xbe: {  	v4 =	vor.u32 v4, v5  }
0xbf: {  	v5 =	vperm.xlane v4, v1;
	_ =	sdelay $0x1  }
0xc0: {  	v5 =	vadd.s32 v2, v5;
	_ =	sdelay $0x4  }
0xc1: {  	[hbm4b:s2+s3] =	stream.indirect_vreg.scatter [tilespmem:s3], [sflag:$0x7], $0x80, v5, vm0, $0xb8;
	[tilespmem:$0x18400] =	vst v63  }
0xc2: {  	s31 =	simm.s32 $0x800;
	v4 =	vperm.xlane v4, v3  }
0xc3: {  	[hbm4b:s14+s3] =	stream.indirect_vreg.scatter [tilespmem:s31], [sflag:$0x7], $0x80, v5, vm0, $0xb8;
	[tilespmem:$0x18400] =	vst v63  }
0xc4: {  	s1 =	simm.s32 $0x1000;
	v4 =	vadd.s32 v2, v4  }
0xc5: {  	[hbm4b:s15+s3] =	stream.indirect_vreg.scatter [tilespmem:s1], [sflag:$0x7], $0x80, v5, vm0, $0xb8;
	[tilespmem:$0x18400] =	vst v63  }
0xc6: {  	s4 =	simm.s32 $0x1800  }
0xc7: {  	[hbm4b:s16+s3] =	stream.indirect_vreg.scatter [tilespmem:s4], [sflag:$0x7], $0x80, v5, vm0, $0xb8;
	[tilespmem:$0x18400] =	vst v63  }
0xc8: {  	s5 =	simm.s32 $0x2000  }
0xc9: {  	[hbm4b:s2+s3] =	stream.indirect_vreg.scatter [tilespmem:s5], [sflag:$0x7], $0x80, v4, vm0, $0xb8;
	[tilespmem:$0x18400] =	vst v63  }
0xca: {  	s8 =	simm.s32 $0x2800  }
0xcb: {  	[hbm4b:s14+s3] =	stream.indirect_vreg.scatter [tilespmem:s8], [sflag:$0x7], $0x80, v4, vm0, $0xb8;
	[tilespmem:$0x18400] =	vst v63  }
0xcc: {  	s11 =	simm.s32 $0x3000  }
0xcd: {  	[hbm4b:s15+s3] =	stream.indirect_vreg.scatter [tilespmem:s11], [sflag:$0x7], $0x80, v4, vm0, $0xb8;
	[tilespmem:$0x18400] =	vst v63  }
0xce: {  	s17 =	simm.s32 $0x3800  }
0xcf: {  	[hbm4b:s16+s3] =	stream.indirect_vreg.scatter [tilespmem:s17], [sflag:$0x7], $0x80, v4, vm0, $0xb8;
	[tilespmem:$0x18400] =	vst v63  }
0xd0: {  	v4 =	vld [tilespmem:$0x10010];
	_ =	sdelay $0x4  }
0xd1: {  	v5 =	vshll.u32 v4, $0x3  }
0xd2: {  	v4 =	vand.u32 $0x7, v4;
	v5 =	vand.u32 $0xFFFFFFC0, v5  }
0xd3: {  	v4 =	vor.u32 v4, v5  }
0xd4: {  	v5 =	vperm.xlane v4, v1;
	_ =	sdelay $0x1  }
0xd5: {  	v5 =	vadd.s32 v2, v5;
	_ =	sdelay $0x3  }
0xd6: {  	s19 =	simm.s32 $0x4000  }
0xd7: {  	[hbm4b:s2+s3] =	stream.indirect_vreg.scatter [tilespmem:s19], [sflag:$0x7], $0x80, v5, vm0, $0xb8;
	[tilespmem:$0x18400] =	vst v63  }
0xd8: {  	s20 =	simm.s32 $0x4800;
	v4 =	vperm.xlane v4, v3  }
0xd9: {  	[hbm4b:s14+s3] =	stream.indirect_vreg.scatter [tilespmem:s20], [sflag:$0x7], $0x80, v5, vm0, $0xb8;
	[tilespmem:$0x18400] =	vst v63  }
0xda: {  	s21 =	simm.s32 $0x5000;
	v4 =	vadd.s32 v2, v4  }
0xdb: {  	[hbm4b:s15+s3] =	stream.indirect_vreg.scatter [tilespmem:s21], [sflag:$0x7], $0x80, v5, vm0, $0xb8;
	[tilespmem:$0x18400] =	vst v63  }
0xdc: {  	s22 =	simm.s32 $0x5800  }
0xdd: {  	[hbm4b:s16+s3] =	stream.indirect_vreg.scatter [tilespmem:s22], [sflag:$0x7], $0x80, v5, vm0, $0xb8;
	[tilespmem:$0x18400] =	vst v63  }
0xde: {  	s23 =	simm.s32 $0x6000  }
0xdf: {  	[hbm4b:s2+s3] =	stream.indirect_vreg.scatter [tilespmem:s23], [sflag:$0x7], $0x80, v4, vm0, $0xb8;
	[tilespmem:$0x18400] =	vst v63  }
0xe0: {  	s24 =	simm.s32 $0x6800  }
0xe1: {  	[hbm4b:s14+s3] =	stream.indirect_vreg.scatter [tilespmem:s24], [sflag:$0x7], $0x80, v4, vm0, $0xb8;
	[tilespmem:$0x18400] =	vst v63  }
0xe2: {  	s26 =	simm.s32 $0x7000  }
0xe3: {  	[hbm4b:s15+s3] =	stream.indirect_vreg.scatter [tilespmem:s26], [sflag:$0x7], $0x80, v4, vm0, $0xb8;
	[tilespmem:$0x18400] =	vst v63  }
0xe4: {  	s30 =	simm.s32 $0x7800  }
0xe5: {  	[hbm4b:s16+s3] =	stream.indirect_vreg.scatter [tilespmem:s30], [sflag:$0x7], $0x80, v4, vm0, $0xb8;
	[tilespmem:$0x18400] =	vst v63  }
0xe6: {  	v4 =	vld [tilespmem:$0x10200];
	_ =	sdelay $0x4  }
0xe7: {  	v5 =	vshll.u32 v4, $0x3  }
0xe8: {  	v4 =	vand.u32 $0x7, v4;
	v5 =	vand.u32 $0xFFFFFFC0, v5  }
0xe9: {  	v4 =	vor.u32 v4, v5  }
0xea: {  	v5 =	vperm.xlane v4, v1;
	_ =	sdelay $0x1  }
0xeb: {  	v5 =	vadd.s32 v2, v5;
	_ =	sdelay $0x4  }
0xec: {  	[hbm4b:s2+s3] =	stream.indirect_vreg.scatter [tilespmem:s3], [sflag:$0x7], $0x80, v5, vm0, $0xb8;
	[tilespmem:$0x18400] =	vst v63  }
0xed: {  	s25 =	simm.s32 $0x800;
	v4 =	vperm.xlane v4, v3  }
0xee: {  	[hbm4b:s14+s3] =	stream.indirect_vreg.scatter [tilespmem:s25], [sflag:$0x7], $0x80, v5, vm0, $0xb8;
	[tilespmem:$0x18400] =	vst v63  }
0xef: {  	s1 =	simm.s32 $0x1000;
	v4 =	vadd.s32 v2, v4  }
0xf0: {  	[hbm4b:s15+s3] =	stream.indirect_vreg.scatter [tilespmem:s1], [sflag:$0x7], $0x80, v5, vm0, $0xb8;
	[tilespmem:$0x18400] =	vst v63  }
0xf1: {  	s4 =	simm.s32 $0x1800  }
0xf2: {  	[hbm4b:s16+s3] =	stream.indirect_vreg.scatter [tilespmem:s4], [sflag:$0x7], $0x80, v5, vm0, $0xb8;
	[tilespmem:$0x18400] =	vst v63  }
0xf3: {  	s12 =	simm.s32 $0x2000  }
0xf4: {  	[hbm4b:s2+s3] =	stream.indirect_vreg.scatter [tilespmem:s12], [sflag:$0x7], $0x80, v4, vm0, $0xb8;
	[tilespmem:$0x18400] =	vst v63  }
0xf5: {  	s13 =	simm.s32 $0x2800  }
0xf6: {  	[hbm4b:s14+s3] =	stream.indirect_vreg.scatter [tilespmem:s13], [sflag:$0x7], $0x80, v4, vm0, $0xb8;
	[tilespmem:$0x18400] =	vst v63  }
0xf7: {  	s5 =	simm.s32 $0x3000  }
0xf8: {  	[hbm4b:s15+s3] =	stream.indirect_vreg.scatter [tilespmem:s5], [sflag:$0x7], $0x80, v4, vm0, $0xb8;
	[tilespmem:$0x18400] =	vst v63  }
0xf9: {  	s17 =	simm.s32 $0x3800  }
0xfa: {  	[hbm4b:s16+s3] =	stream.indirect_vreg.scatter [tilespmem:s17], [sflag:$0x7], $0x80, v4, vm0, $0xb8;
	[tilespmem:$0x18400] =	vst v63  }
0xfb: {  	v4 =	vld [tilespmem:$0x10210];
	_ =	sdelay $0x4  }
0xfc: {  	v5 =	vshll.u32 v4, $0x3  }
0xfd: {  	v4 =	vand.u32 $0x7, v4;
	v5 =	vand.u32 $0xFFFFFFC0, v5  }
0xfe: {  	v4 =	vor.u32 v4, v5  }
0xff: {  	v5 =	vperm.xlane v4, v1;
	_ =	sdelay $0x1  }
0x100: {  	v5 =	vadd.s32 v2, v5;
	_ =	sdelay $0x3  }
0x101: {  	s19 =	simm.s32 $0x4000  }
0x102: {  	[hbm4b:s2+s3] =	stream.indirect_vreg.scatter [tilespmem:s19], [sflag:$0x7], $0x80, v5, vm0, $0xb8;
	[tilespmem:$0x18400] =	vst v63  }
0x103: {  	s20 =	simm.s32 $0x4800;
	v4 =	vperm.xlane v4, v3  }
0x104: {  	[hbm4b:s14+s3] =	stream.indirect_vreg.scatter [tilespmem:s20], [sflag:$0x7], $0x80, v5, vm0, $0xb8;
	[tilespmem:$0x18400] =	vst v63  }
0x105: {  	s8 =	simm.s32 $0x5000;
	v4 =	vadd.s32 v2, v4  }
0x106: {  	[hbm4b:s15+s3] =	stream.indirect_vreg.scatter [tilespmem:s8], [sflag:$0x7], $0x80, v5, vm0, $0xb8;
	[tilespmem:$0x18400] =	vst v63  }
0x107: {  	s11 =	simm.s32 $0x5800  }
0x108: {  	[hbm4b:s16+s3] =	stream.indirect_vreg.scatter [tilespmem:s11], [sflag:$0x7], $0x80, v5, vm0, $0xb8;
	[tilespmem:$0x18400] =	vst v63  }
0x109: {  	s22 =	simm.s32 $0x6000  }
0x10a: {  	[hbm4b:s2+s3] =	stream.indirect_vreg.scatter [tilespmem:s22], [sflag:$0x7], $0x80, v4, vm0, $0xb8;
	[tilespmem:$0x18400] =	vst v63  }
0x10b: {  	s23 =	simm.s32 $0x6800  }
0x10c: {  	[hbm4b:s14+s3] =	stream.indirect_vreg.scatter [tilespmem:s23], [sflag:$0x7], $0x80, v4, vm0, $0xb8;
	[tilespmem:$0x18400] =	vst v63  }
0x10d: {  	s24 =	simm.s32 $0x7000  }
0x10e: {  	[hbm4b:s15+s3] =	stream.indirect_vreg.scatter [tilespmem:s24], [sflag:$0x7], $0x80, v4, vm0, $0xb8;
	[tilespmem:$0x18400] =	vst v63  }
0x10f: {  	s31 =	simm.s32 $0x7800;
	s21 =	rddreg [dreg:$0x1a]  }
0x110: {  	[hbm4b:s16+s3] =	stream.indirect_vreg.scatter [tilespmem:s31], [sflag:$0x7], $0x80, v4, vm0, $0xb8;
	[tilespmem:$0x18400] =	vst v63  }
0x111: {  	s26 =	rddreg [dreg:$0x1f]  }
0x112: {  	[hbm4b:s21+s3] =	stream.linear.scatter [tilespmem:s18], [sflag:$0x3], $0x8000, $0x38;
	[tilespmem:$0x18400] =	vst v63  }
0x113: {  	s22 =	rddreg [dreg:$0x1b]  }
0x114: {  	[hbm4b:s22+s3] =	stream.linear.scatter [tilespmem:s18], [sflag:$0x3], $0x8000, $0x38;
	[tilespmem:$0x18400] =	vst v63  }
0x115: {  	s23 =	rddreg [dreg:$0x1c]  }
0x116: {  	[hbm4b:s23+s3] =	stream.linear.scatter [tilespmem:s18], [sflag:$0x3], $0x8000, $0x38;
	[tilespmem:$0x18400] =	vst v63  }
0x117: {  	s24 =	rddreg [dreg:$0x1d]  }
0x118: {  	[hbm4b:s24+s3] =	stream.linear.scatter [tilespmem:s18], [sflag:$0x3], $0x8000, $0x38;
	[tilespmem:$0x18400] =	vst v63  }
0x119: {  	s25 =	rddreg [dreg:$0x1e]  }
0x11a: {  	[hbm4b:s25+s3] =	stream.linear.scatter [tilespmem:s18], [sflag:$0x3], $0x8000, $0x38;
	[tilespmem:$0x18400] =	vst v63  }
0x11b: {  	s30 =	sld [smem:$0x7F3]  }
0x11c: {  	[hbm4b:s26+s3] =	stream.linear.scatter [tilespmem:s18], [sflag:$0x3], $0x8000, $0x38;
	[tilespmem:$0x18400] =	vst v63  }
0x11d: {  	s31 =	sld [smem:$0x7F4]  }
0x11e: {  	[hbm4b:s30+s3] =	stream.linear.scatter [tilespmem:s18], [sflag:$0x3], $0x8000, $0x38;
	[tilespmem:$0x18400] =	vst v63  }
0x11f: {  	s13 =	simm.s32 $0x7  }
0x120: {  	[hbm4b:s31+s3] =	stream.linear.scatter [tilespmem:s18], [sflag:$0x3], $0x8000, $0x38;
	[tilespmem:$0x18400] =	vst v63  }
0x121: {  	_ =	swait.ge [sflag:s13], $0x8000  }
0x122: {  	[sflag:s13] =	ssyncset.done $0x0  }
0x123: {  	[sflag:s13] =	ssyncadd.s32 $0xFFFF8000  }
0x124: {  	_ =	swait.ge [sflag:s13], $0x8000  }
0x125: {  	[sflag:s13] =	ssyncset.done $0x0  }
0x126: {  	s0 =	rddreg [dreg:$0xd];
	[sflag:s13] =	ssyncadd.s32 $0xFFFF8000  }
0x127: {  	[tilespmem:s3], [sflag:$0x5] =	stream.linear.gather [hbm4b:s0+s3], $0x8000, $0x38;
	[tilespmem:$0x18400] =	vst v63  }
0x128: {  	_ =	swait.ge [sflag:s9], $0x8000  }
0x129: {  	[sflag:s9] =	ssyncset.done $0x0  }
0x12a: {  	[sflag:s9] =	ssyncadd.s32 $0xFFFF8000  }
0x12b: {  	_ =	swait.ge [sflag:s9], $0x8000  }
0x12c: {  	[sflag:s9] =	ssyncset.done $0x0  }
0x12d: {  	[sflag:s9] =	ssyncadd.s32 $0xFFFF8000  }
0x12e: {  	_ =	swait.ge [sflag:s9], $0x8000  }
0x12f: {  	[sflag:s9] =	ssyncset.done $0x0  }
0x130: {  	[sflag:s9] =	ssyncadd.s32 $0xFFFF8000  }
0x131: {  	_ =	swait.ge [sflag:s9], $0x8000  }
0x132: {  	[sflag:s9] =	ssyncset.done $0x0  }
0x133: {  	[sflag:s9] =	ssyncadd.s32 $0xFFFF8000  }
0x134: {  	_ =	swait.ge [sflag:s9], $0x8000  }
0x135: {  	[sflag:s9] =	ssyncset.done $0x0  }
0x136: {  	[sflag:s9] =	ssyncadd.s32 $0xFFFF8000  }
0x137: {  	_ =	swait.ge [sflag:s9], $0x8000  }
0x138: {  	[sflag:s9] =	ssyncset.done $0x0  }
0x139: {  	[sflag:s9] =	ssyncadd.s32 $0xFFFF8000  }
0x13a: {  	_ =	swait.ge [sflag:s9], $0x8000  }
0x13b: {  	[sflag:s9] =	ssyncset.done $0x0  }
0x13c: {  	[sflag:s9] =	ssyncadd.s32 $0xFFFF8000  }
0x13d: {  	_ =	swait.ge [sflag:s9], $0x8000  }
0x13e: {  	[sflag:s9] =	ssyncset.done $0x0  }
0x13f: {  	s22 =	simm.s32 $0x6;
	[sflag:s9] =	ssyncadd.s32 $0xFFFF8000  }
0x140: {  	_ =	swait.ge [sflag:s22], $0x8000  }
0x141: {  	[sflag:s22] =	ssyncset.done $0x0  }
0x142: {  	[sflag:s22] =	ssyncadd.s32 $0xFFFF8000  }
0x143: {  	v4 =	vld [tilespmem:$0x10080];
	_ =	sdelay $0x4  }
0x144: {  	v5 =	vshll.u32 v4, $0x3  }
0x145: {  	v4 =	vand.u32 $0x7, v4;
	v5 =	vand.u32 $0xFFFFFFC0, v5  }
0x146: {  	v4 =	vor.u32 v4, v5  }
0x147: {  	v5 =	vperm.xlane v4, v1;
	_ =	sdelay $0x1  }
0x148: {  	v5 =	vadd.s32 v2, v5;
	_ =	sdelay $0x3  }
0x149: {  	s12 =	simm.s32 $0x8000  }
0x14a: {  	[hbm4b:s2+s3] =	stream.indirect_vreg.scatter [tilespmem:s12], [sflag:$0x8], $0x80, v5, vm0, $0xb8;
	[tilespmem:$0x18400] =	vst v63  }
0x14b: {  	s1 =	simm.s32 $0x8800;
	v4 =	vperm.xlane v4, v3  }
0x14c: {  	[hbm4b:s14+s3] =	stream.indirect_vreg.scatter [tilespmem:s1], [sflag:$0x8], $0x80, v5, vm0, $0xb8;
	[tilespmem:$0x18400] =	vst v63  }
0x14d: {  	s4 =	simm.s32 $0x9000;
	v4 =	vadd.s32 v2, v4  }
0x14e: {  	[hbm4b:s15+s3] =	stream.indirect_vreg.scatter [tilespmem:s4], [sflag:$0x8], $0x80, v5, vm0, $0xb8;
	[tilespmem:$0x18400] =	vst v63  }
0x14f: {  	s5 =	simm.s32 $0x9800  }
0x150: {  	[hbm4b:s16+s3] =	stream.indirect_vreg.scatter [tilespmem:s5], [sflag:$0x8], $0x80, v5, vm0, $0xb8;
	[tilespmem:$0x18400] =	vst v63  }
0x151: {  	s8 =	simm.s32 $0xA000  }
0x152: {  	[hbm4b:s2+s3] =	stream.indirect_vreg.scatter [tilespmem:s8], [sflag:$0x8], $0x80, v4, vm0, $0xb8;
	[tilespmem:$0x18400] =	vst v63  }
0x153: {  	s11 =	simm.s32 $0xA800  }
0x154: {  	[hbm4b:s14+s3] =	stream.indirect_vreg.scatter [tilespmem:s11], [sflag:$0x8], $0x80, v4, vm0, $0xb8;
	[tilespmem:$0x18400] =	vst v63  }
0x155: {  	s17 =	simm.s32 $0xB000  }
0x156: {  	[hbm4b:s15+s3] =	stream.indirect_vreg.scatter [tilespmem:s17], [sflag:$0x8], $0x80, v4, vm0, $0xb8;
	[tilespmem:$0x18400] =	vst v63  }
0x157: {  	s19 =	simm.s32 $0xB800  }
0x158: {  	[hbm4b:s16+s3] =	stream.indirect_vreg.scatter [tilespmem:s19], [sflag:$0x8], $0x80, v4, vm0, $0xb8;
	[tilespmem:$0x18400] =	vst v63  }
0x159: {  	v4 =	vld [tilespmem:$0x10090];
	_ =	sdelay $0x4  }
0x15a: {  	v5 =	vshll.u32 v4, $0x3  }
0x15b: {  	v4 =	vand.u32 $0x7, v4;
	v5 =	vand.u32 $0xFFFFFFC0, v5  }
0x15c: {  	v4 =	vor.u32 v4, v5  }
0x15d: {  	v5 =	vperm.xlane v4, v1;
	_ =	sdelay $0x1  }
0x15e: {  	v5 =	vadd.s32 v2, v5;
	_ =	sdelay $0x3  }
0x15f: {  	s23 =	simm.s32 $0xC000  }
0x160: {  	[hbm4b:s2+s3] =	stream.indirect_vreg.scatter [tilespmem:s23], [sflag:$0x8], $0x80, v5, vm0, $0xb8;
	[tilespmem:$0x18400] =	vst v63  }
0x161: {  	s24 =	simm.s32 $0xC800;
	v4 =	vperm.xlane v4, v3  }
0x162: {  	[hbm4b:s14+s3] =	stream.indirect_vreg.scatter [tilespmem:s24], [sflag:$0x8], $0x80, v5, vm0, $0xb8;
	[tilespmem:$0x18400] =	vst v63  }
0x163: {  	s25 =	simm.s32 $0xD000;
	v4 =	vadd.s32 v2, v4  }
0x164: {  	[hbm4b:s15+s3] =	stream.indirect_vreg.scatter [tilespmem:s25], [sflag:$0x8], $0x80, v5, vm0, $0xb8;
	[tilespmem:$0x18400] =	vst v63  }
0x165: {  	s20 =	simm.s32 $0xD800  }
0x166: {  	[hbm4b:s16+s3] =	stream.indirect_vreg.scatter [tilespmem:s20], [sflag:$0x8], $0x80, v5, vm0, $0xb8;
	[tilespmem:$0x18400] =	vst v63  }
0x167: {  	s21 =	simm.s32 $0xE000  }
0x168: {  	[hbm4b:s2+s3] =	stream.indirect_vreg.scatter [tilespmem:s21], [sflag:$0x8], $0x80, v4, vm0, $0xb8;
	[tilespmem:$0x18400] =	vst v63  }
0x169: {  	s26 =	simm.s32 $0xE800  }
0x16a: {  	[hbm4b:s14+s3] =	stream.indirect_vreg.scatter [tilespmem:s26], [sflag:$0x8], $0x80, v4, vm0, $0xb8;
	[tilespmem:$0x18400] =	vst v63  }
0x16b: {  	s30 =	simm.s32 $0xF000  }
0x16c: {  	[hbm4b:s15+s3] =	stream.indirect_vreg.scatter [tilespmem:s30], [sflag:$0x8], $0x80, v4, vm0, $0xb8;
	[tilespmem:$0x18400] =	vst v63  }
0x16d: {  	s30 =	simm.s32 $0xF800  }
0x16e: {  	[hbm4b:s16+s3] =	stream.indirect_vreg.scatter [tilespmem:s30], [sflag:$0x8], $0x80, v4, vm0, $0xb8;
	[tilespmem:$0x18400] =	vst v63  }
0x16f: {  	v4 =	vld [tilespmem:$0x10280];
	_ =	sdelay $0x4  }
0x170: {  	v5 =	vshll.u32 v4, $0x3  }
0x171: {  	v4 =	vand.u32 $0x7, v4;
	v5 =	vand.u32 $0xFFFFFFC0, v5  }
0x172: {  	v4 =	vor.u32 v4, v5  }
0x173: {  	v5 =	vperm.xlane v4, v1;
	_ =	sdelay $0x1  }
0x174: {  	v5 =	vadd.s32 v2, v5;
	_ =	sdelay $0x4  }
0x175: {  	[hbm4b:s2+s3] =	stream.indirect_vreg.scatter [tilespmem:s12], [sflag:$0x8], $0x80, v5, vm0, $0xb8;
	[tilespmem:$0x18400] =	vst v63  }
0x176: {  	s31 =	simm.s32 $0x8800;
	v4 =	vperm.xlane v4, v3  }
0x177: {  	[hbm4b:s14+s3] =	stream.indirect_vreg.scatter [tilespmem:s31], [sflag:$0x8], $0x80, v5, vm0, $0xb8;
	[tilespmem:$0x18400] =	vst v63  }
0x178: {  	v4 =	vadd.s32 v2, v4  }
0x179: {  	[hbm4b:s15+s3] =	stream.indirect_vreg.scatter [tilespmem:s4], [sflag:$0x8], $0x80, v5, vm0, $0xb8;
	[tilespmem:$0x18400] =	vst v63  }
0x17a: {  	s0 =	simm.s32 $0x9800  }
0x17b: {  	[hbm4b:s16+s3] =	stream.indirect_vreg.scatter [tilespmem:s0], [sflag:$0x8], $0x80, v5, vm0, $0xb8;
	[tilespmem:$0x18400] =	vst v63  }
0x17c: {  	s1 =	simm.s32 $0xA000  }
0x17d: {  	[hbm4b:s2+s3] =	stream.indirect_vreg.scatter [tilespmem:s1], [sflag:$0x8], $0x80, v4, vm0, $0xb8;
	[tilespmem:$0x18400] =	vst v63  }
0x17e: {  	s5 =	simm.s32 $0xA800  }
0x17f: {  	[hbm4b:s14+s3] =	stream.indirect_vreg.scatter [tilespmem:s5], [sflag:$0x8], $0x80, v4, vm0, $0xb8;
	[tilespmem:$0x18400] =	vst v63  }
0x180: {  	s11 =	simm.s32 $0xB000  }
0x181: {  	[hbm4b:s15+s3] =	stream.indirect_vreg.scatter [tilespmem:s11], [sflag:$0x8], $0x80, v4, vm0, $0xb8;
	[tilespmem:$0x18400] =	vst v63  }
0x182: {  	s17 =	simm.s32 $0xB800  }
0x183: {  	[hbm4b:s16+s3] =	stream.indirect_vreg.scatter [tilespmem:s17], [sflag:$0x8], $0x80, v4, vm0, $0xb8;
	[tilespmem:$0x18400] =	vst v63  }
0x184: {  	v4 =	vld [tilespmem:$0x10290];
	_ =	sdelay $0x4  }
0x185: {  	v5 =	vshll.u32 v4, $0x3  }
0x186: {  	v4 =	vand.u32 $0x7, v4;
	v5 =	vand.u32 $0xFFFFFFC0, v5  }
0x187: {  	v4 =	vor.u32 v4, v5  }
0x188: {  	v5 =	vperm.xlane v4, v1;
	_ =	sdelay $0x1  }
0x189: {  	v5 =	vadd.s32 v2, v5;
	_ =	sdelay $0x4  }
0x18a: {  	[hbm4b:s2+s3] =	stream.indirect_vreg.scatter [tilespmem:s23], [sflag:$0x8], $0x80, v5, vm0, $0xb8;
	[tilespmem:$0x18400] =	vst v63  }
0x18b: {  	v4 =	vperm.xlane v4, v3  }
0x18c: {  	[hbm4b:s14+s3] =	stream.indirect_vreg.scatter [tilespmem:s24], [sflag:$0x8], $0x80, v5, vm0, $0xb8;
	[tilespmem:$0x18400] =	vst v63  }
0x18d: {  	v4 =	vadd.s32 v2, v4  }
0x18e: {  	[hbm4b:s15+s3] =	stream.indirect_vreg.scatter [tilespmem:s25], [sflag:$0x8], $0x80, v5, vm0, $0xb8;
	[tilespmem:$0x18400] =	vst v63  }
0x18f: {  	s19 =	simm.s32 $0xD800  }
0x190: {  	[hbm4b:s16+s3] =	stream.indirect_vreg.scatter [tilespmem:s19], [sflag:$0x8], $0x80, v5, vm0, $0xb8;
	[tilespmem:$0x18400] =	vst v63  }
0x191: {  	s20 =	simm.s32 $0xE000  }
0x192: {  	[hbm4b:s2+s3] =	stream.indirect_vreg.scatter [tilespmem:s20], [sflag:$0x8], $0x80, v4, vm0, $0xb8;
	[tilespmem:$0x18400] =	vst v63  }
0x193: {  	s21 =	simm.s32 $0xE800  }
0x194: {  	[hbm4b:s14+s3] =	stream.indirect_vreg.scatter [tilespmem:s21], [sflag:$0x8], $0x80, v4, vm0, $0xb8;
	[tilespmem:$0x18400] =	vst v63  }
0x195: {  	s8 =	simm.s32 $0xF000  }
0x196: {  	[hbm4b:s15+s3] =	stream.indirect_vreg.scatter [tilespmem:s8], [sflag:$0x8], $0x80, v4, vm0, $0xb8;
	[tilespmem:$0x18400] =	vst v63  }
0x197: {  	s30 =	simm.s32 $0xF800;
	s8 =	sld [smem:$0x7FC]  }
0x198: {  	[hbm4b:s16+s3] =	stream.indirect_vreg.scatter [tilespmem:s30], [sflag:$0x8], $0x80, v4, vm0, $0xb8;
	[tilespmem:$0x18400] =	vst v63  }
0x199: {  	s11 =	sld [smem:$0x7F5]  }
0x19a: {  	[hbm4b:s8+s3] =	stream.linear.scatter [tilespmem:s18], [sflag:$0x4], $0x8000, $0x38;
	[tilespmem:$0x18400] =	vst v63  }
0x19b: {  	s17 =	sld [smem:$0x7F6]  }
0x19c: {  	[hbm4b:s11+s3] =	stream.linear.scatter [tilespmem:s18], [sflag:$0x4], $0x8000, $0x38;
	[tilespmem:$0x18400] =	vst v63  }
0x19d: {  	s19 =	sld [smem:$0x7F7]  }
0x19e: {  	[hbm4b:s17+s3] =	stream.linear.scatter [tilespmem:s18], [sflag:$0x4], $0x8000, $0x38;
	[tilespmem:$0x18400] =	vst v63  }
0x19f: {  	s20 =	sld [smem:$0x7F8]  }
0x1a0: {  	[hbm4b:s19+s3] =	stream.linear.scatter [tilespmem:s18], [sflag:$0x4], $0x8000, $0x38;
	[tilespmem:$0x18400] =	vst v63  }
0x1a1: {  	s21 =	sld [smem:$0x7F9]  }
0x1a2: {  	[hbm4b:s20+s3] =	stream.linear.scatter [tilespmem:s18], [sflag:$0x4], $0x8000, $0x38;
	[tilespmem:$0x18400] =	vst v63  }
0x1a3: {  	s30 =	sld [smem:$0x7FA]  }
0x1a4: {  	[hbm4b:s21+s3] =	stream.linear.scatter [tilespmem:s18], [sflag:$0x4], $0x8000, $0x38;
	[tilespmem:$0x18400] =	vst v63  }
0x1a5: {  	s31 =	sld [smem:$0x7FB]  }
0x1a6: {  	[hbm4b:s30+s3] =	stream.linear.scatter [tilespmem:s18], [sflag:$0x4], $0x8000, $0x38;
	[tilespmem:$0x18400] =	vst v63  }
0x1a7: {  	s11 =	simm.s32 $0x8  }
0x1a8: {  	[hbm4b:s31+s3] =	stream.linear.scatter [tilespmem:s18], [sflag:$0x4], $0x8000, $0x38;
	[tilespmem:$0x18400] =	vst v63  }
0x1a9: {  	_ =	swait.ge [sflag:s11], $0x8000  }
0x1aa: {  	[sflag:s11] =	ssyncset.done $0x0  }
0x1ab: {  	[sflag:s11] =	ssyncadd.s32 $0xFFFF8000  }
0x1ac: {  	_ =	swait.ge [sflag:s11], $0x8000  }
0x1ad: {  	[sflag:s11] =	ssyncset.done $0x0  }
0x1ae: {  	s26 =	simm.s32 $0x8000;
	s0 =	rddreg [dreg:$0xe];
	[sflag:s11] =	ssyncadd.s32 $0xFFFF8000  }
0x1af: {  	[tilespmem:s26], [sflag:$0x6] =	stream.linear.gather [hbm4b:s0+s3], $0x8000, $0x38;
	[tilespmem:$0x18400] =	vst v63  }
0x1b0: {  	_ =	swait.ge [sflag:s6], $0x8000  }
0x1b1: {  	[sflag:s6] =	ssyncset.done $0x0  }
0x1b2: {  	[sflag:s6] =	ssyncadd.s32 $0xFFFF8000  }
0x1b3: {  	_ =	swait.ge [sflag:s6], $0x8000  }
0x1b4: {  	[sflag:s6] =	ssyncset.done $0x0  }
0x1b5: {  	[sflag:s6] =	ssyncadd.s32 $0xFFFF8000  }
0x1b6: {  	_ =	swait.ge [sflag:s6], $0x8000  }
0x1b7: {  	[sflag:s6] =	ssyncset.done $0x0  }
0x1b8: {  	[sflag:s6] =	ssyncadd.s32 $0xFFFF8000  }
0x1b9: {  	_ =	swait.ge [sflag:s6], $0x8000  }
0x1ba: {  	[sflag:s6] =	ssyncset.done $0x0  }
0x1bb: {  	[sflag:s6] =	ssyncadd.s32 $0xFFFF8000  }
0x1bc: {  	_ =	swait.ge [sflag:s6], $0x8000  }
0x1bd: {  	[sflag:s6] =	ssyncset.done $0x0  }
0x1be: {  	[sflag:s6] =	ssyncadd.s32 $0xFFFF8000  }
0x1bf: {  	_ =	swait.ge [sflag:s6], $0x8000  }
0x1c0: {  	[sflag:s6] =	ssyncset.done $0x0  }
0x1c1: {  	[sflag:s6] =	ssyncadd.s32 $0xFFFF8000  }
0x1c2: {  	_ =	swait.ge [sflag:s6], $0x8000  }
0x1c3: {  	[sflag:s6] =	ssyncset.done $0x0  }
0x1c4: {  	[sflag:s6] =	ssyncadd.s32 $0xFFFF8000  }
0x1c5: {  	_ =	swait.ge [sflag:s6], $0x8000  }
0x1c6: {  	[sflag:s6] =	ssyncset.done $0x0  }
0x1c7: {  	[sflag:s6] =	ssyncadd.s32 $0xFFFF8000  }
0x1c8: {  	_ =	swait.ge [sflag:s10], $0x8000  }
0x1c9: {  	[sflag:s10] =	ssyncset.done $0x0  }
0x1ca: {  	[sflag:s10] =	ssyncadd.s32 $0xFFFF8000  }
0x1cb: {  	v4 =	vld [tilespmem:$0x10100];
	_ =	sdelay $0x4  }
0x1cc: {  	v5 =	vshll.u32 v4, $0x3  }
0x1cd: {  	v4 =	vand.u32 $0x7, v4;
	v5 =	vand.u32 $0xFFFFFFC0, v5  }
0x1ce: {  	v4 =	vor.u32 v4, v5  }
0x1cf: {  	v5 =	vperm.xlane v4, v1;
	_ =	sdelay $0x1  }
0x1d0: {  	v5 =	vadd.s32 v2, v5;
	_ =	sdelay $0x4  }
0x1d1: {  	[hbm4b:s2+s3] =	stream.indirect_vreg.scatter [tilespmem:s3], [sflag:$0x7], $0x80, v5, vm0, $0xb8;
	[tilespmem:$0x18400] =	vst v63  }
0x1d2: {  	s21 =	simm.s32 $0x800;
	v4 =	vperm.xlane v4, v3  }
0x1d3: {  	[hbm4b:s14+s3] =	stream.indirect_vreg.scatter [tilespmem:s21], [sflag:$0x7], $0x80, v5, vm0, $0xb8;
	[tilespmem:$0x18400] =	vst v63  }
0x1d4: {  	s12 =	simm.s32 $0x1000;
	v4 =	vadd.s32 v2, v4  }
0x1d5: {  	[hbm4b:s15+s3] =	stream.indirect_vreg.scatter [tilespmem:s12], [sflag:$0x7], $0x80, v5, vm0, $0xb8;
	[tilespmem:$0x18400] =	vst v63  }
0x1d6: {  	s8 =	simm.s32 $0x1800  }
0x1d7: {  	[hbm4b:s16+s3] =	stream.indirect_vreg.scatter [tilespmem:s8], [sflag:$0x7], $0x80, v5, vm0, $0xb8;
	[tilespmem:$0x18400] =	vst v63  }
0x1d8: {  	s30 =	simm.s32 $0x2000  }
0x1d9: {  	[hbm4b:s2+s3] =	stream.indirect_vreg.scatter [tilespmem:s30], [sflag:$0x7], $0x80, v4, vm0, $0xb8;
	[tilespmem:$0x18400] =	vst v63  }
0x1da: {  	s31 =	simm.s32 $0x2800  }
0x1db: {  	[hbm4b:s14+s3] =	stream.indirect_vreg.scatter [tilespmem:s31], [sflag:$0x7], $0x80, v4, vm0, $0xb8;
	[tilespmem:$0x18400] =	vst v63  }
0x1dc: {  	s5 =	simm.s32 $0x3000  }
0x1dd: {  	[hbm4b:s15+s3] =	stream.indirect_vreg.scatter [tilespmem:s5], [sflag:$0x7], $0x80, v4, vm0, $0xb8;
	[tilespmem:$0x18400] =	vst v63  }
0x1de: {  	s26 =	simm.s32 $0x3800  }
0x1df: {  	[hbm4b:s16+s3] =	stream.indirect_vreg.scatter [tilespmem:s26], [sflag:$0x7], $0x80, v4, vm0, $0xb8;
	[tilespmem:$0x18400] =	vst v63  }
0x1e0: {  	v4 =	vld [tilespmem:$0x10110];
	_ =	sdelay $0x4  }
0x1e1: {  	v5 =	vshll.u32 v4, $0x3  }
0x1e2: {  	v4 =	vand.u32 $0x7, v4;
	v5 =	vand.u32 $0xFFFFFFC0, v5  }
0x1e3: {  	v4 =	vor.u32 v4, v5  }
0x1e4: {  	v5 =	vperm.xlane v4, v1;
	_ =	sdelay $0x1  }
0x1e5: {  	v5 =	vadd.s32 v2, v5;
	_ =	sdelay $0x4  }
0x1e6: {  	[hbm4b:s2+s3] =	stream.indirect_vreg.scatter [tilespmem:s28], [sflag:$0x7], $0x80, v5, vm0, $0xb8;
	[tilespmem:$0x18400] =	vst v63  }
0x1e7: {  	v4 =	vperm.xlane v4, v3  }
0x1e8: {  	[hbm4b:s14+s3] =	stream.indirect_vreg.scatter [tilespmem:s29], [sflag:$0x7], $0x80, v5, vm0, $0xb8;
	[tilespmem:$0x18400] =	vst v63  }
0x1e9: {  	s0 =	simm.s32 $0x5000;
	v4 =	vadd.s32 v2, v4  }
0x1ea: {  	[hbm4b:s15+s3] =	stream.indirect_vreg.scatter [tilespmem:s0], [sflag:$0x7], $0x80, v5, vm0, $0xb8;
	[tilespmem:$0x18400] =	vst v63  }
0x1eb: {  	s1 =	simm.s32 $0x5800  }
0x1ec: {  	[hbm4b:s16+s3] =	stream.indirect_vreg.scatter [tilespmem:s1], [sflag:$0x7], $0x80, v5, vm0, $0xb8;
	[tilespmem:$0x18400] =	vst v63  }
0x1ed: {  	s20 =	simm.s32 $0x6000  }
0x1ee: {  	[hbm4b:s2+s3] =	stream.indirect_vreg.scatter [tilespmem:s20], [sflag:$0x7], $0x80, v4, vm0, $0xb8;
	[tilespmem:$0x18400] =	vst v63  }
0x1ef: {  	s17 =	simm.s32 $0x6800  }
0x1f0: {  	[hbm4b:s14+s3] =	stream.indirect_vreg.scatter [tilespmem:s17], [sflag:$0x7], $0x80, v4, vm0, $0xb8;
	[tilespmem:$0x18400] =	vst v63  }
0x1f1: {  	s19 =	simm.s32 $0x7000  }
0x1f2: {  	[hbm4b:s15+s3] =	stream.indirect_vreg.scatter [tilespmem:s19], [sflag:$0x7], $0x80, v4, vm0, $0xb8;
	[tilespmem:$0x18400] =	vst v63  }
0x1f3: {  	s10 =	simm.s32 $0x7800  }
0x1f4: {  	[hbm4b:s16+s3] =	stream.indirect_vreg.scatter [tilespmem:s10], [sflag:$0x7], $0x80, v4, vm0, $0xb8;
	[tilespmem:$0x18400] =	vst v63  }
0x1f5: {  	v4 =	vld [tilespmem:$0x10300];
	_ =	sdelay $0x4  }
0x1f6: {  	v5 =	vshll.u32 v4, $0x3  }
0x1f7: {  	v4 =	vand.u32 $0x7, v4;
	v5 =	vand.u32 $0xFFFFFFC0, v5  }
0x1f8: {  	v4 =	vor.u32 v4, v5  }
0x1f9: {  	v5 =	vperm.xlane v4, v1;
	_ =	sdelay $0x1  }
0x1fa: {  	v5 =	vadd.s32 v2, v5;
	_ =	sdelay $0x4  }
0x1fb: {  	[hbm4b:s2+s3] =	stream.indirect_vreg.scatter [tilespmem:s3], [sflag:$0x7], $0x80, v5, vm0, $0xb8;
	[tilespmem:$0x18400] =	vst v63  }
0x1fc: {  	v4 =	vperm.xlane v4, v3  }
0x1fd: {  	[hbm4b:s14+s3] =	stream.indirect_vreg.scatter [tilespmem:s21], [sflag:$0x7], $0x80, v5, vm0, $0xb8;
	[tilespmem:$0x18400] =	vst v63  }
0x1fe: {  	v4 =	vadd.s32 v2, v4  }
0x1ff: {  	[hbm4b:s15+s3] =	stream.indirect_vreg.scatter [tilespmem:s12], [sflag:$0x7], $0x80, v5, vm0, $0xb8;
	[tilespmem:$0x18400] =	vst v63  }
0x200: {  	_ = 	snop  }
0x201: {  	[hbm4b:s16+s3] =	stream.indirect_vreg.scatter [tilespmem:s8], [sflag:$0x7], $0x80, v5, vm0, $0xb8;
	[tilespmem:$0x18400] =	vst v63  }
0x202: {  	_ = 	snop  }
0x203: {  	[hbm4b:s2+s3] =	stream.indirect_vreg.scatter [tilespmem:s30], [sflag:$0x7], $0x80, v4, vm0, $0xb8;
	[tilespmem:$0x18400] =	vst v63  }
0x204: {  	_ = 	snop  }
0x205: {  	[hbm4b:s14+s3] =	stream.indirect_vreg.scatter [tilespmem:s31], [sflag:$0x7], $0x80, v4, vm0, $0xb8;
	[tilespmem:$0x18400] =	vst v63  }
0x206: {  	_ = 	snop  }
0x207: {  	[hbm4b:s15+s3] =	stream.indirect_vreg.scatter [tilespmem:s5], [sflag:$0x7], $0x80, v4, vm0, $0xb8;
	[tilespmem:$0x18400] =	vst v63  }
0x208: {  	_ = 	snop  }
0x209: {  	[hbm4b:s16+s3] =	stream.indirect_vreg.scatter [tilespmem:s26], [sflag:$0x7], $0x80, v4, vm0, $0xb8;
	[tilespmem:$0x18400] =	vst v63  }
0x20a: {  	v4 =	vld [tilespmem:$0x10310];
	_ =	sdelay $0x4  }
0x20b: {  	v5 =	vshll.u32 v4, $0x3  }
0x20c: {  	v4 =	vand.u32 $0x7, v4;
	v5 =	vand.u32 $0xFFFFFFC0, v5  }
0x20d: {  	v4 =	vor.u32 v4, v5  }
0x20e: {  	v5 =	vperm.xlane v4, v1;
	_ =	sdelay $0x1  }
0x20f: {  	v5 =	vadd.s32 v2, v5;
	_ =	sdelay $0x4  }
0x210: {  	[hbm4b:s2+s3] =	stream.indirect_vreg.scatter [tilespmem:s28], [sflag:$0x7], $0x80, v5, vm0, $0xb8;
	[tilespmem:$0x18400] =	vst v63  }
0x211: {  	v4 =	vperm.xlane v4, v3  }
0x212: {  	[hbm4b:s14+s3] =	stream.indirect_vreg.scatter [tilespmem:s29], [sflag:$0x7], $0x80, v5, vm0, $0xb8;
	[tilespmem:$0x18400] =	vst v63  }
0x213: {  	v4 =	vadd.s32 v2, v4  }
0x214: {  	[hbm4b:s15+s3] =	stream.indirect_vreg.scatter [tilespmem:s0], [sflag:$0x7], $0x80, v5, vm0, $0xb8;
	[tilespmem:$0x18400] =	vst v63  }
0x215: {  	_ = 	snop  }
0x216: {  	[hbm4b:s16+s3] =	stream.indirect_vreg.scatter [tilespmem:s1], [sflag:$0x7], $0x80, v5, vm0, $0xb8;
	[tilespmem:$0x18400] =	vst v63  }
0x217: {  	_ = 	snop  }
0x218: {  	[hbm4b:s2+s3] =	stream.indirect_vreg.scatter [tilespmem:s20], [sflag:$0x7], $0x80, v4, vm0, $0xb8;
	[tilespmem:$0x18400] =	vst v63  }
0x219: {  	_ = 	snop  }
0x21a: {  	[hbm4b:s14+s3] =	stream.indirect_vreg.scatter [tilespmem:s17], [sflag:$0x7], $0x80, v4, vm0, $0xb8;
	[tilespmem:$0x18400] =	vst v63  }
0x21b: {  	_ = 	snop  }
0x21c: {  	[hbm4b:s15+s3] =	stream.indirect_vreg.scatter [tilespmem:s19], [sflag:$0x7], $0x80, v4, vm0, $0xb8;
	[tilespmem:$0x18400] =	vst v63  }
0x21d: {  	_ = 	snop  }
0x21e: {  	[hbm4b:s16+s3] =	stream.indirect_vreg.scatter [tilespmem:s10], [sflag:$0x7], $0x80, v4, vm0, $0xb8;
	[tilespmem:$0x18400] =	vst v63  }
0x21f: {  	_ =	swait.ge [sflag:s7], $0x8000  }
0x220: {  	[sflag:s7] =	ssyncset.done $0x0  }
0x221: {  	[sflag:s7] =	ssyncadd.s32 $0xFFFF8000  }
0x222: {  	_ =	swait.ge [sflag:s7], $0x8000  }
0x223: {  	[sflag:s7] =	ssyncset.done $0x0  }
0x224: {  	[sflag:s7] =	ssyncadd.s32 $0xFFFF8000  }
0x225: {  	_ =	swait.ge [sflag:s7], $0x8000  }
0x226: {  	[sflag:s7] =	ssyncset.done $0x0  }
0x227: {  	[sflag:s7] =	ssyncadd.s32 $0xFFFF8000  }
0x228: {  	_ =	swait.ge [sflag:s7], $0x8000  }
0x229: {  	[sflag:s7] =	ssyncset.done $0x0  }
0x22a: {  	[sflag:s7] =	ssyncadd.s32 $0xFFFF8000  }
0x22b: {  	_ =	swait.ge [sflag:s7], $0x8000  }
0x22c: {  	[sflag:s7] =	ssyncset.done $0x0  }
0x22d: {  	[sflag:s7] =	ssyncadd.s32 $0xFFFF8000  }
0x22e: {  	_ =	swait.ge [sflag:s7], $0x8000  }
0x22f: {  	[sflag:s7] =	ssyncset.done $0x0  }
0x230: {  	[sflag:s7] =	ssyncadd.s32 $0xFFFF8000  }
0x231: {  	_ =	swait.ge [sflag:s7], $0x8000  }
0x232: {  	[sflag:s7] =	ssyncset.done $0x0  }
0x233: {  	[sflag:s7] =	ssyncadd.s32 $0xFFFF8000  }
0x234: {  	_ =	swait.ge [sflag:s7], $0x8000  }
0x235: {  	[sflag:s7] =	ssyncset.done $0x0  }
0x236: {  	[sflag:s7] =	ssyncadd.s32 $0xFFFF8000  }
0x237: {  	_ =	swait.ge [sflag:s22], $0x8000  }
0x238: {  	[sflag:s22] =	ssyncset.done $0x0  }
0x239: {  	[sflag:s22] =	ssyncadd.s32 $0xFFFF8000  }
0x23a: {  	v4 =	vld [tilespmem:$0x10180];
	_ =	sdelay $0x4  }
0x23b: {  	v5 =	vshll.u32 v4, $0x3  }
0x23c: {  	v4 =	vand.u32 $0x7, v4;
	v5 =	vand.u32 $0xFFFFFFC0, v5  }
0x23d: {  	v4 =	vor.u32 v4, v5  }
0x23e: {  	v5 =	vperm.xlane v4, v1;
	_ =	sdelay $0x1  }
0x23f: {  	v5 =	vadd.s32 v2, v5;
	_ =	sdelay $0x3  }
0x240: {  	s1 =	simm.s32 $0x8000  }
0x241: {  	[hbm4b:s2+s3] =	stream.indirect_vreg.scatter [tilespmem:s1], [sflag:$0x8], $0x80, v5, vm0, $0xb8;
	[tilespmem:$0x18400] =	vst v63  }
0x242: {  	s5 =	simm.s32 $0x8800;
	v4 =	vperm.xlane v4, v3  }
0x243: {  	[hbm4b:s14+s3] =	stream.indirect_vreg.scatter [tilespmem:s5], [sflag:$0x8], $0x80, v5, vm0, $0xb8;
	[tilespmem:$0x18400] =	vst v63  }
0x244: {  	v4 =	vadd.s32 v2, v4  }
0x245: {  	[hbm4b:s15+s3] =	stream.indirect_vreg.scatter [tilespmem:s4], [sflag:$0x8], $0x80, v5, vm0, $0xb8;
	[tilespmem:$0x18400] =	vst v63  }
0x246: {  	s12 =	simm.s32 $0x9800  }
0x247: {  	[hbm4b:s16+s3] =	stream.indirect_vreg.scatter [tilespmem:s12], [sflag:$0x8], $0x80, v5, vm0, $0xb8;
	[tilespmem:$0x18400] =	vst v63  }
0x248: {  	s17 =	simm.s32 $0xA000  }
0x249: {  	[hbm4b:s2+s3] =	stream.indirect_vreg.scatter [tilespmem:s17], [sflag:$0x8], $0x80, v4, vm0, $0xb8;
	[tilespmem:$0x18400] =	vst v63  }
0x24a: {  	s19 =	simm.s32 $0xA800  }
0x24b: {  	[hbm4b:s14+s3] =	stream.indirect_vreg.scatter [tilespmem:s19], [sflag:$0x8], $0x80, v4, vm0, $0xb8;
	[tilespmem:$0x18400] =	vst v63  }
0x24c: {  	s20 =	simm.s32 $0xB000  }
0x24d: {  	[hbm4b:s15+s3] =	stream.indirect_vreg.scatter [tilespmem:s20], [sflag:$0x8], $0x80, v4, vm0, $0xb8;
	[tilespmem:$0x18400] =	vst v63  }
0x24e: {  	s21 =	simm.s32 $0xB800  }
0x24f: {  	[hbm4b:s16+s3] =	stream.indirect_vreg.scatter [tilespmem:s21], [sflag:$0x8], $0x80, v4, vm0, $0xb8;
	[tilespmem:$0x18400] =	vst v63  }
0x250: {  	v4 =	vld [tilespmem:$0x10190];
	_ =	sdelay $0x4  }
0x251: {  	v5 =	vshll.u32 v4, $0x3  }
0x252: {  	v4 =	vand.u32 $0x7, v4;
	v5 =	vand.u32 $0xFFFFFFC0, v5  }
0x253: {  	v4 =	vor.u32 v4, v5  }
0x254: {  	v5 =	vperm.xlane v4, v1;
	_ =	sdelay $0x1  }
0x255: {  	v5 =	vadd.s32 v2, v5;
	_ =	sdelay $0x4  }
0x256: {  	[hbm4b:s2+s3] =	stream.indirect_vreg.scatter [tilespmem:s23], [sflag:$0x8], $0x80, v5, vm0, $0xb8;
	[tilespmem:$0x18400] =	vst v63  }
0x257: {  	v4 =	vperm.xlane v4, v3  }
0x258: {  	[hbm4b:s14+s3] =	stream.indirect_vreg.scatter [tilespmem:s24], [sflag:$0x8], $0x80, v5, vm0, $0xb8;
	[tilespmem:$0x18400] =	vst v63  }
0x259: {  	v4 =	vadd.s32 v2, v4  }
0x25a: {  	[hbm4b:s15+s3] =	stream.indirect_vreg.scatter [tilespmem:s25], [sflag:$0x8], $0x80, v5, vm0, $0xb8;
	[tilespmem:$0x18400] =	vst v63  }
0x25b: {  	s22 =	simm.s32 $0xD800  }
0x25c: {  	[hbm4b:s16+s3] =	stream.indirect_vreg.scatter [tilespmem:s22], [sflag:$0x8], $0x80, v5, vm0, $0xb8;
	[tilespmem:$0x18400] =	vst v63  }
0x25d: {  	s0 =	simm.s32 $0xE000  }
0x25e: {  	[hbm4b:s2+s3] =	stream.indirect_vreg.scatter [tilespmem:s0], [sflag:$0x8], $0x80, v4, vm0, $0xb8;
	[tilespmem:$0x18400] =	vst v63  }
0x25f: {  	s8 =	simm.s32 $0xE800  }
0x260: {  	[hbm4b:s14+s3] =	stream.indirect_vreg.scatter [tilespmem:s8], [sflag:$0x8], $0x80, v4, vm0, $0xb8;
	[tilespmem:$0x18400] =	vst v63  }
0x261: {  	s30 =	simm.s32 $0xF000  }
0x262: {  	[hbm4b:s15+s3] =	stream.indirect_vreg.scatter [tilespmem:s30], [sflag:$0x8], $0x80, v4, vm0, $0xb8;
	[tilespmem:$0x18400] =	vst v63  }
0x263: {  	s31 =	simm.s32 $0xF800  }
0x264: {  	[hbm4b:s16+s3] =	stream.indirect_vreg.scatter [tilespmem:s31], [sflag:$0x8], $0x80, v4, vm0, $0xb8;
	[tilespmem:$0x18400] =	vst v63  }
0x265: {  	v4 =	vld [tilespmem:$0x10380];
	_ =	sdelay $0x4  }
0x266: {  	v5 =	vshll.u32 v4, $0x3  }
0x267: {  	v4 =	vand.u32 $0x7, v4;
	v5 =	vand.u32 $0xFFFFFFC0, v5  }
0x268: {  	v4 =	vor.u32 v4, v5  }
0x269: {  	v5 =	vperm.xlane v4, v1;
	_ =	sdelay $0x1  }
0x26a: {  	v5 =	vadd.s32 v2, v5;
	_ =	sdelay $0x4  }
0x26b: {  	[hbm4b:s2+s3] =	stream.indirect_vreg.scatter [tilespmem:s1], [sflag:$0x8], $0x80, v5, vm0, $0xb8;
	[tilespmem:$0x18400] =	vst v63  }
0x26c: {  	v4 =	vperm.xlane v4, v3  }
0x26d: {  	[hbm4b:s14+s3] =	stream.indirect_vreg.scatter [tilespmem:s5], [sflag:$0x8], $0x80, v5, vm0, $0xb8;
	[tilespmem:$0x18400] =	vst v63  }
0x26e: {  	v4 =	vadd.s32 v2, v4  }
0x26f: {  	[hbm4b:s15+s3] =	stream.indirect_vreg.scatter [tilespmem:s4], [sflag:$0x8], $0x80, v5, vm0, $0xb8;
	[tilespmem:$0x18400] =	vst v63  }
0x270: {  	_ = 	snop  }
0x271: {  	[hbm4b:s16+s3] =	stream.indirect_vreg.scatter [tilespmem:s12], [sflag:$0x8], $0x80, v5, vm0, $0xb8;
	[tilespmem:$0x18400] =	vst v63  }
0x272: {  	_ = 	snop  }
0x273: {  	[hbm4b:s2+s3] =	stream.indirect_vreg.scatter [tilespmem:s17], [sflag:$0x8], $0x80, v4, vm0, $0xb8;
	[tilespmem:$0x18400] =	vst v63  }
0x274: {  	_ = 	snop  }
0x275: {  	[hbm4b:s14+s3] =	stream.indirect_vreg.scatter [tilespmem:s19], [sflag:$0x8], $0x80, v4, vm0, $0xb8;
	[tilespmem:$0x18400] =	vst v63  }
0x276: {  	_ = 	snop  }
0x277: {  	[hbm4b:s15+s3] =	stream.indirect_vreg.scatter [tilespmem:s20], [sflag:$0x8], $0x80, v4, vm0, $0xb8;
	[tilespmem:$0x18400] =	vst v63  }
0x278: {  	_ = 	snop  }
0x279: {  	[hbm4b:s16+s3] =	stream.indirect_vreg.scatter [tilespmem:s21], [sflag:$0x8], $0x80, v4, vm0, $0xb8;
	[tilespmem:$0x18400] =	vst v63  }
0x27a: {  	v4 =	vld [tilespmem:$0x10390];
	_ =	sdelay $0x4  }
0x27b: {  	v5 =	vshll.u32 v4, $0x3  }
0x27c: {  	v4 =	vand.u32 $0x7, v4;
	v5 =	vand.u32 $0xFFFFFFC0, v5  }
0x27d: {  	v4 =	vor.u32 v4, v5  }
0x27e: {  	v5 =	vperm.xlane v4, v1;
	_ =	sdelay $0x1  }
0x27f: {  	v5 =	vadd.s32 v2, v5;
	_ =	sdelay $0x4  }
0x280: {  	[hbm4b:s2+s3] =	stream.indirect_vreg.scatter [tilespmem:s23], [sflag:$0x8], $0x80, v5, vm0, $0xb8;
	[tilespmem:$0x18400] =	vst v63  }
0x281: {  	v4 =	vperm.xlane v4, v3  }
0x282: {  	[hbm4b:s14+s3] =	stream.indirect_vreg.scatter [tilespmem:s24], [sflag:$0x8], $0x80, v5, vm0, $0xb8;
	[tilespmem:$0x18400] =	vst v63  }
0x283: {  	v4 =	vadd.s32 v2, v4  }
0x284: {  	[hbm4b:s15+s3] =	stream.indirect_vreg.scatter [tilespmem:s25], [sflag:$0x8], $0x80, v5, vm0, $0xb8;
	[tilespmem:$0x18400] =	vst v63  }
0x285: {  	_ = 	snop  }
0x286: {  	[hbm4b:s16+s3] =	stream.indirect_vreg.scatter [tilespmem:s22], [sflag:$0x8], $0x80, v5, vm0, $0xb8;
	[tilespmem:$0x18400] =	vst v63  }
0x287: {  	_ = 	snop  }
0x288: {  	[hbm4b:s2+s3] =	stream.indirect_vreg.scatter [tilespmem:s0], [sflag:$0x8], $0x80, v4, vm0, $0xb8;
	[tilespmem:$0x18400] =	vst v63  }
0x289: {  	_ = 	snop  }
0x28a: {  	[hbm4b:s14+s3] =	stream.indirect_vreg.scatter [tilespmem:s8], [sflag:$0x8], $0x80, v4, vm0, $0xb8;
	[tilespmem:$0x18400] =	vst v63  }
0x28b: {  	_ = 	snop  }
0x28c: {  	[hbm4b:s15+s3] =	stream.indirect_vreg.scatter [tilespmem:s30], [sflag:$0x8], $0x80, v4, vm0, $0xb8;
	[tilespmem:$0x18400] =	vst v63  }
0x28d: {  	_ = 	snop  }
0x28e: {  	[hbm4b:s16+s3] =	stream.indirect_vreg.scatter [tilespmem:s31], [sflag:$0x8], $0x80, v4, vm0, $0xb8;
	[tilespmem:$0x18400] =	vst v63  }
0x28f: {  	_ =	swait.ge [sflag:s13], $0x8000  }
0x290: {  	[sflag:s13] =	ssyncset.done $0x0  }
0x291: {  	[sflag:s13] =	ssyncadd.s32 $0xFFFF8000  }
0x292: {  	_ =	swait.ge [sflag:s13], $0x8000  }
0x293: {  	[sflag:s13] =	ssyncset.done $0x0  }
0x294: {  	[sflag:s13] =	ssyncadd.s32 $0xFFFF8000  }
0x295: {  	_ =	swait.ge [sflag:s11], $0x8000  }
0x296: {  	[sflag:s11] =	ssyncset.done $0x0  }
0x297: {  	[sflag:s11] =	ssyncadd.s32 $0xFFFF8000  }
0x298: {  	_ =	swait.ge [sflag:s11], $0x8000  }
0x299: {  	s30 =	sld [smem:$0x7F2]  }
0x29a: {  	s31 =	sld [smem:$0x7FD];
	_ =	sdelay $0x1  }
0x29b: {  	s0 =	sadd.s32 $0x1, s30  }
0x29c: {  	p0 =	sne.s32 s0, s31  }
.Ltmp1:
0x29d: {  	_ = 	snop;
	(pc) =	sbr.rel @p0 .LBB2_1-.Ltmp1, $3  }
0x29e: {  	_ =	sdelay $0x1  }
0x29f: {  	[sflag:s11] =	ssyncset.done $0x0  }
0x2a0: {  	[sflag:s11] =	ssyncadd.s32 $0xFFFF8000  }
0x2a1: {  	_ =	sfence.sel $0x180000  }
0x2a2: {  	[bflag:$0x0] =	sbarrier.arrive $0xFFFF  }
0x2a3: {  	_ =	strace $0x90000047  }
0x2a4: {  	s0 =	stileid.u32;
	[bflag:$0x2] =	sbarrier.arrive $0xFFFF  }
0x2a5: {  	p0 =	sne.s32 s0, $0x0;
	s0 =	rddreg [dreg:$0x3]  }
0x2a6: {  	s0 =	sadd.s32 @!p0 $0x100000, s0  }
0x2a7: {  	[sflag:s0] =	ssyncadd.tile.s32 @!p0 $0x1;
	_ =	shalt  }
.Lfunc_end2:
_tile_overlayer_lowered:
.L_overlay_start_2:
0x2a8: {  	(tag) =	ssettag $0x2  }
0x2a9: {  	s0 =	rddreg [dreg:$0x0];
	s2 =	stileid.u32  }
0x2aa: {  	s1 =	rddreg [dreg:$0x1];
	p0 =	sne.s32 s2, $0x0  }
0x2ab: {  	s3 =	rddreg [dreg:$0x2];
	[bflag:$0x3] =	sbarrier.arrive $0xFFFF;
	s2 =	simm.s32 @!p0 $0x1C09  }
0x2ac: {  	[timem:s3], [sflag:s2] =	dma.local @!p0 [hbm:s0], s1  }
0x2ad: {  	s0 =	simm.s32 @!p0 $0x9  }
0x2ae: {  	_ =	swait.ge @!p0 [sflag:s0], s1  }
0x2af: {  	s1 =	ssub.s32 @!p0 $0x0, s1;
	[sflag:s0] =	ssyncset.done @!p0 $0x0  }
0x2b0: {  	[sflag:s0] =	ssyncadd.s32 @!p0 s1  }
0x2b1: {  	[bflag:$0x3] =	sbarrier.arrive $0xFFFF  }
0x2b2: {  	_ =	shalt  }

</sc_bundles>
